<compile_context>
chip_gen: v7x
topology: tpu7x:2x2x1
jax: 0.10.2.dev20260603
libtpu: 0.0.44.dev20260713+nightly
codegen_flags: <defaults>
</compile_context>

<pallas_src>
import functools

import jax
import jax.numpy as jnp
from jax import lax
from jax.experimental import pallas as pl

_H = 4
_HID = 32
_BN = 512
_N = 50000
_NB = (_N + _BN - 1) // _BN
_NPAD = _NB * _BN
_MAXE = 4608
_ETOT = _NB * _MAXE
_BM = 256


def _mm_body(x_ref, w_ref, o_ref):
    o_ref[:] = jnp.dot(x_ref[:], w_ref[:], preferred_element_type=jnp.float32)


def _mm(x, w):
    n, k = x.shape
    k2, f = w.shape
    assert k == k2 and n % _BM == 0
    return pl.pallas_call(
        _mm_body,
        grid=(n // _BM,),
        in_specs=[
            pl.BlockSpec((_BM, k), lambda b: (b, 0)),
            pl.BlockSpec((k, f), lambda b: (0, 0)),
        ],
        out_specs=pl.BlockSpec((_BM, f), lambda b: (b, 0)),
        out_shape=jax.ShapeDtypeStruct((n, f), jnp.float32),
    )(x, w)


def _head_spread():
    col = lax.broadcasted_iota(jnp.int32, (_H, _H * _HID), 1)
    row = lax.broadcasted_iota(jnp.int32, (_H, _H * _HID), 0)
    return jnp.where(col // _HID == row, 1.0, 0.0).astype(jnp.float32)


def _seg_gat_body(m_ref, e_ref, ld_ref, o_ref):
    ldr = ld_ref[0, 0:1, :]
    iota = lax.broadcasted_iota(jnp.int32, (_BN, 1), 0).astype(jnp.float32)
    oht = jnp.where(iota == ldr, 1.0, 0.0)
    e4 = e_ref[:, 0:_H]
    lr = jnp.where(e4 > 0, e4, 0.2 * e4)
    ex = jnp.exp(lr)
    s = _head_spread()
    exw = jnp.dot(ex, s, preferred_element_type=jnp.float32)
    num = jnp.dot(oht, m_ref[:] * exw, preferred_element_type=jnp.float32)
    den = jnp.dot(oht, ex, preferred_element_type=jnp.float32)
    den = jnp.where(den == 0.0, 1.0, den)
    dw = jnp.dot(den, s, preferred_element_type=jnp.float32)
    o_ref[:] = num / dw


def _seg_mean_body(m_ref, ld_ref, o_ref):
    ldr = ld_ref[0, 0:1, :]
    iota = lax.broadcasted_iota(jnp.int32, (_BN, 1), 0).astype(jnp.float32)
    oht = jnp.where(iota == ldr, 1.0, 0.0)
    num = jnp.dot(oht, m_ref[:], preferred_element_type=jnp.float32)
    cnt = jnp.sum(oht, axis=1, keepdims=True)
    o_ref[:] = num / jnp.maximum(cnt, 1.0)


def _seg_gat(msgs, e8, ld3):
    return pl.pallas_call(
        _seg_gat_body,
        grid=(_NB,),
        in_specs=[
            pl.BlockSpec((_MAXE, _H * _HID), lambda b: (b, 0)),
            pl.BlockSpec((_MAXE, 8), lambda b: (b, 0)),
            pl.BlockSpec((1, 8, _MAXE), lambda b: (b, 0, 0)),
        ],
        out_specs=pl.BlockSpec((_BN, _H * _HID), lambda b: (b, 0)),
        out_shape=jax.ShapeDtypeStruct((_NPAD, _H * _HID), jnp.float32),
    )(msgs, e8, ld3)


def _seg_mean(msgs, ld3):
    return pl.pallas_call(
        _seg_mean_body,
        grid=(_NB,),
        in_specs=[
            pl.BlockSpec((_MAXE, _H * _HID), lambda b: (b, 0)),
            pl.BlockSpec((1, 8, _MAXE), lambda b: (b, 0, 0)),
        ],
        out_specs=pl.BlockSpec((_BN, _H * _HID), lambda b: (b, 0)),
        out_shape=jax.ShapeDtypeStruct((_NPAD, _H * _HID), jnp.float32),
    )(msgs, ld3)


def _prep(edge):
    src, dst = edge[0], edge[1]
    e = src.shape[0]
    order = jnp.argsort(dst)
    sdst = dst[order]
    blk = sdst // _BN
    start = jnp.searchsorted(sdst, jnp.arange(_NB, dtype=dst.dtype) * _BN,
                             side='left')
    r = jnp.arange(e, dtype=jnp.int32) - start[blk].astype(jnp.int32)
    slot = jnp.where(r < _MAXE, blk.astype(jnp.int32) * _MAXE + r, _ETOT)
    gidx = jnp.full((_ETOT,), -1, jnp.int32).at[slot].set(
        order.astype(jnp.int32), mode='drop')
    gmax = jnp.maximum(gidx, 0)
    psrc = src[gmax]
    pdst = dst[gmax]
    sblk = jnp.arange(_ETOT, dtype=jnp.int32) // _MAXE
    ld = jnp.where(gidx >= 0, pdst.astype(jnp.int32) - sblk * _BN, -1)
    ld3 = jnp.broadcast_to(
        ld.astype(jnp.float32).reshape(_NB, 1, _MAXE), (_NB, 8, _MAXE))
    return psrc, pdst, ld3


def _gat_conv(h_src, h_dst, ep, p):
    psrc, pdst, ld3 = ep
    fs = _mm(h_src, p['fc'])
    fd = _mm(h_dst, p['fc'])
    el = jnp.sum(fs.reshape(_NPAD, _H, _HID) * p['attn_l'][None], axis=-1)
    er = jnp.sum(fd.reshape(_NPAD, _H, _HID) * p['attn_r'][None], axis=-1)
    e4 = el[psrc] + er[pdst]
    e8 = jnp.pad(e4, ((0, 0), (0, 8 - _H)))
    msgs = fs[psrc]
    out = _seg_gat(msgs, e8, ld3)
    return out + p['bias'][None, :]


def _sage_conv(h_src, h_dst, ep, p):
    psrc, _, ld3 = ep
    h_neigh = _seg_mean(h_src[psrc], ld3)
    xw = jnp.concatenate([h_dst, h_neigh], axis=1)
    ww = jnp.concatenate([p['fc_self'], p['fc_neigh']], axis=0)
    return _mm(xw, ww) + p['bias'][None, :]


def kernel(x_transaction, x_wallet, edge_relates, edge_linked_to,
           edge_linked_to_rev, edge_relates_rev, params):
    nt = x_transaction.shape[0]
    nw = x_wallet.shape[0]
    xt = jnp.pad(x_transaction, ((0, _NPAD - nt), (0, 0)))
    xw = jnp.pad(x_wallet, ((0, _NPAD - nw), (0, 0)))

    ep_rel = _prep(edge_relates)
    ep_lnk = _prep(edge_linked_to)
    ep_lnkr = _prep(edge_linked_to_rev)
    ep_relr = _prep(edge_relates_rev)

    h_tx = jnp.maximum(_mm(xt, params['tx_lin']['w'])
                       + params['tx_lin']['b'][None, :], 0.0)
    h_w = jnp.maximum(_mm(xw, params['w_lin']['w'])
                      + params['w_lin']['b'][None, :], 0.0)

    g_tx = (_gat_conv(h_w, h_tx, ep_rel, params['gat1']['relates'])
            + _gat_conv(h_w, h_tx, ep_lnkr, params['gat1']['linked_to_rev'])) / 2.0
    g_w = (_gat_conv(h_tx, h_w, ep_lnk, params['gat1']['linked_to'])
           + _gat_conv(h_tx, h_w, ep_relr, params['gat1']['relates_rev'])) / 2.0
    h_tx = jnp.maximum(g_tx, 0.0)
    h_w = jnp.maximum(g_w, 0.0)

    s_tx = (_sage_conv(h_w, h_tx, ep_rel, params['sage1']['relates'])
            + _sage_conv(h_w, h_tx, ep_lnkr, params['sage1']['linked_to_rev']))
    s_w = (_sage_conv(h_tx, h_w, ep_lnk, params['sage1']['linked_to'])
           + _sage_conv(h_tx, h_w, ep_relr, params['sage1']['relates_rev']))
    h_tx = jnp.maximum(s_tx, 0.0)
    h_w = jnp.maximum(s_w, 0.0)

    g_tx = (_gat_conv(h_w, h_tx, ep_rel, params['gat2']['relates'])
            + _gat_conv(h_w, h_tx, ep_lnkr, params['gat2']['linked_to_rev'])) / 2.0
    g_w = (_gat_conv(h_tx, h_w, ep_lnk, params['gat2']['linked_to'])
           + _gat_conv(h_tx, h_w, ep_relr, params['gat2']['relates_rev'])) / 2.0
    h_tx = jnp.maximum(g_tx, 0.0)
    h_w = jnp.maximum(g_w, 0.0)

    out_tx = (_sage_conv(h_w, h_tx, ep_rel, params['sage2']['relates'])
              + _sage_conv(h_w, h_tx, ep_lnkr, params['sage2']['linked_to_rev']))
    out_w = (_sage_conv(h_tx, h_w, ep_lnk, params['sage2']['linked_to'])
             + _sage_conv(h_tx, h_w, ep_relr, params['sage2']['relates_rev']))
    return (out_tx[:nt], out_w[:nw])

# --- scband reference (transcript-rebuilt; emitter-appended) ---
"""Pipeline reference for scband-hetero-gnn-30580167147609 (READ-ONLY COPY).

The authoritative reference and input builder live on the scoring server;
editing this copy changes nothing except your own understanding.
"""

import jax, jax.numpy as jnp
import numpy as np

H = 4
HID = 32
NT = 50000
NW = 50000
E = 400000
ETS = ['relates', 'linked_to', 'linked_to_rev', 'relates_rev']

# Hetero graph layout (dst types inferred from out_tx/out_wallet wiring):
#   relates:        wallet -> transaction
#   linked_to:      transaction -> wallet
#   linked_to_rev:  wallet -> transaction
#   relates_rev:    transaction -> wallet

def gat_conv(h_src, h_dst, src, dst, n_dst, p):
    fs = (h_src @ p['fc']).reshape(-1, H, HID)
    fd = (h_dst @ p['fc']).reshape(-1, H, HID)
    el = jnp.sum(fs * p['attn_l'][None], axis=-1)
    er = jnp.sum(fd * p['attn_r'][None], axis=-1)
    e = jax.nn.leaky_relu(el[src] + er[dst], negative_slope=0.2)
    emax = jax.ops.segment_max(e, dst, num_segments=n_dst)
    emax = jnp.where(jnp.isfinite(emax), emax, 0.0)
    ex = jnp.exp(e - emax[dst])
    den = jax.ops.segment_sum(ex, dst, num_segments=n_dst)
    alpha = ex / den[dst]
    rst = jax.ops.segment_sum(alpha[:, :, None] * fs[src], dst, num_segments=n_dst)
    return rst + p['bias'].reshape(1, H, HID)

def sage_conv(h_src, h_dst, src, dst, n_dst, p):
    msum = jax.ops.segment_sum(h_src[src], dst, num_segments=n_dst)
    cnt = jax.ops.segment_sum(jnp.ones((src.shape[0],), h_src.dtype), dst, num_segments=n_dst)
    h_neigh = msum / jnp.maximum(cnt, 1.0)[:, None]
    return h_dst @ p['fc_self'] + h_neigh @ p['fc_neigh'] + p['bias']

def _make_params(key):
    c = [0]
    def nk():
        c[0] += 1
        return jax.random.fold_in(key, c[0])
    def gat_p(din):
        return {'fc': jax.random.normal(nk(), (din, H * HID), jnp.float32) * 0.05,
                'attn_l': jax.random.normal(nk(), (H, HID), jnp.float32) * 0.05,
                'attn_r': jax.random.normal(nk(), (H, HID), jnp.float32) * 0.05,
                'bias': jnp.zeros((H * HID,), jnp.float32)}
    def sage_p(din, dout):
        return {'fc_self': jax.random.normal(nk(), (din, dout), jnp.float32) * 0.05,
                'fc_neigh': jax.random.normal(nk(), (din, dout), jnp.float32) * 0.05,
                'bias': jnp.zeros((dout,), jnp.float32)}
    return {
        'tx_lin': {'w': jax.random.normal(nk(), (128, HID), jnp.float32) * 0.05, 'b': jnp.zeros((HID,), jnp.float32)},
        'w_lin': {'w': jax.random.normal(nk(), (128, HID), jnp.float32) * 0.05, 'b': jnp.zeros((HID,), jnp.float32)},
        'gat1': {et: gat_p(HID) for et in ETS},
        'sage1': {et: sage_p(H * HID, HID) for et in ETS},
        'gat2': {et: gat_p(HID) for et in ETS},
        'sage2': {'relates': sage_p(H * HID, 64), 'linked_to': sage_p(H * HID, 64),
                  'linked_to_rev': sage_p(H * HID, 64), 'relates_rev': sage_p(H * HID, 64)},
    }

def setup_inputs(seed: int = 0):
    key = jax.random.key(seed)
    k = jax.random.split(key, 8)
    inp = {
        'x_transaction': jax.random.normal(k[0], (NT, 128), jnp.float32),
        'x_wallet': jax.random.normal(k[1], (NW, 128), jnp.float32),
        'edge_relates': jax.random.randint(k[2], (2, E), 0, 50000, jnp.int32),
        'edge_linked_to': jax.random.randint(k[3], (2, E), 0, 50000, jnp.int32),
        'edge_linked_to_rev': jax.random.randint(k[4], (2, E), 0, 50000, jnp.int32),
        'edge_relates_rev': jax.random.randint(k[5], (2, E), 0, 50000, jnp.int32),
    }
    inp['params'] = _make_params(jax.random.fold_in(key, 123))
    return inp

def _forward(x_transaction, x_wallet, edge_relates, edge_linked_to, edge_linked_to_rev, edge_relates_rev, params):
    Nt = x_transaction.shape[0]
    Nw = x_wallet.shape[0]
    h_tx = jax.nn.relu(x_transaction @ params['tx_lin']['w'] + params['tx_lin']['b'])
    h_w = jax.nn.relu(x_wallet @ params['w_lin']['w'] + params['w_lin']['b'])
    # gat_conv1, HeteroGraphConv aggregate='mean'
    g_tx = (gat_conv(h_w, h_tx, edge_relates[0], edge_relates[1], Nt, params['gat1']['relates'])
            + gat_conv(h_w, h_tx, edge_linked_to_rev[0], edge_linked_to_rev[1], Nt, params['gat1']['linked_to_rev'])) / 2.0
    g_w = (gat_conv(h_tx, h_w, edge_linked_to[0], edge_linked_to[1], Nw, params['gat1']['linked_to'])
           + gat_conv(h_tx, h_w, edge_relates_rev[0], edge_relates_rev[1], Nw, params['gat1']['relates_rev'])) / 2.0
    h_tx = jax.nn.relu(g_tx.reshape(Nt, -1))
    h_w = jax.nn.relu(g_w.reshape(Nw, -1))
    # sage_conv1, aggregate='sum'
    s_tx = (sage_conv(h_w, h_tx, edge_relates[0], edge_relates[1], Nt, params['sage1']['relates'])
            + sage_conv(h_w, h_tx, edge_linked_to_rev[0], edge_linked_to_rev[1], Nt, params['sage1']['linked_to_rev']))
    s_w = (sage_conv(h_tx, h_w, edge_linked_to[0], edge_linked_to[1], Nw, params['sage1']['linked_to'])
           + sage_conv(h_tx, h_w, edge_relates_rev[0], edge_relates_rev[1], Nw, params['sage1']['relates_rev']))
    h_tx = jax.nn.relu(s_tx)
    h_w = jax.nn.relu(s_w)
    # gat_conv2, aggregate='mean'
    g_tx = (gat_conv(h_w, h_tx, edge_relates[0], edge_relates[1], Nt, params['gat2']['relates'])
            + gat_conv(h_w, h_tx, edge_linked_to_rev[0], edge_linked_to_rev[1], Nt, params['gat2']['linked_to_rev'])) / 2.0
    g_w = (gat_conv(h_tx, h_w, edge_linked_to[0], edge_linked_to[1], Nw, params['gat2']['linked_to'])
           + gat_conv(h_tx, h_w, edge_relates_rev[0], edge_relates_rev[1], Nw, params['gat2']['relates_rev'])) / 2.0
    h_tx = jax.nn.relu(g_tx.reshape(Nt, -1))
    h_w = jax.nn.relu(g_w.reshape(Nw, -1))
    # sage_conv2, aggregate='sum' (no final relu)
    out_tx = (sage_conv(h_w, h_tx, edge_relates[0], edge_relates[1], Nt, params['sage2']['relates'])
              + sage_conv(h_w, h_tx, edge_linked_to_rev[0], edge_linked_to_rev[1], Nt, params['sage2']['linked_to_rev']))
    out_w = (sage_conv(h_tx, h_w, edge_linked_to[0], edge_linked_to[1], Nw, params['sage2']['linked_to'])
             + sage_conv(h_tx, h_w, edge_relates_rev[0], edge_relates_rev[1], Nw, params['sage2']['relates_rev']))
    return (out_tx, out_w)

def reference(x_transaction, x_wallet, edge_relates, edge_linked_to, edge_linked_to_rev, edge_relates_rev, params):
    return _forward(x_transaction, x_wallet, edge_relates, edge_linked_to, edge_linked_to_rev, edge_relates_rev, params)

if __name__ == "__main__":
    import jax
    _d = setup_inputs()
    print(jax.jit(kernel)(*tuple(_d.values())))

</pallas_src>

<mosaic_0001>
module attributes {stable_mosaic.version = 14 : i64} {
  func.func @_mm_body(%arg0: i32, %arg1: memref<256x128xf32, #tpu.memory_space<vmem>>, %arg2: memref<128x32xf32, #tpu.memory_space<vmem>>, %arg3: memref<256x32xf32, #tpu.memory_space<vmem>>) attributes {dimension_semantics = [#tpu.dimension_semantics<arbitrary>], iteration_bounds = array<i64: 196>, scalar_prefetch = 0 : i64, scratch_operands = 0 : i64, tpu.core_type = #tpu.core_type<tc>, window_params = [{transform_indices = @transform_0, window_bounds = array<i64: 256, 128>}, {pipeline_mode = #tpu.pipeline_mode<synchronous>, transform_indices = @transform_1, window_bounds = array<i64: 128, 32>}, {transform_indices = @transform_2, window_bounds = array<i64: 256, 32>}]} {
    %get3A = arith.constant 0 : index
    %get3A_0 = arith.constant 0 : index
    %get3A_1 = vector.load %arg1[%get3A, %get3A_0] : memref<256x128xf32, #tpu.memory_space<vmem>>, vector<256x128xf32>
    %get3A_2 = arith.constant 0 : index
    %get3A_3 = arith.constant 0 : index
    %get3A_4 = vector.load %arg2[%get3A_2, %get3A_3] : memref<128x32xf32, #tpu.memory_space<vmem>>, vector<128x32xf32>
    %dot_general3A = arith.constant dense<0.000000e+00> : vector<256x32xf32>
    %dot_general3A_5 = tpu.matmul %get3A_1, %get3A_4, %dot_general3A {dimension_numbers = #tpu.dot_dimension_numbers<[1], [0], [0], [1], [0, 0, 1, 1], [], []>, transpose_lhs_hint = false} : vector<256x128xf32>, vector<128x32xf32>, vector<256x32xf32> -> vector<256x32xf32>
    %swap3A = arith.constant 0 : index
    %swap3A_6 = arith.constant 0 : index
    %swap3A_7 = vector.load %arg3[%swap3A, %swap3A_6] : memref<256x32xf32, #tpu.memory_space<vmem>>, vector<256x32xf32>
    tpu.vector_store %arg3[%swap3A, %swap3A_6], %dot_general3A_5 {strides = array<i32>} : memref<256x32xf32, #tpu.memory_space<vmem>>, vector<256x32xf32>,
    return
  }
  func.func @transform_0(%arg0: i32) -> (i32, i32) {
    %c0_i32 = arith.constant 0 : i32
    %c0_i32_0 = arith.constant 0 : i32
    return %arg0, %c0_i32 : i32, i32
  }
  func.func @transform_1(%arg0: i32) -> (i32, i32) {
    %c0_i32 = arith.constant 0 : i32
    %c0_i32_0 = arith.constant 0 : i32
    %c0_i32_1 = arith.constant 0 : i32
    return %c0_i32, %c0_i32_0 : i32, i32
  }
  func.func @transform_2(%arg0: i32) -> (i32, i32) {
    %c0_i32 = arith.constant 0 : i32
    %c0_i32_0 = arith.constant 0 : i32
    return %arg0, %c0_i32 : i32, i32
  }
}

module attributes {stable_mosaic.version = 14 : i64} {
  func.func @_mm_body(%arg0: i32, %arg1: memref<256x32xf32, #tpu.memory_space<vmem>>, %arg2: memref<32x128xf32, #tpu.memory_space<vmem>>, %arg3: memref<256x128xf32, #tpu.memory_space<vmem>>) attributes {dimension_semantics = [#tpu.dimension_semantics<arbitrary>], iteration_bounds = array<i64: 196>, scalar_prefetch = 0 : i64, scratch_operands = 0 : i64, tpu.core_type = #tpu.core_type<tc>, window_params = [{transform_indices = @transform_0, window_bounds = array<i64: 256, 32>}, {pipeline_mode = #tpu.pipeline_mode<synchronous>, transform_indices = @transform_1, window_bounds = array<i64: 32, 128>}, {transform_indices = @transform_2, window_bounds = array<i64: 256, 128>}]} {
    %get3A = arith.constant 0 : index
    %get3A_0 = arith.constant 0 : index
    %get3A_1 = vector.load %arg1[%get3A, %get3A_0] : memref<256x32xf32, #tpu.memory_space<vmem>>, vector<256x32xf32>
    %get3A_2 = arith.constant 0 : index
    %get3A_3 = arith.constant 0 : index
    %get3A_4 = vector.load %arg2[%get3A_2, %get3A_3] : memref<32x128xf32, #tpu.memory_space<vmem>>, vector<32x128xf32>
    %dot_general3A = arith.constant dense<0.000000e+00> : vector<256x128xf32>
    %dot_general3A_5 = tpu.matmul %get3A_1, %get3A_4, %dot_general3A {dimension_numbers = #tpu.dot_dimension_numbers<[1], [0], [0], [1], [0, 0, 1, 1], [], []>, transpose_lhs_hint = false} : vector<256x32xf32>, vector<32x128xf32>, vector<256x128xf32> -> vector<256x128xf32>
    %swap3A = arith.constant 0 : index
    %swap3A_6 = arith.constant 0 : index
    %swap3A_7 = vector.load %arg3[%swap3A, %swap3A_6] : memref<256x128xf32, #tpu.memory_space<vmem>>, vector<256x128xf32>
    tpu.vector_store %arg3[%swap3A, %swap3A_6], %dot_general3A_5 {strides = array<i32>} : memref<256x128xf32, #tpu.memory_space<vmem>>, vector<256x128xf32>,
    return
  }
  func.func @transform_0(%arg0: i32) -> (i32, i32) {
    %c0_i32 = arith.constant 0 : i32
    %c0_i32_0 = arith.constant 0 : i32
    return %arg0, %c0_i32 : i32, i32
  }
  func.func @transform_1(%arg0: i32) -> (i32, i32) {
    %c0_i32 = arith.constant 0 : i32
    %c0_i32_0 = arith.constant 0 : i32
    %c0_i32_1 = arith.constant 0 : i32
    return %c0_i32, %c0_i32_0 : i32, i32
  }
  func.func @transform_2(%arg0: i32) -> (i32, i32) {
    %c0_i32 = arith.constant 0 : i32
    %c0_i32_0 = arith.constant 0 : i32
    return %arg0, %c0_i32 : i32, i32
  }
}

module attributes {stable_mosaic.version = 14 : i64} {
  func.func @_seg_gat_body(%arg0: i32, %arg1: memref<4608x128xf32, #tpu.memory_space<vmem>>, %arg2: memref<4608x8xf32, #tpu.memory_space<vmem>>, %arg3: memref<1x8x4608xf32, #tpu.memory_space<vmem>>, %arg4: memref<512x128xf32, #tpu.memory_space<vmem>>) attributes {dimension_semantics = [#tpu.dimension_semantics<arbitrary>], iteration_bounds = array<i64: 98>, scalar_prefetch = 0 : i64, scratch_operands = 0 : i64, tpu.core_type = #tpu.core_type<tc>, window_params = [{transform_indices = @transform_0, window_bounds = array<i64: 4608, 128>}, {transform_indices = @transform_1, window_bounds = array<i64: 4608, 8>}, {transform_indices = @transform_2, window_bounds = array<i64: 1, 8, 4608>}, {transform_indices = @transform_3, window_bounds = array<i64: 512, 128>}]} {
    %get3A = arith.constant 0 : index
    %get3A_0 = arith.constant 0 : index
    %get3A_1 = arith.constant 0 : index
    %get3A_2 = vector.load %arg3[%get3A, %get3A_0, %get3A_1] : memref<1x8x4608xf32, #tpu.memory_space<vmem>>, vector<1x1x4608xf32>
    %get3A_3 = vector.shape_cast %get3A_2 : vector<1x1x4608xf32> to vector<1x4608xf32>
    %iota3A = tpu.iota {dimensions = array<i32: 0>} : vector<512x1xi32>
    %convert_element_type3A = arith.sitofp %iota3A : vector<512x1xi32> to vector<512x1xf32>
    %eq3A = vector.broadcast %convert_element_type3A : vector<512x1xf32> to vector<512x4608xf32>
    %eq3A_4 = vector.broadcast %get3A_3 : vector<1x4608xf32> to vector<512x4608xf32>
    %eq3A_5 = arith.cmpf oeq, %eq3A, %eq3A_4 : vector<512x4608xf32>
    %jit3A = arith.constant 1.000000e+00 : f32
    %jit3A_6 = arith.constant 0.000000e+00 : f32
    %broadcast_in_dim3A = vector.broadcast %jit3A : f32 to vector<512x4608xf32>
    %broadcast_in_dim3A_7 = vector.broadcast %jit3A_6 : f32 to vector<512x4608xf32>
    %select_n3A = arith.select %eq3A_5, %broadcast_in_dim3A, %broadcast_in_dim3A_7 : vector<512x4608xi1>, vector<512x4608xf32>
    %get3A_8 = arith.constant 0 : index
    %get3A_9 = arith.constant 0 : index
    %get3A_10 = vector.load %arg2[%get3A_8, %get3A_9] : memref<4608x8xf32, #tpu.memory_space<vmem>>, vector<4608x4xf32>
    %gt3A = arith.constant 0.000000e+00 : f32
    %gt3A_11 = vector.broadcast %gt3A : f32 to vector<4608x4xf32>
    %gt3A_12 = arith.cmpf ogt, %get3A_10, %gt3A_11 : vector<4608x4xf32>
    %mul3A = arith.constant 2.000000e-01 : f32
    %mul3A_13 = vector.broadcast %mul3A : f32 to vector<4608x4xf32>
    %mul3A_14 = arith.mulf %mul3A_13, %get3A_10 : vector<4608x4xf32>
    %select_n3A_15 = arith.select %gt3A_12, %get3A_10, %mul3A_14 : vector<4608x4xi1>, vector<4608x4xf32>
    %exp3A = math.exp %select_n3A_15 : vector<4608x4xf32>
    %iota3A_16 = tpu.iota {dimensions = array<i32: 1>} : vector<4x128xi32>
    %iota3A_17 = tpu.iota {dimensions = array<i32: 0>} : vector<4x128xi32>
    %jit3A_18 = arith.constant 32 : i32
    %div3A = vector.broadcast %jit3A_18 : i32 to vector<4x128xi32>
    %div3A_19 = arith.divsi %iota3A_16, %div3A : vector<4x128xi32>
    %sign3A = arith.constant 0 : i32
    %sign3A_20 = vector.broadcast %sign3A : i32 to vector<4x128xi32>
    %sign3A_21 = arith.cmpi sgt, %iota3A_16, %sign3A_20 : vector<4x128xi32>
    %sign3A_22 = arith.extui %sign3A_21 : vector<4x128xi1> to vector<4x128xi32>
    %sign3A_23 = arith.constant 0 : i32
    %sign3A_24 = vector.broadcast %sign3A_23 : i32 to vector<4x128xi32>
    %sign3A_25 = arith.cmpi slt, %iota3A_16, %sign3A_24 : vector<4x128xi32>
    %sign3A_26 = arith.extui %sign3A_25 : vector<4x128xi1> to vector<4x128xi32>
    %sign3A_27 = arith.subi %sign3A_22, %sign3A_26 : vector<4x128xi32>
    %sign3A_28 = arith.constant 0 : i32
    %sign3A_29 = arith.cmpi sgt, %jit3A_18, %sign3A_28 : i32
    %sign3A_30 = arith.extui %sign3A_29 : i1 to i32
    %sign3A_31 = arith.constant 0 : i32
    %sign3A_32 = arith.cmpi slt, %jit3A_18, %sign3A_31 : i32
    %sign3A_33 = arith.extui %sign3A_32 : i1 to i32
    %sign3A_34 = arith.subi %sign3A_30, %sign3A_33 : i32
    %ne3A = vector.broadcast %sign3A_34 : i32 to vector<4x128xi32>
    %ne3A_35 = arith.cmpi ne, %sign3A_27, %ne3A : vector<4x128xi32>
    %rem3A = vector.broadcast %jit3A_18 : i32 to vector<4x128xi32>
    %rem3A_36 = arith.remsi %iota3A_16, %rem3A : vector<4x128xi32>
    %ne3A_37 = arith.constant 0 : i32
    %ne3A_38 = vector.broadcast %ne3A_37 : i32 to vector<4x128xi32>
    %ne3A_39 = arith.cmpi ne, %rem3A_36, %ne3A_38 : vector<4x128xi32>
    %and3A = arith.andi %ne3A_35, %ne3A_39 : vector<4x128xi1>
    %sub3A = arith.constant 1 : i32
    %sub3A_40 = vector.broadcast %sub3A : i32 to vector<4x128xi32>
    %sub3A_41 = arith.subi %div3A_19, %sub3A_40 : vector<4x128xi32>
    %select_n3A_42 = arith.select %and3A, %sub3A_41, %div3A_19 : vector<4x128xi1>, vector<4x128xi32>
    %eq3A_43 = arith.cmpi eq, %select_n3A_42, %iota3A_17 : vector<4x128xi32>
    %jit3A_44 = arith.constant 1.000000e+00 : f32
    %jit3A_45 = arith.constant 0.000000e+00 : f32
    %broadcast_in_dim3A_46 = vector.broadcast %jit3A_44 : f32 to vector<4x128xf32>
    %broadcast_in_dim3A_47 = vector.broadcast %jit3A_45 : f32 to vector<4x128xf32>
    %select_n3A_48 = arith.select %eq3A_43, %broadcast_in_dim3A_46, %broadcast_in_dim3A_47 : vector<4x128xi1>, vector<4x128xf32>
    %dot_general3A = arith.constant dense<0.000000e+00> : vector<4608x128xf32>
    %dot_general3A_49 = tpu.matmul %exp3A, %select_n3A_48, %dot_general3A {dimension_numbers = #tpu.dot_dimension_numbers<[1], [0], [0], [1], [0, 0, 1, 1], [], []>, transpose_lhs_hint = false} : vector<4608x4xf32>, vector<4x128xf32>, vector<4608x128xf32> -> vector<4608x128xf32>
    %get3A_50 = arith.constant 0 : index
    %get3A_51 = arith.constant 0 : index
    %get3A_52 = vector.load %arg1[%get3A_50, %get3A_51] : memref<4608x128xf32, #tpu.memory_space<vmem>>, vector<4608x128xf32>
    %mul3A_53 = arith.mulf %get3A_52, %dot_general3A_49 : vector<4608x128xf32>
    %dot_general3A_54 = arith.constant dense<0.000000e+00> : vector<512x128xf32>
    %dot_general3A_55 = tpu.matmul %select_n3A, %mul3A_53, %dot_general3A_54 {dimension_numbers = #tpu.dot_dimension_numbers<[1], [0], [0], [1], [0, 0, 1, 1], [], []>, transpose_lhs_hint = false} : vector<512x4608xf32>, vector<4608x128xf32>, vector<512x128xf32> -> vector<512x128xf32>
    %dot_general3A_56 = arith.constant dense<0.000000e+00> : vector<512x4xf32>
    %dot_general3A_57 = tpu.matmul %select_n3A, %exp3A, %dot_general3A_56 {dimension_numbers = #tpu.dot_dimension_numbers<[1], [0], [0], [1], [0, 0, 1, 1], [], []>, transpose_lhs_hint = false} : vector<512x4608xf32>, vector<4608x4xf32>, vector<512x4xf32> -> vector<512x4xf32>
    %eq3A_58 = arith.constant 0.000000e+00 : f32
    %eq3A_59 = vector.broadcast %eq3A_58 : f32 to vector<512x4xf32>
    %eq3A_60 = arith.cmpf oeq, %dot_general3A_57, %eq3A_59 : vector<512x4xf32>
    %jit3A_61 = arith.constant 1.000000e+00 : f32
    %broadcast_in_dim3A_62 = vector.broadcast %jit3A_61 : f32 to vector<512x4xf32>
    %select_n3A_63 = arith.select %eq3A_60, %broadcast_in_dim3A_62, %dot_general3A_57 : vector<512x4xi1>, vector<512x4xf32>
    %dot_general3A_64 = arith.constant dense<0.000000e+00> : vector<512x128xf32>
    %dot_general3A_65 = tpu.matmul %select_n3A_63, %select_n3A_48, %dot_general3A_64 {dimension_numbers = #tpu.dot_dimension_numbers<[1], [0], [0], [1], [0, 0, 1, 1], [], []>, transpose_lhs_hint = false} : vector<512x4xf32>, vector<4x128xf32>, vector<512x128xf32> -> vector<512x128xf32>
    %div3A_66 = arith.divf %dot_general3A_55, %dot_general3A_65 : vector<512x128xf32>
    %swap3A = arith.constant 0 : index
    %swap3A_67 = arith.constant 0 : index
    %swap3A_68 = vector.load %arg4[%swap3A, %swap3A_67] : memref<512x128xf32, #tpu.memory_space<vmem>>, vector<512x128xf32>
    tpu.vector_store %arg4[%swap3A, %swap3A_67], %div3A_66 {strides = array<i32>} : memref<512x128xf32, #tpu.memory_space<vmem>>, vector<512x128xf32>,
    return
  }
  func.func @transform_0(%arg0: i32) -> (i32, i32) {
    %c0_i32 = arith.constant 0 : i32
    %c0_i32_0 = arith.constant 0 : i32
    return %arg0, %c0_i32 : i32, i32
  }
  func.func @transform_1(%arg0: i32) -> (i32, i32) {
    %c0_i32 = arith.constant 0 : i32
    %c0_i32_0 = arith.constant 0 : i32
    return %arg0, %c0_i32 : i32, i32
  }
  func.func @transform_2(%arg0: i32) -> (i32, i32, i32) {
    %c0_i32 = arith.constant 0 : i32
    %c0_i32_0 = arith.constant 0 : i32
    %c0_i32_1 = arith.constant 0 : i32
    return %arg0, %c0_i32, %c0_i32_0 : i32, i32, i32
  }
  func.func @transform_3(%arg0: i32) -> (i32, i32) {
    %c0_i32 = arith.constant 0 : i32
    %c0_i32_0 = arith.constant 0 : i32
    return %arg0, %c0_i32 : i32, i32
  }
}

module attributes {stable_mosaic.version = 14 : i64} {
  func.func @_seg_mean_body(%arg0: i32, %arg1: memref<4608x128xf32, #tpu.memory_space<vmem>>, %arg2: memref<1x8x4608xf32, #tpu.memory_space<vmem>>, %arg3: memref<512x128xf32, #tpu.memory_space<vmem>>) attributes {dimension_semantics = [#tpu.dimension_semantics<arbitrary>], iteration_bounds = array<i64: 98>, scalar_prefetch = 0 : i64, scratch_operands = 0 : i64, tpu.core_type = #tpu.core_type<tc>, window_params = [{transform_indices = @transform_0, window_bounds = array<i64: 4608, 128>}, {transform_indices = @transform_1, window_bounds = array<i64: 1, 8, 4608>}, {transform_indices = @transform_2, window_bounds = array<i64: 512, 128>}]} {
    %get3A = arith.constant 0 : index
    %get3A_0 = arith.constant 0 : index
    %get3A_1 = arith.constant 0 : index
    %get3A_2 = vector.load %arg2[%get3A, %get3A_0, %get3A_1] : memref<1x8x4608xf32, #tpu.memory_space<vmem>>, vector<1x1x4608xf32>
    %get3A_3 = vector.shape_cast %get3A_2 : vector<1x1x4608xf32> to vector<1x4608xf32>
    %iota3A = tpu.iota {dimensions = array<i32: 0>} : vector<512x1xi32>
    %convert_element_type3A = arith.sitofp %iota3A : vector<512x1xi32> to vector<512x1xf32>
    %eq3A = vector.broadcast %convert_element_type3A : vector<512x1xf32> to vector<512x4608xf32>
    %eq3A_4 = vector.broadcast %get3A_3 : vector<1x4608xf32> to vector<512x4608xf32>
    %eq3A_5 = arith.cmpf oeq, %eq3A, %eq3A_4 : vector<512x4608xf32>
    %jit3A = arith.constant 1.000000e+00 : f32
    %jit3A_6 = arith.constant 0.000000e+00 : f32
    %broadcast_in_dim3A = vector.broadcast %jit3A : f32 to vector<512x4608xf32>
    %broadcast_in_dim3A_7 = vector.broadcast %jit3A_6 : f32 to vector<512x4608xf32>
    %select_n3A = arith.select %eq3A_5, %broadcast_in_dim3A, %broadcast_in_dim3A_7 : vector<512x4608xi1>, vector<512x4608xf32>
    %get3A_8 = arith.constant 0 : index
    %get3A_9 = arith.constant 0 : index
    %get3A_10 = vector.load %arg1[%get3A_8, %get3A_9] : memref<4608x128xf32, #tpu.memory_space<vmem>>, vector<4608x128xf32>
    %dot_general3A = arith.constant dense<0.000000e+00> : vector<512x128xf32>
    %dot_general3A_11 = tpu.matmul %select_n3A, %get3A_10, %dot_general3A {dimension_numbers = #tpu.dot_dimension_numbers<[1], [0], [0], [1], [0, 0, 1, 1], [], []>, transpose_lhs_hint = false} : vector<512x4608xf32>, vector<4608x128xf32>, vector<512x128xf32> -> vector<512x128xf32>
    %reduce_sum3A = arith.constant dense<0.000000e+00> : vector<512xf32>
    %reduce_sum3A_12 = vector.multi_reduction <add>, %select_n3A, %reduce_sum3A [1] : vector<512x4608xf32> to vector<512xf32>
    %broadcast_in_dim3A_13 = vector.shape_cast %reduce_sum3A_12 : vector<512xf32> to vector<512x1xf32>
    %max3A = arith.constant 1.000000e+00 : f32
    %max3A_14 = vector.broadcast %max3A : f32 to vector<512x1xf32>
    %max3A_15 = arith.maximumf %broadcast_in_dim3A_13, %max3A_14 : vector<512x1xf32>
    %div3A = vector.broadcast %max3A_15 : vector<512x1xf32> to vector<512x128xf32>
    %div3A_16 = arith.divf %dot_general3A_11, %div3A : vector<512x128xf32>
    %swap3A = arith.constant 0 : index
    %swap3A_17 = arith.constant 0 : index
    %swap3A_18 = vector.load %arg3[%swap3A, %swap3A_17] : memref<512x128xf32, #tpu.memory_space<vmem>>, vector<512x128xf32>
    tpu.vector_store %arg3[%swap3A, %swap3A_17], %div3A_16 {strides = array<i32>} : memref<512x128xf32, #tpu.memory_space<vmem>>, vector<512x128xf32>,
    return
  }
  func.func @transform_0(%arg0: i32) -> (i32, i32) {
    %c0_i32 = arith.constant 0 : i32
    %c0_i32_0 = arith.constant 0 : i32
    return %arg0, %c0_i32 : i32, i32
  }
  func.func @transform_1(%arg0: i32) -> (i32, i32, i32) {
    %c0_i32 = arith.constant 0 : i32
    %c0_i32_0 = arith.constant 0 : i32
    %c0_i32_1 = arith.constant 0 : i32
    return %arg0, %c0_i32, %c0_i32_0 : i32, i32, i32
  }
  func.func @transform_2(%arg0: i32) -> (i32, i32) {
    %c0_i32 = arith.constant 0 : i32
    %c0_i32_0 = arith.constant 0 : i32
    return %arg0, %c0_i32 : i32, i32
  }
}

module attributes {stable_mosaic.version = 14 : i64} {
  func.func @_mm_body(%arg0: i32, %arg1: memref<256x256xf32, #tpu.memory_space<vmem>>, %arg2: memref<256x32xf32, #tpu.memory_space<vmem>>, %arg3: memref<256x32xf32, #tpu.memory_space<vmem>>) attributes {dimension_semantics = [#tpu.dimension_semantics<arbitrary>], iteration_bounds = array<i64: 196>, scalar_prefetch = 0 : i64, scratch_operands = 0 : i64, tpu.core_type = #tpu.core_type<tc>, window_params = [{transform_indices = @transform_0, window_bounds = array<i64: 256, 256>}, {pipeline_mode = #tpu.pipeline_mode<synchronous>, transform_indices = @transform_1, window_bounds = array<i64: 256, 32>}, {transform_indices = @transform_2, window_bounds = array<i64: 256, 32>}]} {
    %get3A = arith.constant 0 : index
    %get3A_0 = arith.constant 0 : index
    %get3A_1 = vector.load %arg1[%get3A, %get3A_0] : memref<256x256xf32, #tpu.memory_space<vmem>>, vector<256x256xf32>
    %get3A_2 = arith.constant 0 : index
    %get3A_3 = arith.constant 0 : index
    %get3A_4 = vector.load %arg2[%get3A_2, %get3A_3] : memref<256x32xf32, #tpu.memory_space<vmem>>, vector<256x32xf32>
    %dot_general3A = arith.constant dense<0.000000e+00> : vector<256x32xf32>
    %dot_general3A_5 = tpu.matmul %get3A_1, %get3A_4, %dot_general3A {dimension_numbers = #tpu.dot_dimension_numbers<[1], [0], [0], [1], [0, 0, 1, 1], [], []>, transpose_lhs_hint = false} : vector<256x256xf32>, vector<256x32xf32>, vector<256x32xf32> -> vector<256x32xf32>
    %swap3A = arith.constant 0 : index
    %swap3A_6 = arith.constant 0 : index
    %swap3A_7 = vector.load %arg3[%swap3A, %swap3A_6] : memref<256x32xf32, #tpu.memory_space<vmem>>, vector<256x32xf32>
    tpu.vector_store %arg3[%swap3A, %swap3A_6], %dot_general3A_5 {strides = array<i32>} : memref<256x32xf32, #tpu.memory_space<vmem>>, vector<256x32xf32>,
    return
  }
  func.func @transform_0(%arg0: i32) -> (i32, i32) {
    %c0_i32 = arith.constant 0 : i32
    %c0_i32_0 = arith.constant 0 : i32
    return %arg0, %c0_i32 : i32, i32
  }
  func.func @transform_1(%arg0: i32) -> (i32, i32) {
    %c0_i32 = arith.constant 0 : i32
    %c0_i32_0 = arith.constant 0 : i32
    %c0_i32_1 = arith.constant 0 : i32
    return %c0_i32, %c0_i32_0 : i32, i32
  }
  func.func @transform_2(%arg0: i32) -> (i32, i32) {
    %c0_i32 = arith.constant 0 : i32
    %c0_i32_0 = arith.constant 0 : i32
    return %arg0, %c0_i32 : i32, i32
  }
}

module attributes {stable_mosaic.version = 14 : i64} {
  func.func @_mm_body(%arg0: i32, %arg1: memref<256x256xf32, #tpu.memory_space<vmem>>, %arg2: memref<256x64xf32, #tpu.memory_space<vmem>>, %arg3: memref<256x64xf32, #tpu.memory_space<vmem>>) attributes {dimension_semantics = [#tpu.dimension_semantics<arbitrary>], iteration_bounds = array<i64: 196>, scalar_prefetch = 0 : i64, scratch_operands = 0 : i64, tpu.core_type = #tpu.core_type<tc>, window_params = [{transform_indices = @transform_0, window_bounds = array<i64: 256, 256>}, {pipeline_mode = #tpu.pipeline_mode<synchronous>, transform_indices = @transform_1, window_bounds = array<i64: 256, 64>}, {transform_indices = @transform_2, window_bounds = array<i64: 256, 64>}]} {
    %get3A = arith.constant 0 : index
    %get3A_0 = arith.constant 0 : index
    %get3A_1 = vector.load %arg1[%get3A, %get3A_0] : memref<256x256xf32, #tpu.memory_space<vmem>>, vector<256x256xf32>
    %get3A_2 = arith.constant 0 : index
    %get3A_3 = arith.constant 0 : index
    %get3A_4 = vector.load %arg2[%get3A_2, %get3A_3] : memref<256x64xf32, #tpu.memory_space<vmem>>, vector<256x64xf32>
    %dot_general3A = arith.constant dense<0.000000e+00> : vector<256x64xf32>
    %dot_general3A_5 = tpu.matmul %get3A_1, %get3A_4, %dot_general3A {dimension_numbers = #tpu.dot_dimension_numbers<[1], [0], [0], [1], [0, 0, 1, 1], [], []>, transpose_lhs_hint = false} : vector<256x256xf32>, vector<256x64xf32>, vector<256x64xf32> -> vector<256x64xf32>
    %swap3A = arith.constant 0 : index
    %swap3A_6 = arith.constant 0 : index
    %swap3A_7 = vector.load %arg3[%swap3A, %swap3A_6] : memref<256x64xf32, #tpu.memory_space<vmem>>, vector<256x64xf32>
    tpu.vector_store %arg3[%swap3A, %swap3A_6], %dot_general3A_5 {strides = array<i32>} : memref<256x64xf32, #tpu.memory_space<vmem>>, vector<256x64xf32>,
    return
  }
  func.func @transform_0(%arg0: i32) -> (i32, i32) {
    %c0_i32 = arith.constant 0 : i32
    %c0_i32_0 = arith.constant 0 : i32
    return %arg0, %c0_i32 : i32, i32
  }
  func.func @transform_1(%arg0: i32) -> (i32, i32) {
    %c0_i32 = arith.constant 0 : i32
    %c0_i32_0 = arith.constant 0 : i32
    %c0_i32_1 = arith.constant 0 : i32
    return %c0_i32, %c0_i32_0 : i32, i32
  }
  func.func @transform_2(%arg0: i32) -> (i32, i32) {
    %c0_i32 = arith.constant 0 : i32
    %c0_i32_0 = arith.constant 0 : i32
    return %arg0, %c0_i32 : i32, i32
  }
}

</mosaic_0001>

<sc_bundles>
// kernel: gather_offload_async_start.10
scs
__scs_entry_jumppad:
0x0: {  	(pc) =	sbr.rel $0x88, $3  }
0x1: {  	(tag) =	ssettag $0x0;
	lr =	simm.s32 $0x1  }
0x2: {  	[smem:$0x3F5F] =	sst lr;
	_ =	strace $0xD0000000  }
0x3: {  	_ = 	snop  }
0x4: {  	_ = 	snop  }
0x5: {  	_ = 	snop  }
0x6: {  	_ = 	snop  }
0x7: {  	_ = 	snop  }
__scs_overlays_trampoline_lowered:
0x8: {  	[smem:$0x3F6E] =	sst s0  }
0x9: {  	[smem:$0x3F6F] =	sst s1  }
0xa: {  	[smem:$0x3F70] =	sst s2  }
0xb: {  	[smem:$0x3F71] =	sst s3  }
0xc: {  	[smem:$0x3F72] =	sst s4  }
0xd: {  	[smem:$0x3F73] =	sst s5  }
0xe: {  	[smem:$0x3F74] =	sst s6  }
0xf: {  	[smem:$0x3F75] =	sst s7  }
0x10: {  	[smem:$0x3F76] =	sst s8  }
0x11: {  	[smem:$0x3F77] =	sst s9;
	s0 =	simm.s32 @!p0 $0x0  }
0x12: {  	s1 =	sld [smem:$0x3F5D];
	s0 =	simm.s32 @p0 $0x1  }
0x13: {  	[smem:$0x3F78] =	sst s0;
	s0 =	simm.s32 @!p1 $0x0  }
0x14: {  	s2 =	sld [smem:$0x3F5C];
	s0 =	simm.s32 @p1 $0x1  }
0x15: {  	[smem:$0x3F79] =	sst s0;
	s0 =	simm.s32 @!p2 $0x0  }
0x16: {  	s3 =	sld [smem:$0x3FDB];
	s0 =	simm.s32 @p2 $0x1  }
0x17: {  	s4 =	simm.s32 $0x1BF5;
	[smem:$0x3F7B] =	sst s0  }
0x18: {  	s0 =	sld [smem:$0x3F5E];
	_ =	swait.ge [sflag:s4], $0x0  }
0x19: {  	s7 =	sld [smem:$0x3F5F]  }
0x1a: {  	s8 =	sadd.s32 $0xFFFFE003, lr  }
0x1b: {  	s9 =	sadd.s32 $0xFFFFFEF7, lr;
	s5 =	simm.s32 $0xFFFFFFFF;
	p2 =	slt.u32 s8, $0xFFFFF086  }
0x1c: {  	p1 =	slt.u32 s9, $0xF7A;
	s5 =	simm.s32 @!p2 $0x0  }
0x1d: {  	s5 =	simm.s32 @p1 $0x1;
	p0 =	seq.s32 s7, s2  }
0x1e: {  	s7 =	smul.u32 @!p0 $0xF7A, s2;
	p2 =	seq.s32 @!p0 s5, $0x0  }
0x1f: {  	s9 =	smul.u32 $0xF7A, s1;
	s8 =	simm.s32 @!p0 $0x1BF5;
	p2 =	por !p2, p0  }
0x20: {  	[sflag:s8] =	ssyncset.s32 @!p0 $0xFFFFF086;
	s6 =	sadd.s32 @!p0 s3, s7;
	s7 =	simm.s32 @!p0 $0x108  }
0x21: {  	s3 =	sadd.s32 s3, s9;
	s6 =	sadd.s32 @!p0 $0x88, s6;
	s7 =	simm.s32 @p2 $0x1082  }
0x22: {  	[simem:s7], [sflag:s8] =	dma.local @!p0 [hbm:s6], $0xF7A  }
0x23: {  	s9 =	sor.u32 $0xD0000000, s2;
	s6 =	simm.s32 $0x108;
	_ =	swait.ge @!p0 [sflag:s8], $0x0  }
0x24: {  	s3 =	sadd.s32 $0x88, s3;
	s6 =	simm.s32 @!p1 $0x1082;
	[sflag:s4] =	ssyncset.s32 $0xFFFFF086  }
0x25: {  	[simem:s6], [sflag:s4] =	dma.local [hbm:s3], $0xF7A  }
0x26: {  	[smem:$0x3F5F] =	sst s1;
	(tag) =	ssettag s2;
	_ =	strace s9  }
0x27: {  	s1 =	sld [smem:$0x3F6F]  }
0x28: {  	s2 =	sld [smem:$0x3F70]  }
0x29: {  	s4 =	sld [smem:$0x3F72]  }
0x2a: {  	p0 =	seq.s32 s5, $0x0;
	s5 =	sld [smem:$0x3F73]  }
0x2b: {  	s6 =	sld [smem:$0x3F74]  }
0x2c: {  	s7 =	sld [smem:$0x3F75]  }
0x2d: {  	s3 =	simm.s32 $0x108;
	s8 =	sld [smem:$0x3F76]  }
0x2e: {  	s3 =	simm.s32 @!p0 $0x1082;
	s9 =	sld [smem:$0x3F77]  }
0x2f: {  	lr =	sadd.s32 s0, s3;
	s0 =	sld [smem:$0x3F6E]  }
0x30: {  	s3 =	sld [smem:$0x3F71]  }
0x31: {  	[smem:$0x3F7A] =	sst s10  }
0x32: {  	s10 =	sld [smem:$0x3F78];
	_ =	sdelay $0x3  }
0x33: {  	p0 =	seq.s32 s10, $0x1;
	s10 =	sld [smem:$0x3F7A];
	_ =	sdelay $0x3  }
0x34: {  	[smem:$0x3F7A] =	sst s10  }
0x35: {  	s10 =	sld [smem:$0x3F79];
	_ =	sdelay $0x3  }
0x36: {  	p1 =	seq.s32 s10, $0x1;
	s10 =	sld [smem:$0x3F7A];
	_ =	sdelay $0x3  }
0x37: {  	[smem:$0x3F7A] =	sst s10  }
0x38: {  	s10 =	sld [smem:$0x3F7B]  }
0x39: {  	_ = 	snop;
	(pc) =	sbr.ind lr, $3  }
0x3a: {  	_ = 	snop  }
0x3b: {  	_ = 	snop  }
0x3c: {  	p2 =	seq.s32 s10, $0x1;
	s10 =	sld [smem:$0x3F7A]  }
0x3d: {  	_ =	shalt  }
0x3e: {  	_ =	shalt  }
0x3f: {  	_ =	shalt  }
0x40: {  	_ =	shalt  }
0x41: {  	_ =	shalt  }
0x42: {  	_ =	shalt  }
0x43: {  	_ =	shalt  }
0x44: {  	_ =	shalt  }
0x45: {  	_ =	shalt  }
0x46: {  	_ =	shalt  }
0x47: {  	_ =	shalt  }
0x48: {  	_ =	shalt  }
0x49: {  	_ =	shalt  }
0x4a: {  	_ =	shalt  }
0x4b: {  	_ =	shalt  }
0x4c: {  	_ =	shalt  }
0x4d: {  	_ =	shalt  }
0x4e: {  	_ =	shalt  }
0x4f: {  	_ =	shalt  }
0x50: {  	_ =	shalt  }
0x51: {  	_ =	shalt  }
0x52: {  	_ =	shalt  }
0x53: {  	_ =	shalt  }
0x54: {  	_ =	shalt  }
0x55: {  	_ =	shalt  }
0x56: {  	_ =	shalt  }
0x57: {  	_ =	shalt  }
0x58: {  	_ =	shalt  }
0x59: {  	_ =	shalt  }
0x5a: {  	_ =	shalt  }
0x5b: {  	_ =	shalt  }
0x5c: {  	_ =	shalt  }
0x5d: {  	_ =	shalt  }
0x5e: {  	_ =	shalt  }
0x5f: {  	_ =	shalt  }
0x60: {  	_ =	shalt  }
0x61: {  	_ =	shalt  }
0x62: {  	_ =	shalt  }
0x63: {  	_ =	shalt  }
0x64: {  	_ =	shalt  }
0x65: {  	_ =	shalt  }
0x66: {  	_ =	shalt  }
0x67: {  	_ =	shalt  }
0x68: {  	_ =	shalt  }
0x69: {  	_ =	shalt  }
0x6a: {  	_ =	shalt  }
0x6b: {  	_ =	shalt  }
0x6c: {  	_ =	shalt  }
0x6d: {  	_ =	shalt  }
0x6e: {  	_ =	shalt  }
0x6f: {  	_ =	shalt  }
0x70: {  	_ =	shalt  }
0x71: {  	_ =	shalt  }
0x72: {  	_ =	shalt  }
0x73: {  	_ =	shalt  }
0x74: {  	_ =	shalt  }
0x75: {  	_ =	shalt  }
0x76: {  	_ =	shalt  }
0x77: {  	_ =	shalt  }
0x78: {  	_ =	shalt  }
0x79: {  	_ =	shalt  }
0x7a: {  	_ =	shalt  }
0x7b: {  	_ =	shalt  }
0x7c: {  	_ =	shalt  }
0x7d: {  	_ =	shalt  }
0x7e: {  	_ =	shalt  }
0x7f: {  	_ =	shalt  }
0x80: {  	_ =	shalt  }
0x81: {  	_ =	shalt  }
0x82: {  	_ =	shalt  }
0x83: {  	_ =	shalt  }
0x84: {  	_ =	shalt  }
0x85: {  	_ =	shalt  }
0x86: {  	_ =	shalt  }
0x87: {  	_ =	shalt  }
.Lfunc_end0:
.L_simem_size_0:
called_computation.10_lowered:
.L_overlay_start_0:
0x88: {  	s2 =	sld [smem:$0x3FD9]  }
0x89: {  	s3 =	sld [smem:$0x3FFE];
	_ =	sdelay $0x1  }
0x8a: {  	s1 =	srdreg.scid  }
0x8b: {  	s0 =	sand.u32 $0x1, s1  }
0x8c: {  	s16 =	sshll.u32 s0, $0xA;
	s2 =	sadd.s32 s3, s2  }
0x8d: {  	s2 =	sadd.s32 s2, s16  }
0x8e: {  	[smem:$0x3F86] =	sst s2  }
0x8f: {  	_ = 	snop  }
0x90: {  	(tm) =	ssettm $0x1  }
0x91: {  	s17 =	sld [smem:$0x3FFB];
	_ =	sdelay $0x3  }
0x92: {  	_ =	strace s17  }
0x93: {  	s2 =	sld [smem:$0x3FFC];
	_ =	sdelay $0x3  }
0x94: {  	_ =	strace s2  }
0x95: {  	s2 =	sld [smem:$0x3FFD];
	_ =	sdelay $0x3  }
0x96: {  	_ =	strace s2  }
0x97: {  	_ =	strace $0x8FFFFFFF  }
0x98: {  	s18 =	sld [smem:$0x3FDB];
	_ =	sdelay $0x1  }
0x99: {  	s19 =	simm.s32 $_scs_section_size  }
0x9a: {  	s4 =	simm.s32 $_size__tile_overlayer_lowered;
	s5 =	simm.s32 $_tile_overlayer_lowered  }
0x9b: {  	s22 =	simm.s32 $0x1BFF;
	s21 =	sshll.u32 s5, $0x1;
	s2 =	sadd.s32 s19, s18  }
0x9c: {  	s6 =	simm.s32 $0x0;
	s20 =	sshll.u32 s4, $0x1;
	s4 =	sadd.s32 s21, s2  }
0x9d: {  	[timem:s6], [sflag:s22] =	dma.local [hbm:s4], s20  }
0x9e: {  	_ =	swait.ge [sflag:s22], s20  }
0x9f: {  	s3 =	ssub.s32 $0x0, s20;
	[sflag:s22] =	ssyncset.done $0x0  }
0xa0: {  	[sflag:s22] =	ssyncadd.s32 s3;
	_ =	sdelay $0x1  }
0xa1: {  	s23 =	simm.s32 $0x1B8B  }
0xa2: {  	_ =	swait.ge [sflag:s23], $0x1  }
0xa3: {  	[sflag:s23] =	ssyncset.done $0x0  }
0xa4: {  	s25 =	simm.s32 $0x1B8E;
	s24 =	sld [smem:$0x3FFE];
	[sflag:s23] =	ssyncadd.s32 $0xFFFFFFFF  }
0xa5: {  	s26 =	simm.s32 $execute0_lowered;
	[smem:$0x3FD2] =	sst s25  }
0xa6: {  	s4 =	sshll.u32 s26, $0x1;
	_ =	strace $0x80000058;
	[dreg:$0x1] =	wrdreg $0xFFFFFFFF  }
0xa7: {  	s28 =	simm.s32 $_size_execute0_lowered;
	s2 =	sadd.s32 s2, s4;
	[dreg:$0x0] =	wrdreg $0x0  }
0xa8: {  	s4 =	sshll.u32 s28, $0x1;
	[dreg:$0x2] =	wrdreg s2  }
0xa9: {  	[dreg:$0x3] =	wrdreg s4  }
0xaa: {  	[dreg:$0x4] =	wrdreg $0xC0  }
0xab: {  	_ =	task [dreg:s6], $0x5FFFF  }
0xac: {  	[dreg:$0x1] =	wrdreg $0xFFFFFFFF  }
0xad: {  	[dreg:$0x0] =	wrdreg $0x60  }
0xae: {  	[dreg:$0x2] =	wrdreg s24  }
0xaf: {  	[dreg:$0x3] =	wrdreg $0x9  }
0xb0: {  	_ =	task.clear_ibuf [dreg:s6], $0x4FFFF;
	_ =	strace $0x90000058  }
0xb1: {  	s29 =	simm.s32 $0x9;
	_ =	strace $0x8000005A  }
0xb2: {  	_ =	swait.ge [sflag:s29], $0x1  }
0xb3: {  	[sflag:s29] =	ssyncadd.s32 $0xFFFFFFFF  }
0xb4: {  	_ =	strace $0x9000005A  }
0xb5: {  	_ =	sfence  }
0xb6: {  	s30 =	sld [smem:$0x0];
	_ =	sdelay $0x2  }
0xb7: {  	s31 =	sshll.u32 s1, $0xD;
	s1 =	sshrl.u32 s1, $0x2  }
0xb8: {  	s3 =	sand.u32 $0x4000, s31;
	s1 =	sadd.s32 s1, s30  }
0xb9: {  	s0 =	sor.u32 s3, s0;
	s1 =	sshll.u32 s1, $0x11  }
0xba: {  	s0 =	sor.u32 s1, s0  }
0xbb: {  	s0 =	sadd.s32 $0x8F2B, s0  }
0xbc: {  	[sflag:s0] =	ssyncadd.remote.s32 $0x1  }
0xbd: {  	_ =	sfence.sel $0xFFFF  }
0xbe: {  	[dreg:$0x0] =	wrdreg $0xFFFFFFFF;
	(pc) =	sbr.abs _section_cstart, $3  }
0xbf: {  	[dreg:$0x1] =	wrdreg $0xFFFFFFFF  }
0xc0: {  	_ =	task.clear_ibuf [dreg:s6], $0x2FFFF;
	_ =	strace $0x9FFFFFFF  }
0xc1: {  	(tm) =	ssettm $0x7FFFFFFF  }
tec
execute0_lowered:
.L_overlay_start_1:
0x0: {  	(tag) =	ssettag $0x1  }
0x1: {  	s8 =	rddreg [dreg:$0x0];
	s1 =	stileid.u32  }
0x2: {  	s2 =	srdreg.scid;
	s0 =	rddreg [dreg:$0x1]  }
0x3: {  	_ =	strace $0x80000059;
	s5 =	simm.s32 $0x1;
	s9 =	simm.s32 $0x1  }
0x4: {  	s10 =	simm.s32 $0x3;
	s3 =	sand.u32 $0x1, s2;
	s4 =	sshll.u32 s1, $0x1  }
0x5: {  	s13 =	simm.s32 $0x0;
	s12 =	simm.s32 $0x0;
	s6 =	sor.u32 s4, s3  }
0x6: {  	s2 =	sadd.s32 $0x1C7200, s8;
	[sflag:s5] =	ssyncpa.u1 $0x0;
	s4 =	smul.u32 $0x3100, s6  }
0x7: {  	s3 =	sadd.s32 $0xA0F200, s8;
	p0 =	slt.u32 s6, $0x5;
	s6 =	simm.s32 $0x62000  }
.Ltmp0:
0x8: {  	s6 =	simm.s32 @!p0 $0x0;
	s7 =	ssub.s32 $0x6E400, s4;
	(pc) =	sbr.rel .LBB2_1-.Ltmp0, $4  }
0x9: {  	s9 =	simm.s32 @!p0 $0x0;
	p0 =	sne.s32 s7, s6;
	s7 =	simm.s32 $0x1  }
0xa: {  	s8 =	sadd.s32 $0x6FF200, s8;
	s6 =	simm.s32 $0x2;
	s7 =	simm.s32 @!p0 $0x0  }
0xb: {  	s11 =	smov.u32 s4;
	[sflag:s6] =	ssyncpa.u1 $0x0;
	s7 =	sadd.s32 s9, s7  }
0xc: {  	vm0 =	vmmov $0xffff;
	[sflag:s10] =	ssyncpa.u1 $0x0;
	s10 =	simm.s32 $0x0;
	s9 =	sadd.s32 $0x1, s7  }
.LBB2_4:
0xd: {  	v2 =	vnsel vm1, $0x0, v2  }
0xe: {  	vm1 =	vgt.s32 v0, $0x0;
	v2 =	vmin.u32 v2, $0x61A7F  }
0xf: {  	v0 =	vnsel vm1, $0x0, v0  }
0x10: {  	v0 =	vmin.u32 v0, $0x61A7F  }
0x11: {  	[tilespmem:s18], [sflag:$0x1] =	stream.indirect_vreg.gather [hbm4b:s2+s10], $0x1, v1, vm0, $0x4038;
	[tilespmem:$0xC400] =	vst v63  }
0x12: {  	(ifvalue) =	ssetifvalue $0x7FFFFFFF  }
0x13: {  	[tilespmem:s15], [sflag:$0x1] =	stream.indirect_vreg.gather [hbm4b:s2+s10], $0x1, v2, vm0, $0x4038;
	[tilespmem:$0xC400] =	vst v63  }
0x14: {  	s29 =	sadd.s32 $0x10, s15;
	(ifvalue) =	ssetifvalue $0x7FFFFFFF  }
0x15: {  	[tilespmem:s29], [sflag:$0x1] =	stream.indirect_vreg.gather [hbm4b:s2+s10], $0x1, v0, vm0, $0x4038;
	[tilespmem:$0xC400] =	vst v63  }
0x16: {  	_ =	swait.ge [sflag:s5], $0x3100  }
0x17: {  	s30 =	sshrl.u32 s13, $0x3;
	[sflag:s5] =	ssyncset.done $0x0  }
0x18: {  	s31 =	sand.u32 $0x7, s13;
	s15 =	sadd.s32 s8, s30;
	[sflag:s5] =	ssyncadd.s32 $0xFFFFCF00  }
0x19: {  	[hbm4b:s15+s31] =	stream.linear.scatter [tilespmem:s14], [sflag:$0x3], $0x3100, $0x38;
	[tilespmem:$0xC400] =	vst v63  }
.LBB2_5:
0x1a: {  	s15 =	sadd.s32 $0x62000, s11  }
0x1b: {  	p1 =	sgt.s32 s15, $0x6E3FF  }
0x1c: {  	s15 =	smov.u32 @p1 s4;
	p1 =	sne.s32 s12, s9  }
.Ltmp1:
0x1d: {  	p0 =	slt.u32 s12, $0x2;
	(pc) =	sbr.rel @!p1 .LBB2_6-.Ltmp1, $4  }
0x1e: {  	s14 =	simm.s32 @!p0 $0x3  }
0x1f: {  	_ =	swait.ge @!p0 [sflag:s14], $0x3100  }
0x20: {  	s16 =	sadd.s32 $0x1, s12;
	s13 =	smov.u32 s11;
	[sflag:s14] =	ssyncset.done @!p0 $0x0  }
0x21: {  	s12 =	smov.u32 s16;
	s11 =	smov.u32 s15;
	[sflag:s14] =	ssyncadd.s32 @!p0 $0xFFFFCF00  }
.LBB2_1:
0x22: {  	p0 =	sge.u32 s12, s7  }
0x23: {  	s14 =	sxor.u32 @!p0 $0x1, s12  }
0x24: {  	s14 =	smul.u32 @!p0 $0xC400, s14  }
0x25: {  	s31 =	sadd.s32 $0xFFFFFFFF, s12;
	s15 =	sshrl.u32 @!p0 s11, $0x3  }
0x26: {  	s16 =	sand.u32 @!p0 $0x7, s11;
	s15 =	sadd.s32 @!p0 s3, s15;
	s14 =	sshra.s32 @!p0 s14, $0x2  }
0x27: {  	[tilespmem:s14], [sflag:$0x2] =	stream.linear.gather @!p0 [hbm4b:s15+s16], $0x3100, $0x38;
	[tilespmem:$0xC400] =	vst v63  }
0x28: {  	p0 =	sge.u32 s31, s7  }
.Ltmp2:
0x29: {  	_ = 	snop;
	(pc) =	sbr.rel @p0 .LBB2_5-.Ltmp2, $1  }
0x2a: {  	_ =	sdelay $0x3  }
0x2b: {  	s14 =	sand.u32 $0x1, s12  }
0x2c: {  	_ =	swait.ge [sflag:s6], $0x3100;
	p0 =	seq.s32 s14, $0x1;
	s14 =	simm.s32 $0x3100  }
0x2d: {  	[sflag:s6] =	ssyncset.done $0x0;
	s14 =	simm.s32 @!p0 $0x0  }
0x2e: {  	[sflag:s6] =	ssyncadd.s32 $0xFFFFCF00;
	(ifvalue) =	ssetifvalue $0x7FFFFFFF;
	v0 =	vld.msk [tilespmem:s14+$0x0 ss:$0x1], $0xffff;
	_ =	sdelay $0x4  }
0x2f: {  	s15 =	sadd.s32 $0x10, s14;
	vm1 =	vgt.s32 v0, $0x0  }
0x30: {  	v2 =	vld.msk [tilespmem:s15+$0x0 ss:$0x1], $0xffff;
	v1 =	vnsel vm1, $0x0, v0  }
0x31: {  	v1 =	vmin.u32 v1, $0x61A7F;
	_ =	sdelay $0x2  }
0x32: {  	s17 =	simm.s32 $0x20;
	s14 =	sadd.s32 $0x6200, s14;
	s16 =	sadd.s32 $0x10, s15  }
0x33: {  	s15 =	sadd.s32 $0x10, s14;
	s18 =	smov.u32 s14;
	v0 =	vld.msk [tilespmem:s16+$0x0 ss:$0x1], $0xffff;
	vm1 =	vgt.s32 v2, $0x0;
	(ifvalue) =	ssetifvalue $0x7FFFFFFF  }
.LBB2_3:
0x34: {  	[tilespmem:s18], [sflag:$0x1] =	stream.indirect_vreg.gather [hbm4b:s2+s10], $0x1, v1, vm0, $0x4038;
	[tilespmem:$0xC400] =	vst v63  }
0x35: {  	s17 =	sadd.s32 $0x10, s17  }
0x36: {  	v2 =	vnsel vm1, $0x0, v2;
	p0 =	slt.u32 s17, $0x30F0  }
.Ltmp3:
0x37: {  	s18 =	smov.u32 s15;
	v1 =	vmin.u32 v2, $0x61A7F;
	(pc) =	sbr.rel @p0 .LBB2_3-.Ltmp3, $3  }
0x38: {  	_ =	sdelay $0x1  }
0x39: {  	s16 =	sadd.s32 $0x10, s16  }
0x3a: {  	vm1 =	vgt.s32 v0, $0x0;
	s15 =	sadd.s32 $0x10, s15;
	v2 =	vmov v0;
	(ifvalue) =	ssetifvalue $0x7FFFFFFF;
	v0 =	vld.msk [tilespmem:s16+$0x0 ss:$0x1], $0xffff  }
.Ltmp4:
0x3b: {  	_ = 	snop;
	(pc) =	sbr.rel .LBB2_4-.Ltmp4, $1  }
0x3c: {  	_ =	sdelay $0x3  }
.LBB2_6:
0x3d: {  	_ =	sfence.sel $0x180000  }
0x3e: {  	s2 =	simm.s32 $0x2;
	[bflag:$0x0] =	sbarrier.arrive $0xFFFF  }
0x3f: {  	s30 =	simm.s32 $0x3;
	[sflag:s2] =	ssyncpa.u1 $0x1  }
0x40: {  	s31 =	simm.s32 $0x1;
	[sflag:s30] =	ssyncpa.u1 $0x1  }
0x41: {  	[sflag:s31] =	ssyncpa.u1 $0x1  }
0x42: {  	p0 =	sne.s32 s1, $0x0;
	_ =	strace $0x90000059  }
0x43: {  	s0 =	sadd.s32 @!p0 $0x100000, s0;
	[bflag:$0x2] =	sbarrier.arrive $0xFFFF  }
0x44: {  	[sflag:s0] =	ssyncadd.tile.s32 @!p0 $0x1;
	_ =	shalt  }
.Lfunc_end2:
_tile_overlayer_lowered:
.L_overlay_start_2:
0x45: {  	(tag) =	ssettag $0x2  }
0x46: {  	s0 =	rddreg [dreg:$0x0];
	s2 =	stileid.u32  }
0x47: {  	s1 =	rddreg [dreg:$0x1];
	p0 =	sne.s32 s2, $0x0  }
0x48: {  	s3 =	rddreg [dreg:$0x2];
	[bflag:$0x3] =	sbarrier.arrive $0xFFFF;
	s2 =	simm.s32 @!p0 $0x1C01  }
0x49: {  	[timem:s3], [sflag:s2] =	dma.local @!p0 [hbm:s0], s1  }
0x4a: {  	s0 =	simm.s32 @!p0 $0x1  }
0x4b: {  	_ =	swait.ge @!p0 [sflag:s0], s1  }
0x4c: {  	s1 =	ssub.s32 @!p0 $0x0, s1;
	[sflag:s0] =	ssyncset.done @!p0 $0x0  }
0x4d: {  	[sflag:s0] =	ssyncadd.s32 @!p0 s1  }
0x4e: {  	[bflag:$0x3] =	sbarrier.arrive $0xFFFF  }
0x4f: {  	_ =	shalt  }

// kernel: gather_offload_async_start.11
scs
__scs_entry_jumppad:
0x0: {  	(pc) =	sbr.rel $0x88, $3  }
0x1: {  	(tag) =	ssettag $0x0;
	lr =	simm.s32 $0x1  }
0x2: {  	[smem:$0x3F5F] =	sst lr;
	_ =	strace $0xD0000000  }
0x3: {  	_ = 	snop  }
0x4: {  	_ = 	snop  }
0x5: {  	_ = 	snop  }
0x6: {  	_ = 	snop  }
0x7: {  	_ = 	snop  }
__scs_overlays_trampoline_lowered:
0x8: {  	[smem:$0x3F6E] =	sst s0  }
0x9: {  	[smem:$0x3F6F] =	sst s1  }
0xa: {  	[smem:$0x3F70] =	sst s2  }
0xb: {  	[smem:$0x3F71] =	sst s3  }
0xc: {  	[smem:$0x3F72] =	sst s4  }
0xd: {  	[smem:$0x3F73] =	sst s5  }
0xe: {  	[smem:$0x3F74] =	sst s6  }
0xf: {  	[smem:$0x3F75] =	sst s7  }
0x10: {  	[smem:$0x3F76] =	sst s8  }
0x11: {  	[smem:$0x3F77] =	sst s9;
	s0 =	simm.s32 @!p0 $0x0  }
0x12: {  	s1 =	sld [smem:$0x3F5D];
	s0 =	simm.s32 @p0 $0x1  }
0x13: {  	[smem:$0x3F78] =	sst s0;
	s0 =	simm.s32 @!p1 $0x0  }
0x14: {  	s2 =	sld [smem:$0x3F5C];
	s0 =	simm.s32 @p1 $0x1  }
0x15: {  	[smem:$0x3F79] =	sst s0;
	s0 =	simm.s32 @!p2 $0x0  }
0x16: {  	s3 =	sld [smem:$0x3FDB];
	s0 =	simm.s32 @p2 $0x1  }
0x17: {  	s4 =	simm.s32 $0x1BF5;
	[smem:$0x3F7B] =	sst s0  }
0x18: {  	s0 =	sld [smem:$0x3F5E];
	_ =	swait.ge [sflag:s4], $0x0  }
0x19: {  	s7 =	sld [smem:$0x3F5F]  }
0x1a: {  	s8 =	sadd.s32 $0xFFFFE003, lr  }
0x1b: {  	s9 =	sadd.s32 $0xFFFFFEF7, lr;
	s5 =	simm.s32 $0xFFFFFFFF;
	p2 =	slt.u32 s8, $0xFFFFF086  }
0x1c: {  	p1 =	slt.u32 s9, $0xF7A;
	s5 =	simm.s32 @!p2 $0x0  }
0x1d: {  	s5 =	simm.s32 @p1 $0x1;
	p0 =	seq.s32 s7, s2  }
0x1e: {  	s7 =	smul.u32 @!p0 $0xF7A, s2;
	p2 =	seq.s32 @!p0 s5, $0x0  }
0x1f: {  	s9 =	smul.u32 $0xF7A, s1;
	s8 =	simm.s32 @!p0 $0x1BF5;
	p2 =	por !p2, p0  }
0x20: {  	[sflag:s8] =	ssyncset.s32 @!p0 $0xFFFFF086;
	s6 =	sadd.s32 @!p0 s3, s7;
	s7 =	simm.s32 @!p0 $0x108  }
0x21: {  	s3 =	sadd.s32 s3, s9;
	s6 =	sadd.s32 @!p0 $0x88, s6;
	s7 =	simm.s32 @p2 $0x1082  }
0x22: {  	[simem:s7], [sflag:s8] =	dma.local @!p0 [hbm:s6], $0xF7A  }
0x23: {  	s9 =	sor.u32 $0xD0000000, s2;
	s6 =	simm.s32 $0x108;
	_ =	swait.ge @!p0 [sflag:s8], $0x0  }
0x24: {  	s3 =	sadd.s32 $0x88, s3;
	s6 =	simm.s32 @!p1 $0x1082;
	[sflag:s4] =	ssyncset.s32 $0xFFFFF086  }
0x25: {  	[simem:s6], [sflag:s4] =	dma.local [hbm:s3], $0xF7A  }
0x26: {  	[smem:$0x3F5F] =	sst s1;
	(tag) =	ssettag s2;
	_ =	strace s9  }
0x27: {  	s1 =	sld [smem:$0x3F6F]  }
0x28: {  	s2 =	sld [smem:$0x3F70]  }
0x29: {  	s4 =	sld [smem:$0x3F72]  }
0x2a: {  	p0 =	seq.s32 s5, $0x0;
	s5 =	sld [smem:$0x3F73]  }
0x2b: {  	s6 =	sld [smem:$0x3F74]  }
0x2c: {  	s7 =	sld [smem:$0x3F75]  }
0x2d: {  	s3 =	simm.s32 $0x108;
	s8 =	sld [smem:$0x3F76]  }
0x2e: {  	s3 =	simm.s32 @!p0 $0x1082;
	s9 =	sld [smem:$0x3F77]  }
0x2f: {  	lr =	sadd.s32 s0, s3;
	s0 =	sld [smem:$0x3F6E]  }
0x30: {  	s3 =	sld [smem:$0x3F71]  }
0x31: {  	[smem:$0x3F7A] =	sst s10  }
0x32: {  	s10 =	sld [smem:$0x3F78];
	_ =	sdelay $0x3  }
0x33: {  	p0 =	seq.s32 s10, $0x1;
	s10 =	sld [smem:$0x3F7A];
	_ =	sdelay $0x3  }
0x34: {  	[smem:$0x3F7A] =	sst s10  }
0x35: {  	s10 =	sld [smem:$0x3F79];
	_ =	sdelay $0x3  }
0x36: {  	p1 =	seq.s32 s10, $0x1;
	s10 =	sld [smem:$0x3F7A];
	_ =	sdelay $0x3  }
0x37: {  	[smem:$0x3F7A] =	sst s10  }
0x38: {  	s10 =	sld [smem:$0x3F7B]  }
0x39: {  	_ = 	snop;
	(pc) =	sbr.ind lr, $3  }
0x3a: {  	_ = 	snop  }
0x3b: {  	_ = 	snop  }
0x3c: {  	p2 =	seq.s32 s10, $0x1;
	s10 =	sld [smem:$0x3F7A]  }
0x3d: {  	_ =	shalt  }
0x3e: {  	_ =	shalt  }
0x3f: {  	_ =	shalt  }
0x40: {  	_ =	shalt  }
0x41: {  	_ =	shalt  }
0x42: {  	_ =	shalt  }
0x43: {  	_ =	shalt  }
0x44: {  	_ =	shalt  }
0x45: {  	_ =	shalt  }
0x46: {  	_ =	shalt  }
0x47: {  	_ =	shalt  }
0x48: {  	_ =	shalt  }
0x49: {  	_ =	shalt  }
0x4a: {  	_ =	shalt  }
0x4b: {  	_ =	shalt  }
0x4c: {  	_ =	shalt  }
0x4d: {  	_ =	shalt  }
0x4e: {  	_ =	shalt  }
0x4f: {  	_ =	shalt  }
0x50: {  	_ =	shalt  }
0x51: {  	_ =	shalt  }
0x52: {  	_ =	shalt  }
0x53: {  	_ =	shalt  }
0x54: {  	_ =	shalt  }
0x55: {  	_ =	shalt  }
0x56: {  	_ =	shalt  }
0x57: {  	_ =	shalt  }
0x58: {  	_ =	shalt  }
0x59: {  	_ =	shalt  }
0x5a: {  	_ =	shalt  }
0x5b: {  	_ =	shalt  }
0x5c: {  	_ =	shalt  }
0x5d: {  	_ =	shalt  }
0x5e: {  	_ =	shalt  }
0x5f: {  	_ =	shalt  }
0x60: {  	_ =	shalt  }
0x61: {  	_ =	shalt  }
0x62: {  	_ =	shalt  }
0x63: {  	_ =	shalt  }
0x64: {  	_ =	shalt  }
0x65: {  	_ =	shalt  }
0x66: {  	_ =	shalt  }
0x67: {  	_ =	shalt  }
0x68: {  	_ =	shalt  }
0x69: {  	_ =	shalt  }
0x6a: {  	_ =	shalt  }
0x6b: {  	_ =	shalt  }
0x6c: {  	_ =	shalt  }
0x6d: {  	_ =	shalt  }
0x6e: {  	_ =	shalt  }
0x6f: {  	_ =	shalt  }
0x70: {  	_ =	shalt  }
0x71: {  	_ =	shalt  }
0x72: {  	_ =	shalt  }
0x73: {  	_ =	shalt  }
0x74: {  	_ =	shalt  }
0x75: {  	_ =	shalt  }
0x76: {  	_ =	shalt  }
0x77: {  	_ =	shalt  }
0x78: {  	_ =	shalt  }
0x79: {  	_ =	shalt  }
0x7a: {  	_ =	shalt  }
0x7b: {  	_ =	shalt  }
0x7c: {  	_ =	shalt  }
0x7d: {  	_ =	shalt  }
0x7e: {  	_ =	shalt  }
0x7f: {  	_ =	shalt  }
0x80: {  	_ =	shalt  }
0x81: {  	_ =	shalt  }
0x82: {  	_ =	shalt  }
0x83: {  	_ =	shalt  }
0x84: {  	_ =	shalt  }
0x85: {  	_ =	shalt  }
0x86: {  	_ =	shalt  }
0x87: {  	_ =	shalt  }
.Lfunc_end0:
.L_simem_size_0:
called_computation.11_lowered:
.L_overlay_start_0:
0x88: {  	s2 =	sld [smem:$0x3FD9]  }
0x89: {  	s3 =	sld [smem:$0x3FFE];
	_ =	sdelay $0x1  }
0x8a: {  	s1 =	srdreg.scid  }
0x8b: {  	s0 =	sand.u32 $0x1, s1  }
0x8c: {  	s16 =	sshll.u32 s0, $0xA;
	s2 =	sadd.s32 s3, s2  }
0x8d: {  	s2 =	sadd.s32 s2, s16  }
0x8e: {  	[smem:$0x3F86] =	sst s2  }
0x8f: {  	_ = 	snop  }
0x90: {  	(tm) =	ssettm $0x1  }
0x91: {  	s17 =	sld [smem:$0x3FFB];
	_ =	sdelay $0x3  }
0x92: {  	_ =	strace s17  }
0x93: {  	s2 =	sld [smem:$0x3FFC];
	_ =	sdelay $0x3  }
0x94: {  	_ =	strace s2  }
0x95: {  	s2 =	sld [smem:$0x3FFD];
	_ =	sdelay $0x3  }
0x96: {  	_ =	strace s2  }
0x97: {  	_ =	strace $0x8FFFFFFF  }
0x98: {  	s18 =	sld [smem:$0x3FDB];
	_ =	sdelay $0x1  }
0x99: {  	s19 =	simm.s32 $_scs_section_size  }
0x9a: {  	s4 =	simm.s32 $_size__tile_overlayer_lowered;
	s5 =	simm.s32 $_tile_overlayer_lowered  }
0x9b: {  	s22 =	simm.s32 $0x1BFF;
	s21 =	sshll.u32 s5, $0x1;
	s2 =	sadd.s32 s19, s18  }
0x9c: {  	s6 =	simm.s32 $0x0;
	s20 =	sshll.u32 s4, $0x1;
	s4 =	sadd.s32 s21, s2  }
0x9d: {  	[timem:s6], [sflag:s22] =	dma.local [hbm:s4], s20  }
0x9e: {  	_ =	swait.ge [sflag:s22], s20  }
0x9f: {  	s3 =	ssub.s32 $0x0, s20;
	[sflag:s22] =	ssyncset.done $0x0  }
0xa0: {  	[sflag:s22] =	ssyncadd.s32 s3;
	_ =	sdelay $0x1  }
0xa1: {  	s23 =	simm.s32 $0x1B8B  }
0xa2: {  	_ =	swait.ge [sflag:s23], $0x1  }
0xa3: {  	[sflag:s23] =	ssyncset.done $0x0  }
0xa4: {  	s25 =	simm.s32 $0x1B8E;
	s24 =	sld [smem:$0x3FFE];
	[sflag:s23] =	ssyncadd.s32 $0xFFFFFFFF  }
0xa5: {  	s26 =	simm.s32 $execute0_lowered;
	[smem:$0x3FD2] =	sst s25  }
0xa6: {  	s4 =	sshll.u32 s26, $0x1;
	_ =	strace $0x8000005B;
	[dreg:$0x1] =	wrdreg $0xFFFFFFFF  }
0xa7: {  	s28 =	simm.s32 $_size_execute0_lowered;
	s2 =	sadd.s32 s2, s4;
	[dreg:$0x0] =	wrdreg $0x0  }
0xa8: {  	s4 =	sshll.u32 s28, $0x1;
	[dreg:$0x2] =	wrdreg s2  }
0xa9: {  	[dreg:$0x3] =	wrdreg s4  }
0xaa: {  	[dreg:$0x4] =	wrdreg $0xC0  }
0xab: {  	_ =	task [dreg:s6], $0x5FFFF  }
0xac: {  	[dreg:$0x1] =	wrdreg $0xFFFFFFFF  }
0xad: {  	[dreg:$0x0] =	wrdreg $0x60  }
0xae: {  	[dreg:$0x2] =	wrdreg s24  }
0xaf: {  	[dreg:$0x3] =	wrdreg $0x9  }
0xb0: {  	_ =	task.clear_ibuf [dreg:s6], $0x4FFFF;
	_ =	strace $0x9000005B  }
0xb1: {  	s29 =	simm.s32 $0x9;
	_ =	strace $0x8000005D  }
0xb2: {  	_ =	swait.ge [sflag:s29], $0x1  }
0xb3: {  	[sflag:s29] =	ssyncadd.s32 $0xFFFFFFFF  }
0xb4: {  	_ =	strace $0x9000005D  }
0xb5: {  	_ =	sfence  }
0xb6: {  	s30 =	sld [smem:$0x0];
	_ =	sdelay $0x2  }
0xb7: {  	s31 =	sshll.u32 s1, $0xD;
	s1 =	sshrl.u32 s1, $0x2  }
0xb8: {  	s3 =	sand.u32 $0x4000, s31;
	s1 =	sadd.s32 s1, s30  }
0xb9: {  	s0 =	sor.u32 s3, s0;
	s1 =	sshll.u32 s1, $0x11  }
0xba: {  	s0 =	sor.u32 s1, s0  }
0xbb: {  	s0 =	sadd.s32 $0x8F2B, s0  }
0xbc: {  	[sflag:s0] =	ssyncadd.remote.s32 $0x1  }
0xbd: {  	_ =	sfence.sel $0xFFFF  }
0xbe: {  	[dreg:$0x0] =	wrdreg $0xFFFFFFFF;
	(pc) =	sbr.abs _section_cstart, $3  }
0xbf: {  	[dreg:$0x1] =	wrdreg $0xFFFFFFFF  }
0xc0: {  	_ =	task.clear_ibuf [dreg:s6], $0x2FFFF;
	_ =	strace $0x9FFFFFFF  }
0xc1: {  	(tm) =	ssettm $0x7FFFFFFF  }
tec
execute0_lowered:
.L_overlay_start_1:
0x0: {  	(tag) =	ssettag $0x1  }
0x1: {  	s8 =	rddreg [dreg:$0x0];
	s1 =	stileid.u32  }
0x2: {  	s2 =	srdreg.scid;
	s0 =	rddreg [dreg:$0x1]  }
0x3: {  	_ =	strace $0x8000005C;
	s5 =	simm.s32 $0x1;
	s9 =	simm.s32 $0x1  }
0x4: {  	s10 =	simm.s32 $0x3;
	s3 =	sand.u32 $0x1, s2;
	s4 =	sshll.u32 s1, $0x1  }
0x5: {  	s13 =	simm.s32 $0x0;
	s12 =	simm.s32 $0x0;
	s6 =	sor.u32 s4, s3  }
0x6: {  	s2 =	sadd.s32 $0x1D3600, s8;
	[sflag:s5] =	ssyncpa.u1 $0x0;
	s4 =	smul.u32 $0x3100, s6  }
0x7: {  	s3 =	sadd.s32 $0xA0F200, s8;
	p0 =	slt.u32 s6, $0x5;
	s6 =	simm.s32 $0x62000  }
.Ltmp0:
0x8: {  	s6 =	simm.s32 @!p0 $0x0;
	s7 =	ssub.s32 $0x6E400, s4;
	(pc) =	sbr.rel .LBB2_1-.Ltmp0, $4  }
0x9: {  	s9 =	simm.s32 @!p0 $0x0;
	p0 =	sne.s32 s7, s6;
	s7 =	simm.s32 $0x1  }
0xa: {  	s8 =	sadd.s32 $0x70D000, s8;
	s6 =	simm.s32 $0x2;
	s7 =	simm.s32 @!p0 $0x0  }
0xb: {  	s11 =	smov.u32 s4;
	[sflag:s6] =	ssyncpa.u1 $0x0;
	s7 =	sadd.s32 s9, s7  }
0xc: {  	vm0 =	vmmov $0xffff;
	[sflag:s10] =	ssyncpa.u1 $0x0;
	s10 =	simm.s32 $0x0;
	s9 =	sadd.s32 $0x1, s7  }
.LBB2_4:
0xd: {  	v2 =	vnsel vm1, $0x0, v2  }
0xe: {  	vm1 =	vgt.s32 v0, $0x0;
	v2 =	vmin.u32 v2, $0x61A7F  }
0xf: {  	v0 =	vnsel vm1, $0x0, v0  }
0x10: {  	v0 =	vmin.u32 v0, $0x61A7F  }
0x11: {  	[tilespmem:s18], [sflag:$0x1] =	stream.indirect_vreg.gather [hbm4b:s2+s10], $0x1, v1, vm0, $0x4038;
	[tilespmem:$0xC400] =	vst v63  }
0x12: {  	(ifvalue) =	ssetifvalue $0x7FFFFFFF  }
0x13: {  	[tilespmem:s15], [sflag:$0x1] =	stream.indirect_vreg.gather [hbm4b:s2+s10], $0x1, v2, vm0, $0x4038;
	[tilespmem:$0xC400] =	vst v63  }
0x14: {  	s29 =	sadd.s32 $0x10, s15;
	(ifvalue) =	ssetifvalue $0x7FFFFFFF  }
0x15: {  	[tilespmem:s29], [sflag:$0x1] =	stream.indirect_vreg.gather [hbm4b:s2+s10], $0x1, v0, vm0, $0x4038;
	[tilespmem:$0xC400] =	vst v63  }
0x16: {  	_ =	swait.ge [sflag:s5], $0x3100  }
0x17: {  	s30 =	sshrl.u32 s13, $0x3;
	[sflag:s5] =	ssyncset.done $0x0  }
0x18: {  	s31 =	sand.u32 $0x7, s13;
	s15 =	sadd.s32 s8, s30;
	[sflag:s5] =	ssyncadd.s32 $0xFFFFCF00  }
0x19: {  	[hbm4b:s15+s31] =	stream.linear.scatter [tilespmem:s14], [sflag:$0x3], $0x3100, $0x38;
	[tilespmem:$0xC400] =	vst v63  }
.LBB2_5:
0x1a: {  	s15 =	sadd.s32 $0x62000, s11  }
0x1b: {  	p1 =	sgt.s32 s15, $0x6E3FF  }
0x1c: {  	s15 =	smov.u32 @p1 s4;
	p1 =	sne.s32 s12, s9  }
.Ltmp1:
0x1d: {  	p0 =	slt.u32 s12, $0x2;
	(pc) =	sbr.rel @!p1 .LBB2_6-.Ltmp1, $4  }
0x1e: {  	s14 =	simm.s32 @!p0 $0x3  }
0x1f: {  	_ =	swait.ge @!p0 [sflag:s14], $0x3100  }
0x20: {  	s16 =	sadd.s32 $0x1, s12;
	s13 =	smov.u32 s11;
	[sflag:s14] =	ssyncset.done @!p0 $0x0  }
0x21: {  	s12 =	smov.u32 s16;
	s11 =	smov.u32 s15;
	[sflag:s14] =	ssyncadd.s32 @!p0 $0xFFFFCF00  }
.LBB2_1:
0x22: {  	p0 =	sge.u32 s12, s7  }
0x23: {  	s14 =	sxor.u32 @!p0 $0x1, s12  }
0x24: {  	s14 =	smul.u32 @!p0 $0xC400, s14  }
0x25: {  	s31 =	sadd.s32 $0xFFFFFFFF, s12;
	s15 =	sshrl.u32 @!p0 s11, $0x3  }
0x26: {  	s16 =	sand.u32 @!p0 $0x7, s11;
	s15 =	sadd.s32 @!p0 s3, s15;
	s14 =	sshra.s32 @!p0 s14, $0x2  }
0x27: {  	[tilespmem:s14], [sflag:$0x2] =	stream.linear.gather @!p0 [hbm4b:s15+s16], $0x3100, $0x38;
	[tilespmem:$0xC400] =	vst v63  }
0x28: {  	p0 =	sge.u32 s31, s7  }
.Ltmp2:
0x29: {  	_ = 	snop;
	(pc) =	sbr.rel @p0 .LBB2_5-.Ltmp2, $1  }
0x2a: {  	_ =	sdelay $0x3  }
0x2b: {  	s14 =	sand.u32 $0x1, s12  }
0x2c: {  	_ =	swait.ge [sflag:s6], $0x3100;
	p0 =	seq.s32 s14, $0x1;
	s14 =	simm.s32 $0x3100  }
0x2d: {  	[sflag:s6] =	ssyncset.done $0x0;
	s14 =	simm.s32 @!p0 $0x0  }
0x2e: {  	[sflag:s6] =	ssyncadd.s32 $0xFFFFCF00;
	(ifvalue) =	ssetifvalue $0x7FFFFFFF;
	v0 =	vld.msk [tilespmem:s14+$0x0 ss:$0x1], $0xffff;
	_ =	sdelay $0x4  }
0x2f: {  	s15 =	sadd.s32 $0x10, s14;
	vm1 =	vgt.s32 v0, $0x0  }
0x30: {  	v2 =	vld.msk [tilespmem:s15+$0x0 ss:$0x1], $0xffff;
	v1 =	vnsel vm1, $0x0, v0  }
0x31: {  	v1 =	vmin.u32 v1, $0x61A7F;
	_ =	sdelay $0x2  }
0x32: {  	s17 =	simm.s32 $0x20;
	s14 =	sadd.s32 $0x6200, s14;
	s16 =	sadd.s32 $0x10, s15  }
0x33: {  	s15 =	sadd.s32 $0x10, s14;
	s18 =	smov.u32 s14;
	v0 =	vld.msk [tilespmem:s16+$0x0 ss:$0x1], $0xffff;
	vm1 =	vgt.s32 v2, $0x0;
	(ifvalue) =	ssetifvalue $0x7FFFFFFF  }
.LBB2_3:
0x34: {  	[tilespmem:s18], [sflag:$0x1] =	stream.indirect_vreg.gather [hbm4b:s2+s10], $0x1, v1, vm0, $0x4038;
	[tilespmem:$0xC400] =	vst v63  }
0x35: {  	s17 =	sadd.s32 $0x10, s17  }
0x36: {  	v2 =	vnsel vm1, $0x0, v2;
	p0 =	slt.u32 s17, $0x30F0  }
.Ltmp3:
0x37: {  	s18 =	smov.u32 s15;
	v1 =	vmin.u32 v2, $0x61A7F;
	(pc) =	sbr.rel @p0 .LBB2_3-.Ltmp3, $3  }
0x38: {  	_ =	sdelay $0x1  }
0x39: {  	s16 =	sadd.s32 $0x10, s16  }
0x3a: {  	vm1 =	vgt.s32 v0, $0x0;
	s15 =	sadd.s32 $0x10, s15;
	v2 =	vmov v0;
	(ifvalue) =	ssetifvalue $0x7FFFFFFF;
	v0 =	vld.msk [tilespmem:s16+$0x0 ss:$0x1], $0xffff  }
.Ltmp4:
0x3b: {  	_ = 	snop;
	(pc) =	sbr.rel .LBB2_4-.Ltmp4, $1  }
0x3c: {  	_ =	sdelay $0x3  }
.LBB2_6:
0x3d: {  	_ =	sfence.sel $0x180000  }
0x3e: {  	s2 =	simm.s32 $0x2;
	[bflag:$0x0] =	sbarrier.arrive $0xFFFF  }
0x3f: {  	s30 =	simm.s32 $0x3;
	[sflag:s2] =	ssyncpa.u1 $0x1  }
0x40: {  	s31 =	simm.s32 $0x1;
	[sflag:s30] =	ssyncpa.u1 $0x1  }
0x41: {  	[sflag:s31] =	ssyncpa.u1 $0x1  }
0x42: {  	p0 =	sne.s32 s1, $0x0;
	_ =	strace $0x9000005C  }
0x43: {  	s0 =	sadd.s32 @!p0 $0x100000, s0;
	[bflag:$0x2] =	sbarrier.arrive $0xFFFF  }
0x44: {  	[sflag:s0] =	ssyncadd.tile.s32 @!p0 $0x1;
	_ =	shalt  }
.Lfunc_end2:
_tile_overlayer_lowered:
.L_overlay_start_2:
0x45: {  	(tag) =	ssettag $0x2  }
0x46: {  	s0 =	rddreg [dreg:$0x0];
	s2 =	stileid.u32  }
0x47: {  	s1 =	rddreg [dreg:$0x1];
	p0 =	sne.s32 s2, $0x0  }
0x48: {  	s3 =	rddreg [dreg:$0x2];
	[bflag:$0x3] =	sbarrier.arrive $0xFFFF;
	s2 =	simm.s32 @!p0 $0x1C01  }
0x49: {  	[timem:s3], [sflag:s2] =	dma.local @!p0 [hbm:s0], s1  }
0x4a: {  	s0 =	simm.s32 @!p0 $0x1  }
0x4b: {  	_ =	swait.ge @!p0 [sflag:s0], s1  }
0x4c: {  	s1 =	ssub.s32 @!p0 $0x0, s1;
	[sflag:s0] =	ssyncset.done @!p0 $0x0  }
0x4d: {  	[sflag:s0] =	ssyncadd.s32 @!p0 s1  }
0x4e: {  	[bflag:$0x3] =	sbarrier.arrive $0xFFFF  }
0x4f: {  	_ =	shalt  }

// kernel: gather_offload_async_start.1
scs
__scs_entry_jumppad:
0x0: {  	(pc) =	sbr.rel $0x88, $3  }
0x1: {  	(tag) =	ssettag $0x0;
	lr =	simm.s32 $0x1  }
0x2: {  	[smem:$0x3F5F] =	sst lr;
	_ =	strace $0xD0000000  }
0x3: {  	_ = 	snop  }
0x4: {  	_ = 	snop  }
0x5: {  	_ = 	snop  }
0x6: {  	_ = 	snop  }
0x7: {  	_ = 	snop  }
__scs_overlays_trampoline_lowered:
0x8: {  	[smem:$0x3F6E] =	sst s0  }
0x9: {  	[smem:$0x3F6F] =	sst s1  }
0xa: {  	[smem:$0x3F70] =	sst s2  }
0xb: {  	[smem:$0x3F71] =	sst s3  }
0xc: {  	[smem:$0x3F72] =	sst s4  }
0xd: {  	[smem:$0x3F73] =	sst s5  }
0xe: {  	[smem:$0x3F74] =	sst s6  }
0xf: {  	[smem:$0x3F75] =	sst s7  }
0x10: {  	[smem:$0x3F76] =	sst s8  }
0x11: {  	[smem:$0x3F77] =	sst s9;
	s0 =	simm.s32 @!p0 $0x0  }
0x12: {  	s1 =	sld [smem:$0x3F5D];
	s0 =	simm.s32 @p0 $0x1  }
0x13: {  	[smem:$0x3F78] =	sst s0;
	s0 =	simm.s32 @!p1 $0x0  }
0x14: {  	s2 =	sld [smem:$0x3F5C];
	s0 =	simm.s32 @p1 $0x1  }
0x15: {  	[smem:$0x3F79] =	sst s0;
	s0 =	simm.s32 @!p2 $0x0  }
0x16: {  	s3 =	sld [smem:$0x3FDB];
	s0 =	simm.s32 @p2 $0x1  }
0x17: {  	s4 =	simm.s32 $0x1BF5;
	[smem:$0x3F7B] =	sst s0  }
0x18: {  	s0 =	sld [smem:$0x3F5E];
	_ =	swait.ge [sflag:s4], $0x0  }
0x19: {  	s7 =	sld [smem:$0x3F5F]  }
0x1a: {  	s8 =	sadd.s32 $0xFFFFE003, lr  }
0x1b: {  	s9 =	sadd.s32 $0xFFFFFEF7, lr;
	s5 =	simm.s32 $0xFFFFFFFF;
	p2 =	slt.u32 s8, $0xFFFFF086  }
0x1c: {  	p1 =	slt.u32 s9, $0xF7A;
	s5 =	simm.s32 @!p2 $0x0  }
0x1d: {  	s5 =	simm.s32 @p1 $0x1;
	p0 =	seq.s32 s7, s2  }
0x1e: {  	s7 =	smul.u32 @!p0 $0xF7A, s2;
	p2 =	seq.s32 @!p0 s5, $0x0  }
0x1f: {  	s9 =	smul.u32 $0xF7A, s1;
	s8 =	simm.s32 @!p0 $0x1BF5;
	p2 =	por !p2, p0  }
0x20: {  	[sflag:s8] =	ssyncset.s32 @!p0 $0xFFFFF086;
	s6 =	sadd.s32 @!p0 s3, s7;
	s7 =	simm.s32 @!p0 $0x108  }
0x21: {  	s3 =	sadd.s32 s3, s9;
	s6 =	sadd.s32 @!p0 $0x88, s6;
	s7 =	simm.s32 @p2 $0x1082  }
0x22: {  	[simem:s7], [sflag:s8] =	dma.local @!p0 [hbm:s6], $0xF7A  }
0x23: {  	s9 =	sor.u32 $0xD0000000, s2;
	s6 =	simm.s32 $0x108;
	_ =	swait.ge @!p0 [sflag:s8], $0x0  }
0x24: {  	s3 =	sadd.s32 $0x88, s3;
	s6 =	simm.s32 @!p1 $0x1082;
	[sflag:s4] =	ssyncset.s32 $0xFFFFF086  }
0x25: {  	[simem:s6], [sflag:s4] =	dma.local [hbm:s3], $0xF7A  }
0x26: {  	[smem:$0x3F5F] =	sst s1;
	(tag) =	ssettag s2;
	_ =	strace s9  }
0x27: {  	s1 =	sld [smem:$0x3F6F]  }
0x28: {  	s2 =	sld [smem:$0x3F70]  }
0x29: {  	s4 =	sld [smem:$0x3F72]  }
0x2a: {  	p0 =	seq.s32 s5, $0x0;
	s5 =	sld [smem:$0x3F73]  }
0x2b: {  	s6 =	sld [smem:$0x3F74]  }
0x2c: {  	s7 =	sld [smem:$0x3F75]  }
0x2d: {  	s3 =	simm.s32 $0x108;
	s8 =	sld [smem:$0x3F76]  }
0x2e: {  	s3 =	simm.s32 @!p0 $0x1082;
	s9 =	sld [smem:$0x3F77]  }
0x2f: {  	lr =	sadd.s32 s0, s3;
	s0 =	sld [smem:$0x3F6E]  }
0x30: {  	s3 =	sld [smem:$0x3F71]  }
0x31: {  	[smem:$0x3F7A] =	sst s10  }
0x32: {  	s10 =	sld [smem:$0x3F78];
	_ =	sdelay $0x3  }
0x33: {  	p0 =	seq.s32 s10, $0x1;
	s10 =	sld [smem:$0x3F7A];
	_ =	sdelay $0x3  }
0x34: {  	[smem:$0x3F7A] =	sst s10  }
0x35: {  	s10 =	sld [smem:$0x3F79];
	_ =	sdelay $0x3  }
0x36: {  	p1 =	seq.s32 s10, $0x1;
	s10 =	sld [smem:$0x3F7A];
	_ =	sdelay $0x3  }
0x37: {  	[smem:$0x3F7A] =	sst s10  }
0x38: {  	s10 =	sld [smem:$0x3F7B]  }
0x39: {  	_ = 	snop;
	(pc) =	sbr.ind lr, $3  }
0x3a: {  	_ = 	snop  }
0x3b: {  	_ = 	snop  }
0x3c: {  	p2 =	seq.s32 s10, $0x1;
	s10 =	sld [smem:$0x3F7A]  }
0x3d: {  	_ =	shalt  }
0x3e: {  	_ =	shalt  }
0x3f: {  	_ =	shalt  }
0x40: {  	_ =	shalt  }
0x41: {  	_ =	shalt  }
0x42: {  	_ =	shalt  }
0x43: {  	_ =	shalt  }
0x44: {  	_ =	shalt  }
0x45: {  	_ =	shalt  }
0x46: {  	_ =	shalt  }
0x47: {  	_ =	shalt  }
0x48: {  	_ =	shalt  }
0x49: {  	_ =	shalt  }
0x4a: {  	_ =	shalt  }
0x4b: {  	_ =	shalt  }
0x4c: {  	_ =	shalt  }
0x4d: {  	_ =	shalt  }
0x4e: {  	_ =	shalt  }
0x4f: {  	_ =	shalt  }
0x50: {  	_ =	shalt  }
0x51: {  	_ =	shalt  }
0x52: {  	_ =	shalt  }
0x53: {  	_ =	shalt  }
0x54: {  	_ =	shalt  }
0x55: {  	_ =	shalt  }
0x56: {  	_ =	shalt  }
0x57: {  	_ =	shalt  }
0x58: {  	_ =	shalt  }
0x59: {  	_ =	shalt  }
0x5a: {  	_ =	shalt  }
0x5b: {  	_ =	shalt  }
0x5c: {  	_ =	shalt  }
0x5d: {  	_ =	shalt  }
0x5e: {  	_ =	shalt  }
0x5f: {  	_ =	shalt  }
0x60: {  	_ =	shalt  }
0x61: {  	_ =	shalt  }
0x62: {  	_ =	shalt  }
0x63: {  	_ =	shalt  }
0x64: {  	_ =	shalt  }
0x65: {  	_ =	shalt  }
0x66: {  	_ =	shalt  }
0x67: {  	_ =	shalt  }
0x68: {  	_ =	shalt  }
0x69: {  	_ =	shalt  }
0x6a: {  	_ =	shalt  }
0x6b: {  	_ =	shalt  }
0x6c: {  	_ =	shalt  }
0x6d: {  	_ =	shalt  }
0x6e: {  	_ =	shalt  }
0x6f: {  	_ =	shalt  }
0x70: {  	_ =	shalt  }
0x71: {  	_ =	shalt  }
0x72: {  	_ =	shalt  }
0x73: {  	_ =	shalt  }
0x74: {  	_ =	shalt  }
0x75: {  	_ =	shalt  }
0x76: {  	_ =	shalt  }
0x77: {  	_ =	shalt  }
0x78: {  	_ =	shalt  }
0x79: {  	_ =	shalt  }
0x7a: {  	_ =	shalt  }
0x7b: {  	_ =	shalt  }
0x7c: {  	_ =	shalt  }
0x7d: {  	_ =	shalt  }
0x7e: {  	_ =	shalt  }
0x7f: {  	_ =	shalt  }
0x80: {  	_ =	shalt  }
0x81: {  	_ =	shalt  }
0x82: {  	_ =	shalt  }
0x83: {  	_ =	shalt  }
0x84: {  	_ =	shalt  }
0x85: {  	_ =	shalt  }
0x86: {  	_ =	shalt  }
0x87: {  	_ =	shalt  }
.Lfunc_end0:
.L_simem_size_0:
called_computation.1_lowered:
.L_overlay_start_0:
0x88: {  	s2 =	sld [smem:$0x3FD9]  }
0x89: {  	s3 =	sld [smem:$0x3FFE];
	_ =	sdelay $0x1  }
0x8a: {  	s1 =	srdreg.scid  }
0x8b: {  	s0 =	sand.u32 $0x1, s1  }
0x8c: {  	s16 =	sshll.u32 s0, $0xA;
	s2 =	sadd.s32 s3, s2  }
0x8d: {  	s2 =	sadd.s32 s2, s16  }
0x8e: {  	[smem:$0x3F86] =	sst s2  }
0x8f: {  	_ = 	snop  }
0x90: {  	(tm) =	ssettm $0x1  }
0x91: {  	s17 =	sld [smem:$0x3FFB];
	_ =	sdelay $0x3  }
0x92: {  	_ =	strace s17  }
0x93: {  	s2 =	sld [smem:$0x3FFC];
	_ =	sdelay $0x3  }
0x94: {  	_ =	strace s2  }
0x95: {  	s2 =	sld [smem:$0x3FFD];
	_ =	sdelay $0x3  }
0x96: {  	_ =	strace s2  }
0x97: {  	_ =	strace $0x8FFFFFFF  }
0x98: {  	s18 =	sld [smem:$0x3FDB];
	_ =	sdelay $0x1  }
0x99: {  	s19 =	simm.s32 $_scs_section_size  }
0x9a: {  	s4 =	simm.s32 $_size__tile_overlayer_lowered;
	s5 =	simm.s32 $_tile_overlayer_lowered  }
0x9b: {  	s22 =	simm.s32 $0x1BFF;
	s21 =	sshll.u32 s5, $0x1;
	s2 =	sadd.s32 s19, s18  }
0x9c: {  	s6 =	simm.s32 $0x0;
	s20 =	sshll.u32 s4, $0x1;
	s4 =	sadd.s32 s21, s2  }
0x9d: {  	[timem:s6], [sflag:s22] =	dma.local [hbm:s4], s20  }
0x9e: {  	_ =	swait.ge [sflag:s22], s20  }
0x9f: {  	s3 =	ssub.s32 $0x0, s20;
	[sflag:s22] =	ssyncset.done $0x0  }
0xa0: {  	[sflag:s22] =	ssyncadd.s32 s3;
	_ =	sdelay $0x1  }
0xa1: {  	s23 =	simm.s32 $0x1B8B  }
0xa2: {  	_ =	swait.ge [sflag:s23], $0x1  }
0xa3: {  	[sflag:s23] =	ssyncset.done $0x0  }
0xa4: {  	s25 =	simm.s32 $0x1B8E;
	s24 =	sld [smem:$0x3FFE];
	[sflag:s23] =	ssyncadd.s32 $0xFFFFFFFF  }
0xa5: {  	s26 =	simm.s32 $execute0_lowered;
	[smem:$0x3FD2] =	sst s25  }
0xa6: {  	s4 =	sshll.u32 s26, $0x1;
	_ =	strace $0x8000005E;
	[dreg:$0x1] =	wrdreg $0xFFFFFFFF  }
0xa7: {  	s28 =	simm.s32 $_size_execute0_lowered;
	s2 =	sadd.s32 s2, s4;
	[dreg:$0x0] =	wrdreg $0x0  }
0xa8: {  	s4 =	sshll.u32 s28, $0x1;
	[dreg:$0x2] =	wrdreg s2  }
0xa9: {  	[dreg:$0x3] =	wrdreg s4  }
0xaa: {  	[dreg:$0x4] =	wrdreg $0xC0  }
0xab: {  	_ =	task [dreg:s6], $0x5FFFF  }
0xac: {  	[dreg:$0x1] =	wrdreg $0xFFFFFFFF  }
0xad: {  	[dreg:$0x0] =	wrdreg $0x60  }
0xae: {  	[dreg:$0x2] =	wrdreg s24  }
0xaf: {  	[dreg:$0x3] =	wrdreg $0x9  }
0xb0: {  	_ =	task.clear_ibuf [dreg:s6], $0x4FFFF;
	_ =	strace $0x9000005E  }
0xb1: {  	s29 =	simm.s32 $0x9;
	_ =	strace $0x80000060  }
0xb2: {  	_ =	swait.ge [sflag:s29], $0x1  }
0xb3: {  	[sflag:s29] =	ssyncadd.s32 $0xFFFFFFFF  }
0xb4: {  	_ =	strace $0x90000060  }
0xb5: {  	_ =	sfence  }
0xb6: {  	s30 =	sld [smem:$0x0];
	_ =	sdelay $0x2  }
0xb7: {  	s31 =	sshll.u32 s1, $0xD;
	s1 =	sshrl.u32 s1, $0x2  }
0xb8: {  	s3 =	sand.u32 $0x4000, s31;
	s1 =	sadd.s32 s1, s30  }
0xb9: {  	s0 =	sor.u32 s3, s0;
	s1 =	sshll.u32 s1, $0x11  }
0xba: {  	s0 =	sor.u32 s1, s0  }
0xbb: {  	s0 =	sadd.s32 $0x8F2B, s0  }
0xbc: {  	[sflag:s0] =	ssyncadd.remote.s32 $0x1  }
0xbd: {  	_ =	sfence.sel $0xFFFF  }
0xbe: {  	[dreg:$0x0] =	wrdreg $0xFFFFFFFF;
	(pc) =	sbr.abs _section_cstart, $3  }
0xbf: {  	[dreg:$0x1] =	wrdreg $0xFFFFFFFF  }
0xc0: {  	_ =	task.clear_ibuf [dreg:s6], $0x2FFFF;
	_ =	strace $0x9FFFFFFF  }
0xc1: {  	(tm) =	ssettm $0x7FFFFFFF  }
tec
execute0_lowered:
.L_overlay_start_1:
0x0: {  	(tag) =	ssettag $0x1  }
0x1: {  	s8 =	rddreg [dreg:$0x0];
	s1 =	stileid.u32  }
0x2: {  	s2 =	srdreg.scid;
	s0 =	rddreg [dreg:$0x1]  }
0x3: {  	_ =	strace $0x8000005F;
	s5 =	simm.s32 $0x1;
	s9 =	simm.s32 $0x1  }
0x4: {  	s10 =	simm.s32 $0x3;
	s3 =	sand.u32 $0x1, s2;
	s4 =	sshll.u32 s1, $0x1  }
0x5: {  	s13 =	simm.s32 $0x0;
	s12 =	simm.s32 $0x0;
	s6 =	sor.u32 s4, s3  }
0x6: {  	s2 =	sadd.s32 $0x1EBE00, s8;
	[sflag:s5] =	ssyncpa.u1 $0x0;
	s4 =	smul.u32 $0x3100, s6  }
0x7: {  	s3 =	sadd.s32 $0x204600, s8;
	p0 =	slt.u32 s6, $0x5;
	s6 =	simm.s32 $0x62000  }
.Ltmp0:
0x8: {  	s6 =	simm.s32 @!p0 $0x0;
	s7 =	ssub.s32 $0x6E400, s4;
	(pc) =	sbr.rel .LBB2_1-.Ltmp0, $4  }
0x9: {  	s9 =	simm.s32 @!p0 $0x0;
	p0 =	sne.s32 s7, s6;
	s7 =	simm.s32 $0x1  }
0xa: {  	s8 =	sadd.s32 $0x70D000, s8;
	s6 =	simm.s32 $0x2;
	s7 =	simm.s32 @!p0 $0x0  }
0xb: {  	s11 =	smov.u32 s4;
	[sflag:s6] =	ssyncpa.u1 $0x0;
	s7 =	sadd.s32 s9, s7  }
0xc: {  	vm0 =	vmmov $0xffff;
	[sflag:s10] =	ssyncpa.u1 $0x0;
	s10 =	simm.s32 $0x0;
	s9 =	sadd.s32 $0x1, s7  }
.LBB2_4:
0xd: {  	v2 =	vnsel vm1, $0x0, v2  }
0xe: {  	vm1 =	vgt.s32 v0, $0x0;
	v2 =	vmin.u32 v2, $0x61A7F  }
0xf: {  	v0 =	vnsel vm1, $0x0, v0  }
0x10: {  	v0 =	vmin.u32 v0, $0x61A7F  }
0x11: {  	[tilespmem:s18], [sflag:$0x1] =	stream.indirect_vreg.gather [hbm4b:s2+s10], $0x1, v1, vm0, $0x4038;
	[tilespmem:$0xC400] =	vst v63  }
0x12: {  	(ifvalue) =	ssetifvalue $0x7FFFFFFF  }
0x13: {  	[tilespmem:s15], [sflag:$0x1] =	stream.indirect_vreg.gather [hbm4b:s2+s10], $0x1, v2, vm0, $0x4038;
	[tilespmem:$0xC400] =	vst v63  }
0x14: {  	s29 =	sadd.s32 $0x10, s15;
	(ifvalue) =	ssetifvalue $0x7FFFFFFF  }
0x15: {  	[tilespmem:s29], [sflag:$0x1] =	stream.indirect_vreg.gather [hbm4b:s2+s10], $0x1, v0, vm0, $0x4038;
	[tilespmem:$0xC400] =	vst v63  }
0x16: {  	_ =	swait.ge [sflag:s5], $0x3100  }
0x17: {  	s30 =	sshrl.u32 s13, $0x3;
	[sflag:s5] =	ssyncset.done $0x0  }
0x18: {  	s31 =	sand.u32 $0x7, s13;
	s15 =	sadd.s32 s8, s30;
	[sflag:s5] =	ssyncadd.s32 $0xFFFFCF00  }
0x19: {  	[hbm4b:s15+s31] =	stream.linear.scatter [tilespmem:s14], [sflag:$0x3], $0x3100, $0x38;
	[tilespmem:$0xC400] =	vst v63  }
.LBB2_5:
0x1a: {  	s15 =	sadd.s32 $0x62000, s11  }
0x1b: {  	p1 =	sgt.s32 s15, $0x6E3FF  }
0x1c: {  	s15 =	smov.u32 @p1 s4;
	p1 =	sne.s32 s12, s9  }
.Ltmp1:
0x1d: {  	p0 =	slt.u32 s12, $0x2;
	(pc) =	sbr.rel @!p1 .LBB2_6-.Ltmp1, $4  }
0x1e: {  	s14 =	simm.s32 @!p0 $0x3  }
0x1f: {  	_ =	swait.ge @!p0 [sflag:s14], $0x3100  }
0x20: {  	s16 =	sadd.s32 $0x1, s12;
	s13 =	smov.u32 s11;
	[sflag:s14] =	ssyncset.done @!p0 $0x0  }
0x21: {  	s12 =	smov.u32 s16;
	s11 =	smov.u32 s15;
	[sflag:s14] =	ssyncadd.s32 @!p0 $0xFFFFCF00  }
.LBB2_1:
0x22: {  	p0 =	sge.u32 s12, s7  }
0x23: {  	s14 =	sxor.u32 @!p0 $0x1, s12  }
0x24: {  	s14 =	smul.u32 @!p0 $0xC400, s14  }
0x25: {  	s31 =	sadd.s32 $0xFFFFFFFF, s12;
	s15 =	sshrl.u32 @!p0 s11, $0x3  }
0x26: {  	s16 =	sand.u32 @!p0 $0x7, s11;
	s15 =	sadd.s32 @!p0 s3, s15;
	s14 =	sshra.s32 @!p0 s14, $0x2  }
0x27: {  	[tilespmem:s14], [sflag:$0x2] =	stream.linear.gather @!p0 [hbm4b:s15+s16], $0x3100, $0x38;
	[tilespmem:$0xC400] =	vst v63  }
0x28: {  	p0 =	sge.u32 s31, s7  }
.Ltmp2:
0x29: {  	_ = 	snop;
	(pc) =	sbr.rel @p0 .LBB2_5-.Ltmp2, $1  }
0x2a: {  	_ =	sdelay $0x3  }
0x2b: {  	s14 =	sand.u32 $0x1, s12  }
0x2c: {  	_ =	swait.ge [sflag:s6], $0x3100;
	p0 =	seq.s32 s14, $0x1;
	s14 =	simm.s32 $0x3100  }
0x2d: {  	[sflag:s6] =	ssyncset.done $0x0;
	s14 =	simm.s32 @!p0 $0x0  }
0x2e: {  	[sflag:s6] =	ssyncadd.s32 $0xFFFFCF00;
	(ifvalue) =	ssetifvalue $0x7FFFFFFF;
	v0 =	vld.msk [tilespmem:s14+$0x0 ss:$0x1], $0xffff;
	_ =	sdelay $0x4  }
0x2f: {  	s15 =	sadd.s32 $0x10, s14;
	vm1 =	vgt.s32 v0, $0x0  }
0x30: {  	v2 =	vld.msk [tilespmem:s15+$0x0 ss:$0x1], $0xffff;
	v1 =	vnsel vm1, $0x0, v0  }
0x31: {  	v1 =	vmin.u32 v1, $0x61A7F;
	_ =	sdelay $0x2  }
0x32: {  	s17 =	simm.s32 $0x20;
	s14 =	sadd.s32 $0x6200, s14;
	s16 =	sadd.s32 $0x10, s15  }
0x33: {  	s15 =	sadd.s32 $0x10, s14;
	s18 =	smov.u32 s14;
	v0 =	vld.msk [tilespmem:s16+$0x0 ss:$0x1], $0xffff;
	vm1 =	vgt.s32 v2, $0x0;
	(ifvalue) =	ssetifvalue $0x7FFFFFFF  }
.LBB2_3:
0x34: {  	[tilespmem:s18], [sflag:$0x1] =	stream.indirect_vreg.gather [hbm4b:s2+s10], $0x1, v1, vm0, $0x4038;
	[tilespmem:$0xC400] =	vst v63  }
0x35: {  	s17 =	sadd.s32 $0x10, s17  }
0x36: {  	v2 =	vnsel vm1, $0x0, v2;
	p0 =	slt.u32 s17, $0x30F0  }
.Ltmp3:
0x37: {  	s18 =	smov.u32 s15;
	v1 =	vmin.u32 v2, $0x61A7F;
	(pc) =	sbr.rel @p0 .LBB2_3-.Ltmp3, $3  }
0x38: {  	_ =	sdelay $0x1  }
0x39: {  	s16 =	sadd.s32 $0x10, s16  }
0x3a: {  	vm1 =	vgt.s32 v0, $0x0;
	s15 =	sadd.s32 $0x10, s15;
	v2 =	vmov v0;
	(ifvalue) =	ssetifvalue $0x7FFFFFFF;
	v0 =	vld.msk [tilespmem:s16+$0x0 ss:$0x1], $0xffff  }
.Ltmp4:
0x3b: {  	_ = 	snop;
	(pc) =	sbr.rel .LBB2_4-.Ltmp4, $1  }
0x3c: {  	_ =	sdelay $0x3  }
.LBB2_6:
0x3d: {  	_ =	sfence.sel $0x180000  }
0x3e: {  	s2 =	simm.s32 $0x2;
	[bflag:$0x0] =	sbarrier.arrive $0xFFFF  }
0x3f: {  	s30 =	simm.s32 $0x3;
	[sflag:s2] =	ssyncpa.u1 $0x1  }
0x40: {  	s31 =	simm.s32 $0x1;
	[sflag:s30] =	ssyncpa.u1 $0x1  }
0x41: {  	[sflag:s31] =	ssyncpa.u1 $0x1  }
0x42: {  	p0 =	sne.s32 s1, $0x0;
	_ =	strace $0x9000005F  }
0x43: {  	s0 =	sadd.s32 @!p0 $0x100000, s0;
	[bflag:$0x2] =	sbarrier.arrive $0xFFFF  }
0x44: {  	[sflag:s0] =	ssyncadd.tile.s32 @!p0 $0x1;
	_ =	shalt  }
.Lfunc_end2:
_tile_overlayer_lowered:
.L_overlay_start_2:
0x45: {  	(tag) =	ssettag $0x2  }
0x46: {  	s0 =	rddreg [dreg:$0x0];
	s2 =	stileid.u32  }
0x47: {  	s1 =	rddreg [dreg:$0x1];
	p0 =	sne.s32 s2, $0x0  }
0x48: {  	s3 =	rddreg [dreg:$0x2];
	[bflag:$0x3] =	sbarrier.arrive $0xFFFF;
	s2 =	simm.s32 @!p0 $0x1C01  }
0x49: {  	[timem:s3], [sflag:s2] =	dma.local @!p0 [hbm:s0], s1  }
0x4a: {  	s0 =	simm.s32 @!p0 $0x1  }
0x4b: {  	_ =	swait.ge @!p0 [sflag:s0], s1  }
0x4c: {  	s1 =	ssub.s32 @!p0 $0x0, s1;
	[sflag:s0] =	ssyncset.done @!p0 $0x0  }
0x4d: {  	[sflag:s0] =	ssyncadd.s32 @!p0 s1  }
0x4e: {  	[bflag:$0x3] =	sbarrier.arrive $0xFFFF  }
0x4f: {  	_ =	shalt  }

// kernel: gather_offload_async_start.2
scs
__scs_entry_jumppad:
0x0: {  	(pc) =	sbr.rel $0x88, $3  }
0x1: {  	(tag) =	ssettag $0x0;
	lr =	simm.s32 $0x1  }
0x2: {  	[smem:$0x3F5F] =	sst lr;
	_ =	strace $0xD0000000  }
0x3: {  	_ = 	snop  }
0x4: {  	_ = 	snop  }
0x5: {  	_ = 	snop  }
0x6: {  	_ = 	snop  }
0x7: {  	_ = 	snop  }
__scs_overlays_trampoline_lowered:
0x8: {  	[smem:$0x3F6E] =	sst s0  }
0x9: {  	[smem:$0x3F6F] =	sst s1  }
0xa: {  	[smem:$0x3F70] =	sst s2  }
0xb: {  	[smem:$0x3F71] =	sst s3  }
0xc: {  	[smem:$0x3F72] =	sst s4  }
0xd: {  	[smem:$0x3F73] =	sst s5  }
0xe: {  	[smem:$0x3F74] =	sst s6  }
0xf: {  	[smem:$0x3F75] =	sst s7  }
0x10: {  	[smem:$0x3F76] =	sst s8  }
0x11: {  	[smem:$0x3F77] =	sst s9;
	s0 =	simm.s32 @!p0 $0x0  }
0x12: {  	s1 =	sld [smem:$0x3F5D];
	s0 =	simm.s32 @p0 $0x1  }
0x13: {  	[smem:$0x3F78] =	sst s0;
	s0 =	simm.s32 @!p1 $0x0  }
0x14: {  	s2 =	sld [smem:$0x3F5C];
	s0 =	simm.s32 @p1 $0x1  }
0x15: {  	[smem:$0x3F79] =	sst s0;
	s0 =	simm.s32 @!p2 $0x0  }
0x16: {  	s3 =	sld [smem:$0x3FDB];
	s0 =	simm.s32 @p2 $0x1  }
0x17: {  	s4 =	simm.s32 $0x1BF5;
	[smem:$0x3F7B] =	sst s0  }
0x18: {  	s0 =	sld [smem:$0x3F5E];
	_ =	swait.ge [sflag:s4], $0x0  }
0x19: {  	s7 =	sld [smem:$0x3F5F]  }
0x1a: {  	s8 =	sadd.s32 $0xFFFFE003, lr  }
0x1b: {  	s9 =	sadd.s32 $0xFFFFFEF7, lr;
	s5 =	simm.s32 $0xFFFFFFFF;
	p2 =	slt.u32 s8, $0xFFFFF086  }
0x1c: {  	p1 =	slt.u32 s9, $0xF7A;
	s5 =	simm.s32 @!p2 $0x0  }
0x1d: {  	s5 =	simm.s32 @p1 $0x1;
	p0 =	seq.s32 s7, s2  }
0x1e: {  	s7 =	smul.u32 @!p0 $0xF7A, s2;
	p2 =	seq.s32 @!p0 s5, $0x0  }
0x1f: {  	s9 =	smul.u32 $0xF7A, s1;
	s8 =	simm.s32 @!p0 $0x1BF5;
	p2 =	por !p2, p0  }
0x20: {  	[sflag:s8] =	ssyncset.s32 @!p0 $0xFFFFF086;
	s6 =	sadd.s32 @!p0 s3, s7;
	s7 =	simm.s32 @!p0 $0x108  }
0x21: {  	s3 =	sadd.s32 s3, s9;
	s6 =	sadd.s32 @!p0 $0x88, s6;
	s7 =	simm.s32 @p2 $0x1082  }
0x22: {  	[simem:s7], [sflag:s8] =	dma.local @!p0 [hbm:s6], $0xF7A  }
0x23: {  	s9 =	sor.u32 $0xD0000000, s2;
	s6 =	simm.s32 $0x108;
	_ =	swait.ge @!p0 [sflag:s8], $0x0  }
0x24: {  	s3 =	sadd.s32 $0x88, s3;
	s6 =	simm.s32 @!p1 $0x1082;
	[sflag:s4] =	ssyncset.s32 $0xFFFFF086  }
0x25: {  	[simem:s6], [sflag:s4] =	dma.local [hbm:s3], $0xF7A  }
0x26: {  	[smem:$0x3F5F] =	sst s1;
	(tag) =	ssettag s2;
	_ =	strace s9  }
0x27: {  	s1 =	sld [smem:$0x3F6F]  }
0x28: {  	s2 =	sld [smem:$0x3F70]  }
0x29: {  	s4 =	sld [smem:$0x3F72]  }
0x2a: {  	p0 =	seq.s32 s5, $0x0;
	s5 =	sld [smem:$0x3F73]  }
0x2b: {  	s6 =	sld [smem:$0x3F74]  }
0x2c: {  	s7 =	sld [smem:$0x3F75]  }
0x2d: {  	s3 =	simm.s32 $0x108;
	s8 =	sld [smem:$0x3F76]  }
0x2e: {  	s3 =	simm.s32 @!p0 $0x1082;
	s9 =	sld [smem:$0x3F77]  }
0x2f: {  	lr =	sadd.s32 s0, s3;
	s0 =	sld [smem:$0x3F6E]  }
0x30: {  	s3 =	sld [smem:$0x3F71]  }
0x31: {  	[smem:$0x3F7A] =	sst s10  }
0x32: {  	s10 =	sld [smem:$0x3F78];
	_ =	sdelay $0x3  }
0x33: {  	p0 =	seq.s32 s10, $0x1;
	s10 =	sld [smem:$0x3F7A];
	_ =	sdelay $0x3  }
0x34: {  	[smem:$0x3F7A] =	sst s10  }
0x35: {  	s10 =	sld [smem:$0x3F79];
	_ =	sdelay $0x3  }
0x36: {  	p1 =	seq.s32 s10, $0x1;
	s10 =	sld [smem:$0x3F7A];
	_ =	sdelay $0x3  }
0x37: {  	[smem:$0x3F7A] =	sst s10  }
0x38: {  	s10 =	sld [smem:$0x3F7B]  }
0x39: {  	_ = 	snop;
	(pc) =	sbr.ind lr, $3  }
0x3a: {  	_ = 	snop  }
0x3b: {  	_ = 	snop  }
0x3c: {  	p2 =	seq.s32 s10, $0x1;
	s10 =	sld [smem:$0x3F7A]  }
0x3d: {  	_ =	shalt  }
0x3e: {  	_ =	shalt  }
0x3f: {  	_ =	shalt  }
0x40: {  	_ =	shalt  }
0x41: {  	_ =	shalt  }
0x42: {  	_ =	shalt  }
0x43: {  	_ =	shalt  }
0x44: {  	_ =	shalt  }
0x45: {  	_ =	shalt  }
0x46: {  	_ =	shalt  }
0x47: {  	_ =	shalt  }
0x48: {  	_ =	shalt  }
0x49: {  	_ =	shalt  }
0x4a: {  	_ =	shalt  }
0x4b: {  	_ =	shalt  }
0x4c: {  	_ =	shalt  }
0x4d: {  	_ =	shalt  }
0x4e: {  	_ =	shalt  }
0x4f: {  	_ =	shalt  }
0x50: {  	_ =	shalt  }
0x51: {  	_ =	shalt  }
0x52: {  	_ =	shalt  }
0x53: {  	_ =	shalt  }
0x54: {  	_ =	shalt  }
0x55: {  	_ =	shalt  }
0x56: {  	_ =	shalt  }
0x57: {  	_ =	shalt  }
0x58: {  	_ =	shalt  }
0x59: {  	_ =	shalt  }
0x5a: {  	_ =	shalt  }
0x5b: {  	_ =	shalt  }
0x5c: {  	_ =	shalt  }
0x5d: {  	_ =	shalt  }
0x5e: {  	_ =	shalt  }
0x5f: {  	_ =	shalt  }
0x60: {  	_ =	shalt  }
0x61: {  	_ =	shalt  }
0x62: {  	_ =	shalt  }
0x63: {  	_ =	shalt  }
0x64: {  	_ =	shalt  }
0x65: {  	_ =	shalt  }
0x66: {  	_ =	shalt  }
0x67: {  	_ =	shalt  }
0x68: {  	_ =	shalt  }
0x69: {  	_ =	shalt  }
0x6a: {  	_ =	shalt  }
0x6b: {  	_ =	shalt  }
0x6c: {  	_ =	shalt  }
0x6d: {  	_ =	shalt  }
0x6e: {  	_ =	shalt  }
0x6f: {  	_ =	shalt  }
0x70: {  	_ =	shalt  }
0x71: {  	_ =	shalt  }
0x72: {  	_ =	shalt  }
0x73: {  	_ =	shalt  }
0x74: {  	_ =	shalt  }
0x75: {  	_ =	shalt  }
0x76: {  	_ =	shalt  }
0x77: {  	_ =	shalt  }
0x78: {  	_ =	shalt  }
0x79: {  	_ =	shalt  }
0x7a: {  	_ =	shalt  }
0x7b: {  	_ =	shalt  }
0x7c: {  	_ =	shalt  }
0x7d: {  	_ =	shalt  }
0x7e: {  	_ =	shalt  }
0x7f: {  	_ =	shalt  }
0x80: {  	_ =	shalt  }
0x81: {  	_ =	shalt  }
0x82: {  	_ =	shalt  }
0x83: {  	_ =	shalt  }
0x84: {  	_ =	shalt  }
0x85: {  	_ =	shalt  }
0x86: {  	_ =	shalt  }
0x87: {  	_ =	shalt  }
.Lfunc_end0:
.L_simem_size_0:
called_computation.2_lowered:
.L_overlay_start_0:
0x88: {  	s2 =	sld [smem:$0x3FD9]  }
0x89: {  	s3 =	sld [smem:$0x3FFE];
	_ =	sdelay $0x1  }
0x8a: {  	s1 =	srdreg.scid  }
0x8b: {  	s0 =	sand.u32 $0x1, s1  }
0x8c: {  	s16 =	sshll.u32 s0, $0xA;
	s2 =	sadd.s32 s3, s2  }
0x8d: {  	s2 =	sadd.s32 s2, s16  }
0x8e: {  	[smem:$0x3F86] =	sst s2  }
0x8f: {  	_ = 	snop  }
0x90: {  	(tm) =	ssettm $0x1  }
0x91: {  	s17 =	sld [smem:$0x3FFB];
	_ =	sdelay $0x3  }
0x92: {  	_ =	strace s17  }
0x93: {  	s2 =	sld [smem:$0x3FFC];
	_ =	sdelay $0x3  }
0x94: {  	_ =	strace s2  }
0x95: {  	s2 =	sld [smem:$0x3FFD];
	_ =	sdelay $0x3  }
0x96: {  	_ =	strace s2  }
0x97: {  	_ =	strace $0x8FFFFFFF  }
0x98: {  	s18 =	sld [smem:$0x3FDB];
	_ =	sdelay $0x1  }
0x99: {  	s19 =	simm.s32 $_scs_section_size  }
0x9a: {  	s4 =	simm.s32 $_size__tile_overlayer_lowered;
	s5 =	simm.s32 $_tile_overlayer_lowered  }
0x9b: {  	s22 =	simm.s32 $0x1BFF;
	s21 =	sshll.u32 s5, $0x1;
	s2 =	sadd.s32 s19, s18  }
0x9c: {  	s6 =	simm.s32 $0x0;
	s20 =	sshll.u32 s4, $0x1;
	s4 =	sadd.s32 s21, s2  }
0x9d: {  	[timem:s6], [sflag:s22] =	dma.local [hbm:s4], s20  }
0x9e: {  	_ =	swait.ge [sflag:s22], s20  }
0x9f: {  	s3 =	ssub.s32 $0x0, s20;
	[sflag:s22] =	ssyncset.done $0x0  }
0xa0: {  	[sflag:s22] =	ssyncadd.s32 s3;
	_ =	sdelay $0x1  }
0xa1: {  	s23 =	simm.s32 $0x1B8B  }
0xa2: {  	_ =	swait.ge [sflag:s23], $0x1  }
0xa3: {  	[sflag:s23] =	ssyncset.done $0x0  }
0xa4: {  	s25 =	simm.s32 $0x1B8E;
	s24 =	sld [smem:$0x3FFE];
	[sflag:s23] =	ssyncadd.s32 $0xFFFFFFFF  }
0xa5: {  	s26 =	simm.s32 $execute0_lowered;
	[smem:$0x3FD2] =	sst s25  }
0xa6: {  	s4 =	sshll.u32 s26, $0x1;
	_ =	strace $0x80000064;
	[dreg:$0x1] =	wrdreg $0xFFFFFFFF  }
0xa7: {  	s28 =	simm.s32 $_size_execute0_lowered;
	s2 =	sadd.s32 s2, s4;
	[dreg:$0x0] =	wrdreg $0x0  }
0xa8: {  	s4 =	sshll.u32 s28, $0x1;
	[dreg:$0x2] =	wrdreg s2  }
0xa9: {  	[dreg:$0x3] =	wrdreg s4  }
0xaa: {  	[dreg:$0x4] =	wrdreg $0xC0  }
0xab: {  	_ =	task [dreg:s6], $0x5FFFF  }
0xac: {  	[dreg:$0x1] =	wrdreg $0xFFFFFFFF  }
0xad: {  	[dreg:$0x0] =	wrdreg $0x60  }
0xae: {  	[dreg:$0x2] =	wrdreg s24  }
0xaf: {  	[dreg:$0x3] =	wrdreg $0x9  }
0xb0: {  	_ =	task.clear_ibuf [dreg:s6], $0x4FFFF;
	_ =	strace $0x90000064  }
0xb1: {  	s29 =	simm.s32 $0x9;
	_ =	strace $0x80000066  }
0xb2: {  	_ =	swait.ge [sflag:s29], $0x1  }
0xb3: {  	[sflag:s29] =	ssyncadd.s32 $0xFFFFFFFF  }
0xb4: {  	_ =	strace $0x90000066  }
0xb5: {  	_ =	sfence  }
0xb6: {  	s30 =	sld [smem:$0x0];
	_ =	sdelay $0x2  }
0xb7: {  	s31 =	sshll.u32 s1, $0xD;
	s1 =	sshrl.u32 s1, $0x2  }
0xb8: {  	s3 =	sand.u32 $0x4000, s31;
	s1 =	sadd.s32 s1, s30  }
0xb9: {  	s0 =	sor.u32 s3, s0;
	s1 =	sshll.u32 s1, $0x11  }
0xba: {  	s0 =	sor.u32 s1, s0  }
0xbb: {  	s0 =	sadd.s32 $0x8F2B, s0  }
0xbc: {  	[sflag:s0] =	ssyncadd.remote.s32 $0x1  }
0xbd: {  	_ =	sfence.sel $0xFFFF  }
0xbe: {  	[dreg:$0x0] =	wrdreg $0xFFFFFFFF;
	(pc) =	sbr.abs _section_cstart, $3  }
0xbf: {  	[dreg:$0x1] =	wrdreg $0xFFFFFFFF  }
0xc0: {  	_ =	task.clear_ibuf [dreg:s6], $0x2FFFF;
	_ =	strace $0x9FFFFFFF  }
0xc1: {  	(tm) =	ssettm $0x7FFFFFFF  }
tec
execute0_lowered:
.L_overlay_start_1:
0x0: {  	(tag) =	ssettag $0x1  }
0x1: {  	s8 =	rddreg [dreg:$0x0];
	s1 =	stileid.u32  }
0x2: {  	s2 =	srdreg.scid;
	s0 =	rddreg [dreg:$0x1]  }
0x3: {  	_ =	strace $0x80000065;
	s5 =	simm.s32 $0x1;
	s9 =	simm.s32 $0x1  }
0x4: {  	s10 =	simm.s32 $0x3;
	s3 =	sand.u32 $0x1, s2;
	s4 =	sshll.u32 s1, $0x1  }
0x5: {  	s13 =	simm.s32 $0x0;
	s12 =	simm.s32 $0x0;
	s6 =	sor.u32 s4, s3  }
0x6: {  	s2 =	sadd.s32 $0x1F8200, s8;
	[sflag:s5] =	ssyncpa.u1 $0x0;
	s4 =	smul.u32 $0x3100, s6  }
0x7: {  	s3 =	sadd.s32 $0x204600, s8;
	p0 =	slt.u32 s6, $0x5;
	s6 =	simm.s32 $0x62000  }
.Ltmp0:
0x8: {  	s6 =	simm.s32 @!p0 $0x0;
	s7 =	ssub.s32 $0x6E400, s4;
	(pc) =	sbr.rel .LBB2_1-.Ltmp0, $4  }
0x9: {  	s9 =	simm.s32 @!p0 $0x0;
	p0 =	sne.s32 s7, s6;
	s7 =	simm.s32 $0x1  }
0xa: {  	s8 =	sadd.s32 $0x14BE00, s8;
	s6 =	simm.s32 $0x2;
	s7 =	simm.s32 @!p0 $0x0  }
0xb: {  	s11 =	smov.u32 s4;
	[sflag:s6] =	ssyncpa.u1 $0x0;
	s7 =	sadd.s32 s9, s7  }
0xc: {  	vm0 =	vmmov $0xffff;
	[sflag:s10] =	ssyncpa.u1 $0x0;
	s10 =	simm.s32 $0x0;
	s9 =	sadd.s32 $0x1, s7  }
.LBB2_4:
0xd: {  	v2 =	vnsel vm1, $0x0, v2  }
0xe: {  	vm1 =	vgt.s32 v0, $0x0;
	v2 =	vmin.u32 v2, $0x61A7F  }
0xf: {  	v0 =	vnsel vm1, $0x0, v0  }
0x10: {  	v0 =	vmin.u32 v0, $0x61A7F  }
0x11: {  	[tilespmem:s18], [sflag:$0x1] =	stream.indirect_vreg.gather [hbm4b:s2+s10], $0x1, v1, vm0, $0x4038;
	[tilespmem:$0xC400] =	vst v63  }
0x12: {  	(ifvalue) =	ssetifvalue $0x7FFFFFFF  }
0x13: {  	[tilespmem:s15], [sflag:$0x1] =	stream.indirect_vreg.gather [hbm4b:s2+s10], $0x1, v2, vm0, $0x4038;
	[tilespmem:$0xC400] =	vst v63  }
0x14: {  	s29 =	sadd.s32 $0x10, s15;
	(ifvalue) =	ssetifvalue $0x7FFFFFFF  }
0x15: {  	[tilespmem:s29], [sflag:$0x1] =	stream.indirect_vreg.gather [hbm4b:s2+s10], $0x1, v0, vm0, $0x4038;
	[tilespmem:$0xC400] =	vst v63  }
0x16: {  	_ =	swait.ge [sflag:s5], $0x3100  }
0x17: {  	s30 =	sshrl.u32 s13, $0x3;
	[sflag:s5] =	ssyncset.done $0x0  }
0x18: {  	s31 =	sand.u32 $0x7, s13;
	s15 =	sadd.s32 s8, s30;
	[sflag:s5] =	ssyncadd.s32 $0xFFFFCF00  }
0x19: {  	[hbm4b:s15+s31] =	stream.linear.scatter [tilespmem:s14], [sflag:$0x3], $0x3100, $0x38;
	[tilespmem:$0xC400] =	vst v63  }
.LBB2_5:
0x1a: {  	s15 =	sadd.s32 $0x62000, s11  }
0x1b: {  	p1 =	sgt.s32 s15, $0x6E3FF  }
0x1c: {  	s15 =	smov.u32 @p1 s4;
	p1 =	sne.s32 s12, s9  }
.Ltmp1:
0x1d: {  	p0 =	slt.u32 s12, $0x2;
	(pc) =	sbr.rel @!p1 .LBB2_6-.Ltmp1, $4  }
0x1e: {  	s14 =	simm.s32 @!p0 $0x3  }
0x1f: {  	_ =	swait.ge @!p0 [sflag:s14], $0x3100  }
0x20: {  	s16 =	sadd.s32 $0x1, s12;
	s13 =	smov.u32 s11;
	[sflag:s14] =	ssyncset.done @!p0 $0x0  }
0x21: {  	s12 =	smov.u32 s16;
	s11 =	smov.u32 s15;
	[sflag:s14] =	ssyncadd.s32 @!p0 $0xFFFFCF00  }
.LBB2_1:
0x22: {  	p0 =	sge.u32 s12, s7  }
0x23: {  	s14 =	sxor.u32 @!p0 $0x1, s12  }
0x24: {  	s14 =	smul.u32 @!p0 $0xC400, s14  }
0x25: {  	s31 =	sadd.s32 $0xFFFFFFFF, s12;
	s15 =	sshrl.u32 @!p0 s11, $0x3  }
0x26: {  	s16 =	sand.u32 @!p0 $0x7, s11;
	s15 =	sadd.s32 @!p0 s3, s15;
	s14 =	sshra.s32 @!p0 s14, $0x2  }
0x27: {  	[tilespmem:s14], [sflag:$0x2] =	stream.linear.gather @!p0 [hbm4b:s15+s16], $0x3100, $0x38;
	[tilespmem:$0xC400] =	vst v63  }
0x28: {  	p0 =	sge.u32 s31, s7  }
.Ltmp2:
0x29: {  	_ = 	snop;
	(pc) =	sbr.rel @p0 .LBB2_5-.Ltmp2, $1  }
0x2a: {  	_ =	sdelay $0x3  }
0x2b: {  	s14 =	sand.u32 $0x1, s12  }
0x2c: {  	_ =	swait.ge [sflag:s6], $0x3100;
	p0 =	seq.s32 s14, $0x1;
	s14 =	simm.s32 $0x3100  }
0x2d: {  	[sflag:s6] =	ssyncset.done $0x0;
	s14 =	simm.s32 @!p0 $0x0  }
0x2e: {  	[sflag:s6] =	ssyncadd.s32 $0xFFFFCF00;
	(ifvalue) =	ssetifvalue $0x7FFFFFFF;
	v0 =	vld.msk [tilespmem:s14+$0x0 ss:$0x1], $0xffff;
	_ =	sdelay $0x4  }
0x2f: {  	s15 =	sadd.s32 $0x10, s14;
	vm1 =	vgt.s32 v0, $0x0  }
0x30: {  	v2 =	vld.msk [tilespmem:s15+$0x0 ss:$0x1], $0xffff;
	v1 =	vnsel vm1, $0x0, v0  }
0x31: {  	v1 =	vmin.u32 v1, $0x61A7F;
	_ =	sdelay $0x2  }
0x32: {  	s17 =	simm.s32 $0x20;
	s14 =	sadd.s32 $0x6200, s14;
	s16 =	sadd.s32 $0x10, s15  }
0x33: {  	s15 =	sadd.s32 $0x10, s14;
	s18 =	smov.u32 s14;
	v0 =	vld.msk [tilespmem:s16+$0x0 ss:$0x1], $0xffff;
	vm1 =	vgt.s32 v2, $0x0;
	(ifvalue) =	ssetifvalue $0x7FFFFFFF  }
.LBB2_3:
0x34: {  	[tilespmem:s18], [sflag:$0x1] =	stream.indirect_vreg.gather [hbm4b:s2+s10], $0x1, v1, vm0, $0x4038;
	[tilespmem:$0xC400] =	vst v63  }
0x35: {  	s17 =	sadd.s32 $0x10, s17  }
0x36: {  	v2 =	vnsel vm1, $0x0, v2;
	p0 =	slt.u32 s17, $0x30F0  }
.Ltmp3:
0x37: {  	s18 =	smov.u32 s15;
	v1 =	vmin.u32 v2, $0x61A7F;
	(pc) =	sbr.rel @p0 .LBB2_3-.Ltmp3, $3  }
0x38: {  	_ =	sdelay $0x1  }
0x39: {  	s16 =	sadd.s32 $0x10, s16  }
0x3a: {  	vm1 =	vgt.s32 v0, $0x0;
	s15 =	sadd.s32 $0x10, s15;
	v2 =	vmov v0;
	(ifvalue) =	ssetifvalue $0x7FFFFFFF;
	v0 =	vld.msk [tilespmem:s16+$0x0 ss:$0x1], $0xffff  }
.Ltmp4:
0x3b: {  	_ = 	snop;
	(pc) =	sbr.rel .LBB2_4-.Ltmp4, $1  }
0x3c: {  	_ =	sdelay $0x3  }
.LBB2_6:
0x3d: {  	_ =	sfence.sel $0x180000  }
0x3e: {  	s2 =	simm.s32 $0x2;
	[bflag:$0x0] =	sbarrier.arrive $0xFFFF  }
0x3f: {  	s30 =	simm.s32 $0x3;
	[sflag:s2] =	ssyncpa.u1 $0x1  }
0x40: {  	s31 =	simm.s32 $0x1;
	[sflag:s30] =	ssyncpa.u1 $0x1  }
0x41: {  	[sflag:s31] =	ssyncpa.u1 $0x1  }
0x42: {  	p0 =	sne.s32 s1, $0x0;
	_ =	strace $0x90000065  }
0x43: {  	s0 =	sadd.s32 @!p0 $0x100000, s0;
	[bflag:$0x2] =	sbarrier.arrive $0xFFFF  }
0x44: {  	[sflag:s0] =	ssyncadd.tile.s32 @!p0 $0x1;
	_ =	shalt  }
.Lfunc_end2:
_tile_overlayer_lowered:
.L_overlay_start_2:
0x45: {  	(tag) =	ssettag $0x2  }
0x46: {  	s0 =	rddreg [dreg:$0x0];
	s2 =	stileid.u32  }
0x47: {  	s1 =	rddreg [dreg:$0x1];
	p0 =	sne.s32 s2, $0x0  }
0x48: {  	s3 =	rddreg [dreg:$0x2];
	[bflag:$0x3] =	sbarrier.arrive $0xFFFF;
	s2 =	simm.s32 @!p0 $0x1C01  }
0x49: {  	[timem:s3], [sflag:s2] =	dma.local @!p0 [hbm:s0], s1  }
0x4a: {  	s0 =	simm.s32 @!p0 $0x1  }
0x4b: {  	_ =	swait.ge @!p0 [sflag:s0], s1  }
0x4c: {  	s1 =	ssub.s32 @!p0 $0x0, s1;
	[sflag:s0] =	ssyncset.done @!p0 $0x0  }
0x4d: {  	[sflag:s0] =	ssyncadd.s32 @!p0 s1  }
0x4e: {  	[bflag:$0x3] =	sbarrier.arrive $0xFFFF  }
0x4f: {  	_ =	shalt  }

// kernel: gather_offload_async_start.3
scs
__scs_entry_jumppad:
0x0: {  	(pc) =	sbr.rel $0x88, $3  }
0x1: {  	(tag) =	ssettag $0x0;
	lr =	simm.s32 $0x1  }
0x2: {  	[smem:$0x3F5F] =	sst lr;
	_ =	strace $0xD0000000  }
0x3: {  	_ = 	snop  }
0x4: {  	_ = 	snop  }
0x5: {  	_ = 	snop  }
0x6: {  	_ = 	snop  }
0x7: {  	_ = 	snop  }
__scs_overlays_trampoline_lowered:
0x8: {  	[smem:$0x3F6E] =	sst s0  }
0x9: {  	[smem:$0x3F6F] =	sst s1  }
0xa: {  	[smem:$0x3F70] =	sst s2  }
0xb: {  	[smem:$0x3F71] =	sst s3  }
0xc: {  	[smem:$0x3F72] =	sst s4  }
0xd: {  	[smem:$0x3F73] =	sst s5  }
0xe: {  	[smem:$0x3F74] =	sst s6  }
0xf: {  	[smem:$0x3F75] =	sst s7  }
0x10: {  	[smem:$0x3F76] =	sst s8  }
0x11: {  	[smem:$0x3F77] =	sst s9;
	s0 =	simm.s32 @!p0 $0x0  }
0x12: {  	s1 =	sld [smem:$0x3F5D];
	s0 =	simm.s32 @p0 $0x1  }
0x13: {  	[smem:$0x3F78] =	sst s0;
	s0 =	simm.s32 @!p1 $0x0  }
0x14: {  	s2 =	sld [smem:$0x3F5C];
	s0 =	simm.s32 @p1 $0x1  }
0x15: {  	[smem:$0x3F79] =	sst s0;
	s0 =	simm.s32 @!p2 $0x0  }
0x16: {  	s3 =	sld [smem:$0x3FDB];
	s0 =	simm.s32 @p2 $0x1  }
0x17: {  	s4 =	simm.s32 $0x1BF5;
	[smem:$0x3F7B] =	sst s0  }
0x18: {  	s0 =	sld [smem:$0x3F5E];
	_ =	swait.ge [sflag:s4], $0x0  }
0x19: {  	s7 =	sld [smem:$0x3F5F]  }
0x1a: {  	s8 =	sadd.s32 $0xFFFFE003, lr  }
0x1b: {  	s9 =	sadd.s32 $0xFFFFFEF7, lr;
	s5 =	simm.s32 $0xFFFFFFFF;
	p2 =	slt.u32 s8, $0xFFFFF086  }
0x1c: {  	p1 =	slt.u32 s9, $0xF7A;
	s5 =	simm.s32 @!p2 $0x0  }
0x1d: {  	s5 =	simm.s32 @p1 $0x1;
	p0 =	seq.s32 s7, s2  }
0x1e: {  	s7 =	smul.u32 @!p0 $0xF7A, s2;
	p2 =	seq.s32 @!p0 s5, $0x0  }
0x1f: {  	s9 =	smul.u32 $0xF7A, s1;
	s8 =	simm.s32 @!p0 $0x1BF5;
	p2 =	por !p2, p0  }
0x20: {  	[sflag:s8] =	ssyncset.s32 @!p0 $0xFFFFF086;
	s6 =	sadd.s32 @!p0 s3, s7;
	s7 =	simm.s32 @!p0 $0x108  }
0x21: {  	s3 =	sadd.s32 s3, s9;
	s6 =	sadd.s32 @!p0 $0x88, s6;
	s7 =	simm.s32 @p2 $0x1082  }
0x22: {  	[simem:s7], [sflag:s8] =	dma.local @!p0 [hbm:s6], $0xF7A  }
0x23: {  	s9 =	sor.u32 $0xD0000000, s2;
	s6 =	simm.s32 $0x108;
	_ =	swait.ge @!p0 [sflag:s8], $0x0  }
0x24: {  	s3 =	sadd.s32 $0x88, s3;
	s6 =	simm.s32 @!p1 $0x1082;
	[sflag:s4] =	ssyncset.s32 $0xFFFFF086  }
0x25: {  	[simem:s6], [sflag:s4] =	dma.local [hbm:s3], $0xF7A  }
0x26: {  	[smem:$0x3F5F] =	sst s1;
	(tag) =	ssettag s2;
	_ =	strace s9  }
0x27: {  	s1 =	sld [smem:$0x3F6F]  }
0x28: {  	s2 =	sld [smem:$0x3F70]  }
0x29: {  	s4 =	sld [smem:$0x3F72]  }
0x2a: {  	p0 =	seq.s32 s5, $0x0;
	s5 =	sld [smem:$0x3F73]  }
0x2b: {  	s6 =	sld [smem:$0x3F74]  }
0x2c: {  	s7 =	sld [smem:$0x3F75]  }
0x2d: {  	s3 =	simm.s32 $0x108;
	s8 =	sld [smem:$0x3F76]  }
0x2e: {  	s3 =	simm.s32 @!p0 $0x1082;
	s9 =	sld [smem:$0x3F77]  }
0x2f: {  	lr =	sadd.s32 s0, s3;
	s0 =	sld [smem:$0x3F6E]  }
0x30: {  	s3 =	sld [smem:$0x3F71]  }
0x31: {  	[smem:$0x3F7A] =	sst s10  }
0x32: {  	s10 =	sld [smem:$0x3F78];
	_ =	sdelay $0x3  }
0x33: {  	p0 =	seq.s32 s10, $0x1;
	s10 =	sld [smem:$0x3F7A];
	_ =	sdelay $0x3  }
0x34: {  	[smem:$0x3F7A] =	sst s10  }
0x35: {  	s10 =	sld [smem:$0x3F79];
	_ =	sdelay $0x3  }
0x36: {  	p1 =	seq.s32 s10, $0x1;
	s10 =	sld [smem:$0x3F7A];
	_ =	sdelay $0x3  }
0x37: {  	[smem:$0x3F7A] =	sst s10  }
0x38: {  	s10 =	sld [smem:$0x3F7B]  }
0x39: {  	_ = 	snop;
	(pc) =	sbr.ind lr, $3  }
0x3a: {  	_ = 	snop  }
0x3b: {  	_ = 	snop  }
0x3c: {  	p2 =	seq.s32 s10, $0x1;
	s10 =	sld [smem:$0x3F7A]  }
0x3d: {  	_ =	shalt  }
0x3e: {  	_ =	shalt  }
0x3f: {  	_ =	shalt  }
0x40: {  	_ =	shalt  }
0x41: {  	_ =	shalt  }
0x42: {  	_ =	shalt  }
0x43: {  	_ =	shalt  }
0x44: {  	_ =	shalt  }
0x45: {  	_ =	shalt  }
0x46: {  	_ =	shalt  }
0x47: {  	_ =	shalt  }
0x48: {  	_ =	shalt  }
0x49: {  	_ =	shalt  }
0x4a: {  	_ =	shalt  }
0x4b: {  	_ =	shalt  }
0x4c: {  	_ =	shalt  }
0x4d: {  	_ =	shalt  }
0x4e: {  	_ =	shalt  }
0x4f: {  	_ =	shalt  }
0x50: {  	_ =	shalt  }
0x51: {  	_ =	shalt  }
0x52: {  	_ =	shalt  }
0x53: {  	_ =	shalt  }
0x54: {  	_ =	shalt  }
0x55: {  	_ =	shalt  }
0x56: {  	_ =	shalt  }
0x57: {  	_ =	shalt  }
0x58: {  	_ =	shalt  }
0x59: {  	_ =	shalt  }
0x5a: {  	_ =	shalt  }
0x5b: {  	_ =	shalt  }
0x5c: {  	_ =	shalt  }
0x5d: {  	_ =	shalt  }
0x5e: {  	_ =	shalt  }
0x5f: {  	_ =	shalt  }
0x60: {  	_ =	shalt  }
0x61: {  	_ =	shalt  }
0x62: {  	_ =	shalt  }
0x63: {  	_ =	shalt  }
0x64: {  	_ =	shalt  }
0x65: {  	_ =	shalt  }
0x66: {  	_ =	shalt  }
0x67: {  	_ =	shalt  }
0x68: {  	_ =	shalt  }
0x69: {  	_ =	shalt  }
0x6a: {  	_ =	shalt  }
0x6b: {  	_ =	shalt  }
0x6c: {  	_ =	shalt  }
0x6d: {  	_ =	shalt  }
0x6e: {  	_ =	shalt  }
0x6f: {  	_ =	shalt  }
0x70: {  	_ =	shalt  }
0x71: {  	_ =	shalt  }
0x72: {  	_ =	shalt  }
0x73: {  	_ =	shalt  }
0x74: {  	_ =	shalt  }
0x75: {  	_ =	shalt  }
0x76: {  	_ =	shalt  }
0x77: {  	_ =	shalt  }
0x78: {  	_ =	shalt  }
0x79: {  	_ =	shalt  }
0x7a: {  	_ =	shalt  }
0x7b: {  	_ =	shalt  }
0x7c: {  	_ =	shalt  }
0x7d: {  	_ =	shalt  }
0x7e: {  	_ =	shalt  }
0x7f: {  	_ =	shalt  }
0x80: {  	_ =	shalt  }
0x81: {  	_ =	shalt  }
0x82: {  	_ =	shalt  }
0x83: {  	_ =	shalt  }
0x84: {  	_ =	shalt  }
0x85: {  	_ =	shalt  }
0x86: {  	_ =	shalt  }
0x87: {  	_ =	shalt  }
.Lfunc_end0:
.L_simem_size_0:
called_computation.3_lowered:
.L_overlay_start_0:
0x88: {  	s2 =	sld [smem:$0x3FD9]  }
0x89: {  	s3 =	sld [smem:$0x3FFE];
	_ =	sdelay $0x1  }
0x8a: {  	s1 =	srdreg.scid  }
0x8b: {  	s0 =	sand.u32 $0x1, s1  }
0x8c: {  	s14 =	sshll.u32 s0, $0xA;
	s2 =	sadd.s32 s3, s2  }
0x8d: {  	s2 =	sadd.s32 s2, s14  }
0x8e: {  	[smem:$0x3F86] =	sst s2  }
0x8f: {  	_ = 	snop  }
0x90: {  	s2 =	sld [smem:$0x3FD0];
	_ =	sdelay $0x2  }
0x91: {  	s15 =	simm.s32 $0xA;
	s4 =	simm.s32 $0x10  }
0x92: {  	[smem:s4], [sflag:s15] =	dma.local [hbm:s2], $0x1  }
0x93: {  	_ =	swait.eq [sflag:s15], $0x1  }
0x94: {  	[sflag:s15] =	ssyncset.done $0x0  }
0x95: {  	[sflag:s15] =	ssyncadd.s32 $0xFFFFFFFF  }
0x96: {  	s16 =	sld [smem:$0x10];
	(tm) =	ssettm $0x1  }
0x97: {  	s17 =	sld [smem:$0x3FFB];
	_ =	sdelay $0x3  }
0x98: {  	_ =	strace s17  }
0x99: {  	s3 =	sld [smem:$0x3FFC];
	_ =	sdelay $0x3  }
0x9a: {  	_ =	strace s3  }
0x9b: {  	s3 =	sld [smem:$0x3FFD];
	_ =	sdelay $0x3  }
0x9c: {  	_ =	strace s3  }
0x9d: {  	_ =	strace $0x8FFFFFFF  }
0x9e: {  	s18 =	sld [smem:$0x3FDB];
	_ =	sdelay $0x1  }
0x9f: {  	s19 =	simm.s32 $_scs_section_size  }
0xa0: {  	s5 =	simm.s32 $_size__tile_overlayer_lowered;
	s6 =	simm.s32 $_tile_overlayer_lowered  }
0xa1: {  	s22 =	simm.s32 $0x1BFF;
	s21 =	sshll.u32 s6, $0x1;
	s3 =	sadd.s32 s19, s18  }
0xa2: {  	s7 =	simm.s32 $0x0;
	s20 =	sshll.u32 s5, $0x1;
	s5 =	sadd.s32 s21, s3  }
0xa3: {  	[timem:s7], [sflag:s22] =	dma.local [hbm:s5], s20  }
0xa4: {  	_ =	swait.ge [sflag:s22], s20  }
0xa5: {  	s4 =	ssub.s32 $0x0, s20;
	[sflag:s22] =	ssyncset.done $0x0  }
0xa6: {  	[sflag:s22] =	ssyncadd.s32 s4;
	_ =	sdelay $0x1  }
0xa7: {  	s23 =	simm.s32 $0x1B8B  }
0xa8: {  	_ =	swait.ge [sflag:s23], $0x1  }
0xa9: {  	[sflag:s23] =	ssyncset.done $0x0  }
0xaa: {  	s25 =	simm.s32 $0x1B8E;
	s24 =	sld [smem:$0x3FFE];
	[sflag:s23] =	ssyncadd.s32 $0xFFFFFFFF  }
0xab: {  	s26 =	simm.s32 $execute0_lowered;
	[smem:$0x3FD2] =	sst s25  }
0xac: {  	s5 =	sshll.u32 s26, $0x1;
	_ =	strace $0x80000046;
	[dreg:$0x1] =	wrdreg $0xFFFFFFFF  }
0xad: {  	s28 =	simm.s32 $_size_execute0_lowered;
	s3 =	sadd.s32 s3, s5;
	[dreg:$0x0] =	wrdreg $0x0  }
0xae: {  	s5 =	sshll.u32 s28, $0x1;
	[dreg:$0x2] =	wrdreg s3  }
0xaf: {  	[dreg:$0x3] =	wrdreg s5  }
0xb0: {  	[dreg:$0x4] =	wrdreg $0xC0  }
0xb1: {  	_ =	task [dreg:s7], $0x5FFFF  }
0xb2: {  	[dreg:$0x1] =	wrdreg $0xFFFFFFFF  }
0xb3: {  	[dreg:$0x0] =	wrdreg $0x60  }
0xb4: {  	[dreg:$0x2] =	wrdreg s24  }
0xb5: {  	[dreg:$0x3] =	wrdreg s16  }
0xb6: {  	[dreg:$0x4] =	wrdreg $0x9  }
0xb7: {  	_ =	task.clear_ibuf [dreg:s7], $0x5FFFF;
	_ =	strace $0x90000046  }
0xb8: {  	s29 =	simm.s32 $0x9;
	_ =	strace $0x80000048  }
0xb9: {  	_ =	swait.ge [sflag:s29], $0x1  }
0xba: {  	[sflag:s29] =	ssyncadd.s32 $0xFFFFFFFF  }
0xbb: {  	_ =	strace $0x90000048  }
0xbc: {  	_ =	sfence  }
0xbd: {  	s30 =	sld [smem:$0x0];
	_ =	sdelay $0x2  }
0xbe: {  	s31 =	sshll.u32 s1, $0xD;
	s1 =	sshrl.u32 s1, $0x2  }
0xbf: {  	s3 =	sand.u32 $0x4000, s31;
	s1 =	sadd.s32 s1, s30  }
0xc0: {  	s0 =	sor.u32 s3, s0;
	s1 =	sshll.u32 s1, $0x11  }
0xc1: {  	s0 =	sor.u32 s1, s0  }
0xc2: {  	s0 =	sadd.s32 $0x8F2B, s0  }
0xc3: {  	[sflag:s0] =	ssyncadd.remote.s32 $0x1  }
0xc4: {  	_ =	sfence.sel $0xFFFF  }
0xc5: {  	[dreg:$0x0] =	wrdreg $0xFFFFFFFF;
	(pc) =	sbr.abs _section_cstart, $3  }
0xc6: {  	[dreg:$0x1] =	wrdreg $0xFFFFFFFF  }
0xc7: {  	_ =	task.clear_ibuf [dreg:s7], $0x2FFFF;
	_ =	strace $0x9FFFFFFF  }
0xc8: {  	(tm) =	ssettm $0x7FFFFFFF  }
0xc9: {  	_ =	shalt  }
tec
execute0_lowered:
.L_overlay_start_1:
0x0: {  	(tag) =	ssettag $0x1  }
0x1: {  	s8 =	rddreg [dreg:$0x0]  }
0x2: {  	s2 =	rddreg [dreg:$0x1]  }
0x3: {  	s1 =	stileid.u32;
	s3 =	srdreg.scid  }
0x4: {  	s0 =	rddreg [dreg:$0x2];
	_ =	strace $0x80000047;
	s5 =	simm.s32 $0x1  }
0x5: {  	s9 =	simm.s32 $0x1;
	s3 =	sand.u32 $0x1, s3;
	s4 =	sshll.u32 s1, $0x1  }
0x6: {  	s10 =	simm.s32 $0x3;
	s13 =	simm.s32 $0x0;
	s6 =	sor.u32 s4, s3  }
0x7: {  	s12 =	simm.s32 $0x0;
	[sflag:s5] =	ssyncpa.u1 $0x0;
	s4 =	smul.u32 $0x2710, s6  }
0x8: {  	s3 =	sadd.s32 $0x1AEA00, s8;
	p0 =	slt.u32 s6, $0x9;
	s6 =	simm.s32 $0x4E200  }
.Ltmp0:
0x9: {  	s6 =	simm.s32 @!p0 $0x0;
	s7 =	ssub.s32 $0x61A80, s4;
	(pc) =	sbr.rel .LBB2_1-.Ltmp0, $4  }
0xa: {  	s9 =	simm.s32 @!p0 $0x0;
	p0 =	sne.s32 s7, s6;
	s7 =	simm.s32 $0x1  }
0xb: {  	s8 =	sadd.s32 $0x319E00, s8;
	s6 =	simm.s32 $0x2;
	s7 =	simm.s32 @!p0 $0x0  }
0xc: {  	s11 =	smov.u32 s4;
	[sflag:s6] =	ssyncpa.u1 $0x0;
	s7 =	sadd.s32 s9, s7  }
0xd: {  	vm0 =	vmmov $0xffff;
	[sflag:s10] =	ssyncpa.u1 $0x0;
	s10 =	simm.s32 $0x0;
	s9 =	sadd.s32 $0x1, s7  }
.LBB2_4:
0xe: {  	v2 =	vnsel vm1, $0x0, v2  }
0xf: {  	vm1 =	vgt.s32 v0, $0x0;
	v2 =	vmin.u32 v2, $0x61A7F  }
0x10: {  	v0 =	vnsel vm1, $0x0, v0  }
0x11: {  	v0 =	vmin.u32 v0, $0x61A7F  }
0x12: {  	[tilespmem:s18], [sflag:$0x1] =	stream.indirect_vreg.gather [hbm4b:s3+s10], $0x1, v1, vm0, $0x4038;
	[tilespmem:$0x9C40] =	vst v63  }
0x13: {  	(ifvalue) =	ssetifvalue $0x7FFFFFFF  }
0x14: {  	[tilespmem:s15], [sflag:$0x1] =	stream.indirect_vreg.gather [hbm4b:s3+s10], $0x1, v2, vm0, $0x4038;
	[tilespmem:$0x9C40] =	vst v63  }
0x15: {  	s29 =	sadd.s32 $0x10, s15;
	(ifvalue) =	ssetifvalue $0x7FFFFFFF  }
0x16: {  	[tilespmem:s29], [sflag:$0x1] =	stream.indirect_vreg.gather [hbm4b:s3+s10], $0x1, v0, vm0, $0x4038;
	[tilespmem:$0x9C40] =	vst v63  }
0x17: {  	_ =	swait.ge [sflag:s5], $0x2710  }
0x18: {  	s30 =	sshrl.u32 s13, $0x3;
	[sflag:s5] =	ssyncset.done $0x0  }
0x19: {  	s31 =	sand.u32 $0x7, s13;
	s15 =	sadd.s32 s8, s30;
	[sflag:s5] =	ssyncadd.s32 $0xFFFFD8F0  }
0x1a: {  	[hbm4b:s15+s31] =	stream.linear.scatter [tilespmem:s14], [sflag:$0x3], $0x2710, $0x38;
	[tilespmem:$0x9C40] =	vst v63  }
.LBB2_5:
0x1b: {  	s15 =	sadd.s32 $0x4E200, s11  }
0x1c: {  	p1 =	sgt.s32 s15, $0x61A7F  }
0x1d: {  	s15 =	smov.u32 @p1 s4;
	p1 =	sne.s32 s12, s9  }
.Ltmp1:
0x1e: {  	p0 =	slt.u32 s12, $0x2;
	(pc) =	sbr.rel @!p1 .LBB2_6-.Ltmp1, $4  }
0x1f: {  	s14 =	simm.s32 @!p0 $0x3  }
0x20: {  	_ =	swait.ge @!p0 [sflag:s14], $0x2710  }
0x21: {  	s16 =	sadd.s32 $0x1, s12;
	s13 =	smov.u32 s11;
	[sflag:s14] =	ssyncset.done @!p0 $0x0  }
0x22: {  	s12 =	smov.u32 s16;
	s11 =	smov.u32 s15;
	[sflag:s14] =	ssyncadd.s32 @!p0 $0xFFFFD8F0  }
.LBB2_1:
0x23: {  	p0 =	sge.u32 s12, s7  }
0x24: {  	s14 =	sxor.u32 @!p0 $0x1, s12  }
0x25: {  	s14 =	smul.u32 @!p0 $0x9C40, s14  }
0x26: {  	s31 =	sadd.s32 $0xFFFFFFFF, s12;
	s15 =	sshrl.u32 @!p0 s11, $0x3  }
0x27: {  	s16 =	sand.u32 @!p0 $0x7, s11;
	s15 =	sadd.s32 @!p0 s2, s15;
	s14 =	sshra.s32 @!p0 s14, $0x2  }
0x28: {  	[tilespmem:s14], [sflag:$0x2] =	stream.linear.gather @!p0 [hbm4b:s15+s16], $0x2710, $0x38;
	[tilespmem:$0x9C40] =	vst v63  }
0x29: {  	p0 =	sge.u32 s31, s7  }
.Ltmp2:
0x2a: {  	_ = 	snop;
	(pc) =	sbr.rel @p0 .LBB2_5-.Ltmp2, $1  }
0x2b: {  	_ =	sdelay $0x3  }
0x2c: {  	s14 =	sand.u32 $0x1, s12  }
0x2d: {  	_ =	swait.ge [sflag:s6], $0x2710;
	p0 =	seq.s32 s14, $0x1;
	s14 =	simm.s32 $0x2710  }
0x2e: {  	[sflag:s6] =	ssyncset.done $0x0;
	s14 =	simm.s32 @!p0 $0x0  }
0x2f: {  	[sflag:s6] =	ssyncadd.s32 $0xFFFFD8F0;
	(ifvalue) =	ssetifvalue $0x7FFFFFFF;
	v0 =	vld.msk [tilespmem:s14+$0x0 ss:$0x1], $0xffff;
	_ =	sdelay $0x4  }
0x30: {  	s15 =	sadd.s32 $0x10, s14;
	vm1 =	vgt.s32 v0, $0x0  }
0x31: {  	v2 =	vld.msk [tilespmem:s15+$0x0 ss:$0x1], $0xffff;
	v1 =	vnsel vm1, $0x0, v0  }
0x32: {  	v1 =	vmin.u32 v1, $0x61A7F;
	_ =	sdelay $0x2  }
0x33: {  	s17 =	simm.s32 $0x20;
	s14 =	sadd.s32 $0x4E20, s14;
	s16 =	sadd.s32 $0x10, s15  }
0x34: {  	s15 =	sadd.s32 $0x10, s14;
	s18 =	smov.u32 s14;
	v0 =	vld.msk [tilespmem:s16+$0x0 ss:$0x1], $0xffff;
	vm1 =	vgt.s32 v2, $0x0;
	(ifvalue) =	ssetifvalue $0x7FFFFFFF  }
.LBB2_3:
0x35: {  	[tilespmem:s18], [sflag:$0x1] =	stream.indirect_vreg.gather [hbm4b:s3+s10], $0x1, v1, vm0, $0x4038;
	[tilespmem:$0x9C40] =	vst v63  }
0x36: {  	s17 =	sadd.s32 $0x10, s17  }
0x37: {  	v2 =	vnsel vm1, $0x0, v2;
	p0 =	slt.u32 s17, $0x2700  }
.Ltmp3:
0x38: {  	s18 =	smov.u32 s15;
	v1 =	vmin.u32 v2, $0x61A7F;
	(pc) =	sbr.rel @p0 .LBB2_3-.Ltmp3, $3  }
0x39: {  	_ =	sdelay $0x1  }
0x3a: {  	s16 =	sadd.s32 $0x10, s16  }
0x3b: {  	vm1 =	vgt.s32 v0, $0x0;
	s15 =	sadd.s32 $0x10, s15;
	v2 =	vmov v0;
	(ifvalue) =	ssetifvalue $0x7FFFFFFF;
	v0 =	vld.msk [tilespmem:s16+$0x0 ss:$0x1], $0xffff  }
.Ltmp4:
0x3c: {  	_ = 	snop;
	(pc) =	sbr.rel .LBB2_4-.Ltmp4, $1  }
0x3d: {  	_ =	sdelay $0x3  }
.LBB2_6:
0x3e: {  	_ =	sfence.sel $0x180000  }
0x3f: {  	s2 =	simm.s32 $0x2;
	[bflag:$0x0] =	sbarrier.arrive $0xFFFF  }
0x40: {  	s30 =	simm.s32 $0x3;
	[sflag:s2] =	ssyncpa.u1 $0x1  }
0x41: {  	s31 =	simm.s32 $0x1;
	[sflag:s30] =	ssyncpa.u1 $0x1  }
0x42: {  	[sflag:s31] =	ssyncpa.u1 $0x1  }
0x43: {  	p0 =	sne.s32 s1, $0x0;
	_ =	strace $0x90000047  }
0x44: {  	s0 =	sadd.s32 @!p0 $0x100000, s0;
	[bflag:$0x2] =	sbarrier.arrive $0xFFFF  }
0x45: {  	[sflag:s0] =	ssyncadd.tile.s32 @!p0 $0x1;
	_ =	shalt  }
.Lfunc_end2:
_tile_overlayer_lowered:
.L_overlay_start_2:
0x46: {  	(tag) =	ssettag $0x2  }
0x47: {  	s0 =	rddreg [dreg:$0x0];
	s2 =	stileid.u32  }
0x48: {  	s1 =	rddreg [dreg:$0x1];
	p0 =	sne.s32 s2, $0x0  }
0x49: {  	s3 =	rddreg [dreg:$0x2];
	[bflag:$0x3] =	sbarrier.arrive $0xFFFF;
	s2 =	simm.s32 @!p0 $0x1C01  }
0x4a: {  	[timem:s3], [sflag:s2] =	dma.local @!p0 [hbm:s0], s1  }
0x4b: {  	s0 =	simm.s32 @!p0 $0x1  }
0x4c: {  	_ =	swait.ge @!p0 [sflag:s0], s1  }
0x4d: {  	s1 =	ssub.s32 @!p0 $0x0, s1;
	[sflag:s0] =	ssyncset.done @!p0 $0x0  }
0x4e: {  	[sflag:s0] =	ssyncadd.s32 @!p0 s1  }
0x4f: {  	[bflag:$0x3] =	sbarrier.arrive $0xFFFF  }
0x50: {  	_ =	shalt  }

// kernel: gather_offload_async_start.4
scs
__scs_entry_jumppad:
0x0: {  	(pc) =	sbr.rel $0x88, $3  }
0x1: {  	(tag) =	ssettag $0x0;
	lr =	simm.s32 $0x1  }
0x2: {  	[smem:$0x3F5F] =	sst lr;
	_ =	strace $0xD0000000  }
0x3: {  	_ = 	snop  }
0x4: {  	_ = 	snop  }
0x5: {  	_ = 	snop  }
0x6: {  	_ = 	snop  }
0x7: {  	_ = 	snop  }
__scs_overlays_trampoline_lowered:
0x8: {  	[smem:$0x3F6E] =	sst s0  }
0x9: {  	[smem:$0x3F6F] =	sst s1  }
0xa: {  	[smem:$0x3F70] =	sst s2  }
0xb: {  	[smem:$0x3F71] =	sst s3  }
0xc: {  	[smem:$0x3F72] =	sst s4  }
0xd: {  	[smem:$0x3F73] =	sst s5  }
0xe: {  	[smem:$0x3F74] =	sst s6  }
0xf: {  	[smem:$0x3F75] =	sst s7  }
0x10: {  	[smem:$0x3F76] =	sst s8  }
0x11: {  	[smem:$0x3F77] =	sst s9;
	s0 =	simm.s32 @!p0 $0x0  }
0x12: {  	s1 =	sld [smem:$0x3F5D];
	s0 =	simm.s32 @p0 $0x1  }
0x13: {  	[smem:$0x3F78] =	sst s0;
	s0 =	simm.s32 @!p1 $0x0  }
0x14: {  	s2 =	sld [smem:$0x3F5C];
	s0 =	simm.s32 @p1 $0x1  }
0x15: {  	[smem:$0x3F79] =	sst s0;
	s0 =	simm.s32 @!p2 $0x0  }
0x16: {  	s3 =	sld [smem:$0x3FDB];
	s0 =	simm.s32 @p2 $0x1  }
0x17: {  	s4 =	simm.s32 $0x1BF5;
	[smem:$0x3F7B] =	sst s0  }
0x18: {  	s0 =	sld [smem:$0x3F5E];
	_ =	swait.ge [sflag:s4], $0x0  }
0x19: {  	s7 =	sld [smem:$0x3F5F]  }
0x1a: {  	s8 =	sadd.s32 $0xFFFFE003, lr  }
0x1b: {  	s9 =	sadd.s32 $0xFFFFFEF7, lr;
	s5 =	simm.s32 $0xFFFFFFFF;
	p2 =	slt.u32 s8, $0xFFFFF086  }
0x1c: {  	p1 =	slt.u32 s9, $0xF7A;
	s5 =	simm.s32 @!p2 $0x0  }
0x1d: {  	s5 =	simm.s32 @p1 $0x1;
	p0 =	seq.s32 s7, s2  }
0x1e: {  	s7 =	smul.u32 @!p0 $0xF7A, s2;
	p2 =	seq.s32 @!p0 s5, $0x0  }
0x1f: {  	s9 =	smul.u32 $0xF7A, s1;
	s8 =	simm.s32 @!p0 $0x1BF5;
	p2 =	por !p2, p0  }
0x20: {  	[sflag:s8] =	ssyncset.s32 @!p0 $0xFFFFF086;
	s6 =	sadd.s32 @!p0 s3, s7;
	s7 =	simm.s32 @!p0 $0x108  }
0x21: {  	s3 =	sadd.s32 s3, s9;
	s6 =	sadd.s32 @!p0 $0x88, s6;
	s7 =	simm.s32 @p2 $0x1082  }
0x22: {  	[simem:s7], [sflag:s8] =	dma.local @!p0 [hbm:s6], $0xF7A  }
0x23: {  	s9 =	sor.u32 $0xD0000000, s2;
	s6 =	simm.s32 $0x108;
	_ =	swait.ge @!p0 [sflag:s8], $0x0  }
0x24: {  	s3 =	sadd.s32 $0x88, s3;
	s6 =	simm.s32 @!p1 $0x1082;
	[sflag:s4] =	ssyncset.s32 $0xFFFFF086  }
0x25: {  	[simem:s6], [sflag:s4] =	dma.local [hbm:s3], $0xF7A  }
0x26: {  	[smem:$0x3F5F] =	sst s1;
	(tag) =	ssettag s2;
	_ =	strace s9  }
0x27: {  	s1 =	sld [smem:$0x3F6F]  }
0x28: {  	s2 =	sld [smem:$0x3F70]  }
0x29: {  	s4 =	sld [smem:$0x3F72]  }
0x2a: {  	p0 =	seq.s32 s5, $0x0;
	s5 =	sld [smem:$0x3F73]  }
0x2b: {  	s6 =	sld [smem:$0x3F74]  }
0x2c: {  	s7 =	sld [smem:$0x3F75]  }
0x2d: {  	s3 =	simm.s32 $0x108;
	s8 =	sld [smem:$0x3F76]  }
0x2e: {  	s3 =	simm.s32 @!p0 $0x1082;
	s9 =	sld [smem:$0x3F77]  }
0x2f: {  	lr =	sadd.s32 s0, s3;
	s0 =	sld [smem:$0x3F6E]  }
0x30: {  	s3 =	sld [smem:$0x3F71]  }
0x31: {  	[smem:$0x3F7A] =	sst s10  }
0x32: {  	s10 =	sld [smem:$0x3F78];
	_ =	sdelay $0x3  }
0x33: {  	p0 =	seq.s32 s10, $0x1;
	s10 =	sld [smem:$0x3F7A];
	_ =	sdelay $0x3  }
0x34: {  	[smem:$0x3F7A] =	sst s10  }
0x35: {  	s10 =	sld [smem:$0x3F79];
	_ =	sdelay $0x3  }
0x36: {  	p1 =	seq.s32 s10, $0x1;
	s10 =	sld [smem:$0x3F7A];
	_ =	sdelay $0x3  }
0x37: {  	[smem:$0x3F7A] =	sst s10  }
0x38: {  	s10 =	sld [smem:$0x3F7B]  }
0x39: {  	_ = 	snop;
	(pc) =	sbr.ind lr, $3  }
0x3a: {  	_ = 	snop  }
0x3b: {  	_ = 	snop  }
0x3c: {  	p2 =	seq.s32 s10, $0x1;
	s10 =	sld [smem:$0x3F7A]  }
0x3d: {  	_ =	shalt  }
0x3e: {  	_ =	shalt  }
0x3f: {  	_ =	shalt  }
0x40: {  	_ =	shalt  }
0x41: {  	_ =	shalt  }
0x42: {  	_ =	shalt  }
0x43: {  	_ =	shalt  }
0x44: {  	_ =	shalt  }
0x45: {  	_ =	shalt  }
0x46: {  	_ =	shalt  }
0x47: {  	_ =	shalt  }
0x48: {  	_ =	shalt  }
0x49: {  	_ =	shalt  }
0x4a: {  	_ =	shalt  }
0x4b: {  	_ =	shalt  }
0x4c: {  	_ =	shalt  }
0x4d: {  	_ =	shalt  }
0x4e: {  	_ =	shalt  }
0x4f: {  	_ =	shalt  }
0x50: {  	_ =	shalt  }
0x51: {  	_ =	shalt  }
0x52: {  	_ =	shalt  }
0x53: {  	_ =	shalt  }
0x54: {  	_ =	shalt  }
0x55: {  	_ =	shalt  }
0x56: {  	_ =	shalt  }
0x57: {  	_ =	shalt  }
0x58: {  	_ =	shalt  }
0x59: {  	_ =	shalt  }
0x5a: {  	_ =	shalt  }
0x5b: {  	_ =	shalt  }
0x5c: {  	_ =	shalt  }
0x5d: {  	_ =	shalt  }
0x5e: {  	_ =	shalt  }
0x5f: {  	_ =	shalt  }
0x60: {  	_ =	shalt  }
0x61: {  	_ =	shalt  }
0x62: {  	_ =	shalt  }
0x63: {  	_ =	shalt  }
0x64: {  	_ =	shalt  }
0x65: {  	_ =	shalt  }
0x66: {  	_ =	shalt  }
0x67: {  	_ =	shalt  }
0x68: {  	_ =	shalt  }
0x69: {  	_ =	shalt  }
0x6a: {  	_ =	shalt  }
0x6b: {  	_ =	shalt  }
0x6c: {  	_ =	shalt  }
0x6d: {  	_ =	shalt  }
0x6e: {  	_ =	shalt  }
0x6f: {  	_ =	shalt  }
0x70: {  	_ =	shalt  }
0x71: {  	_ =	shalt  }
0x72: {  	_ =	shalt  }
0x73: {  	_ =	shalt  }
0x74: {  	_ =	shalt  }
0x75: {  	_ =	shalt  }
0x76: {  	_ =	shalt  }
0x77: {  	_ =	shalt  }
0x78: {  	_ =	shalt  }
0x79: {  	_ =	shalt  }
0x7a: {  	_ =	shalt  }
0x7b: {  	_ =	shalt  }
0x7c: {  	_ =	shalt  }
0x7d: {  	_ =	shalt  }
0x7e: {  	_ =	shalt  }
0x7f: {  	_ =	shalt  }
0x80: {  	_ =	shalt  }
0x81: {  	_ =	shalt  }
0x82: {  	_ =	shalt  }
0x83: {  	_ =	shalt  }
0x84: {  	_ =	shalt  }
0x85: {  	_ =	shalt  }
0x86: {  	_ =	shalt  }
0x87: {  	_ =	shalt  }
.Lfunc_end0:
.L_simem_size_0:
called_computation.4_lowered:
.L_overlay_start_0:
0x88: {  	s2 =	sld [smem:$0x3FD9]  }
0x89: {  	s3 =	sld [smem:$0x3FFE];
	_ =	sdelay $0x1  }
0x8a: {  	s1 =	srdreg.scid  }
0x8b: {  	s0 =	sand.u32 $0x1, s1  }
0x8c: {  	s16 =	sshll.u32 s0, $0xA;
	s2 =	sadd.s32 s3, s2  }
0x8d: {  	s2 =	sadd.s32 s2, s16  }
0x8e: {  	[smem:$0x3F86] =	sst s2  }
0x8f: {  	_ = 	snop  }
0x90: {  	(tm) =	ssettm $0x1  }
0x91: {  	s17 =	sld [smem:$0x3FFB];
	_ =	sdelay $0x3  }
0x92: {  	_ =	strace s17  }
0x93: {  	s2 =	sld [smem:$0x3FFC];
	_ =	sdelay $0x3  }
0x94: {  	_ =	strace s2  }
0x95: {  	s2 =	sld [smem:$0x3FFD];
	_ =	sdelay $0x3  }
0x96: {  	_ =	strace s2  }
0x97: {  	_ =	strace $0x8FFFFFFF  }
0x98: {  	s18 =	sld [smem:$0x3FDB];
	_ =	sdelay $0x1  }
0x99: {  	s19 =	simm.s32 $_scs_section_size  }
0x9a: {  	s4 =	simm.s32 $_size__tile_overlayer_lowered;
	s5 =	simm.s32 $_tile_overlayer_lowered  }
0x9b: {  	s22 =	simm.s32 $0x1BFF;
	s21 =	sshll.u32 s5, $0x1;
	s2 =	sadd.s32 s19, s18  }
0x9c: {  	s6 =	simm.s32 $0x0;
	s20 =	sshll.u32 s4, $0x1;
	s4 =	sadd.s32 s21, s2  }
0x9d: {  	[timem:s6], [sflag:s22] =	dma.local [hbm:s4], s20  }
0x9e: {  	_ =	swait.ge [sflag:s22], s20  }
0x9f: {  	s3 =	ssub.s32 $0x0, s20;
	[sflag:s22] =	ssyncset.done $0x0  }
0xa0: {  	[sflag:s22] =	ssyncadd.s32 s3;
	_ =	sdelay $0x1  }
0xa1: {  	s23 =	simm.s32 $0x1B8B  }
0xa2: {  	_ =	swait.ge [sflag:s23], $0x1  }
0xa3: {  	[sflag:s23] =	ssyncset.done $0x0  }
0xa4: {  	s25 =	simm.s32 $0x1B8E;
	s24 =	sld [smem:$0x3FFE];
	[sflag:s23] =	ssyncadd.s32 $0xFFFFFFFF  }
0xa5: {  	s26 =	simm.s32 $execute0_lowered;
	[smem:$0x3FD2] =	sst s25  }
0xa6: {  	s4 =	sshll.u32 s26, $0x1;
	_ =	strace $0x80000052;
	[dreg:$0x1] =	wrdreg $0xFFFFFFFF  }
0xa7: {  	s28 =	simm.s32 $_size_execute0_lowered;
	s2 =	sadd.s32 s2, s4;
	[dreg:$0x0] =	wrdreg $0x0  }
0xa8: {  	s4 =	sshll.u32 s28, $0x1;
	[dreg:$0x2] =	wrdreg s2  }
0xa9: {  	[dreg:$0x3] =	wrdreg s4  }
0xaa: {  	[dreg:$0x4] =	wrdreg $0xC0  }
0xab: {  	_ =	task [dreg:s6], $0x5FFFF  }
0xac: {  	[dreg:$0x1] =	wrdreg $0xFFFFFFFF  }
0xad: {  	[dreg:$0x0] =	wrdreg $0x60  }
0xae: {  	[dreg:$0x2] =	wrdreg s24  }
0xaf: {  	[dreg:$0x3] =	wrdreg $0x9  }
0xb0: {  	_ =	task.clear_ibuf [dreg:s6], $0x4FFFF;
	_ =	strace $0x90000052  }
0xb1: {  	s29 =	simm.s32 $0x9;
	_ =	strace $0x80000054  }
0xb2: {  	_ =	swait.ge [sflag:s29], $0x1  }
0xb3: {  	[sflag:s29] =	ssyncadd.s32 $0xFFFFFFFF  }
0xb4: {  	_ =	strace $0x90000054  }
0xb5: {  	_ =	sfence  }
0xb6: {  	s30 =	sld [smem:$0x0];
	_ =	sdelay $0x2  }
0xb7: {  	s31 =	sshll.u32 s1, $0xD;
	s1 =	sshrl.u32 s1, $0x2  }
0xb8: {  	s3 =	sand.u32 $0x4000, s31;
	s1 =	sadd.s32 s1, s30  }
0xb9: {  	s0 =	sor.u32 s3, s0;
	s1 =	sshll.u32 s1, $0x11  }
0xba: {  	s0 =	sor.u32 s1, s0  }
0xbb: {  	s0 =	sadd.s32 $0x8F2B, s0  }
0xbc: {  	[sflag:s0] =	ssyncadd.remote.s32 $0x1  }
0xbd: {  	_ =	sfence.sel $0xFFFF  }
0xbe: {  	[dreg:$0x0] =	wrdreg $0xFFFFFFFF;
	(pc) =	sbr.abs _section_cstart, $3  }
0xbf: {  	[dreg:$0x1] =	wrdreg $0xFFFFFFFF  }
0xc0: {  	_ =	task.clear_ibuf [dreg:s6], $0x2FFFF;
	_ =	strace $0x9FFFFFFF  }
0xc1: {  	(tm) =	ssettm $0x7FFFFFFF  }
tec
execute0_lowered:
.L_overlay_start_1:
0x0: {  	(tag) =	ssettag $0x1  }
0x1: {  	s8 =	rddreg [dreg:$0x0];
	s1 =	stileid.u32  }
0x2: {  	s2 =	srdreg.scid;
	s0 =	rddreg [dreg:$0x1]  }
0x3: {  	_ =	strace $0x80000053;
	s5 =	simm.s32 $0x1;
	s9 =	simm.s32 $0x1  }
0x4: {  	s10 =	simm.s32 $0x3;
	s3 =	sand.u32 $0x1, s2;
	s4 =	sshll.u32 s1, $0x1  }
0x5: {  	s13 =	simm.s32 $0x0;
	s12 =	simm.s32 $0x0;
	s6 =	sor.u32 s4, s3  }
0x6: {  	s2 =	sadd.s32 $0x1A2600, s8;
	[sflag:s5] =	ssyncpa.u1 $0x0;
	s4 =	smul.u32 $0x3100, s6  }
0x7: {  	s3 =	sadd.s32 $0x319E00, s8;
	p0 =	slt.u32 s6, $0x5;
	s6 =	simm.s32 $0x62000  }
.Ltmp0:
0x8: {  	s6 =	simm.s32 @!p0 $0x0;
	s7 =	ssub.s32 $0x6E400, s4;
	(pc) =	sbr.rel .LBB2_1-.Ltmp0, $4  }
0x9: {  	s9 =	simm.s32 @!p0 $0x0;
	p0 =	sne.s32 s7, s6;
	s7 =	simm.s32 $0x1  }
0xa: {  	s8 =	sadd.s32 $0xA38C00, s8;
	s6 =	simm.s32 $0x2;
	s7 =	simm.s32 @!p0 $0x0  }
0xb: {  	s11 =	smov.u32 s4;
	[sflag:s6] =	ssyncpa.u1 $0x0;
	s7 =	sadd.s32 s9, s7  }
0xc: {  	vm0 =	vmmov $0xffff;
	[sflag:s10] =	ssyncpa.u1 $0x0;
	s10 =	simm.s32 $0x0;
	s9 =	sadd.s32 $0x1, s7  }
.LBB2_4:
0xd: {  	v2 =	vnsel vm1, $0x0, v2  }
0xe: {  	vm1 =	vgt.s32 v0, $0x0;
	v2 =	vmin.u32 v2, $0x61A7F  }
0xf: {  	v0 =	vnsel vm1, $0x0, v0  }
0x10: {  	v0 =	vmin.u32 v0, $0x61A7F  }
0x11: {  	[tilespmem:s18], [sflag:$0x1] =	stream.indirect_vreg.gather [hbm4b:s2+s10], $0x1, v1, vm0, $0x4038;
	[tilespmem:$0xC400] =	vst v63  }
0x12: {  	(ifvalue) =	ssetifvalue $0x7FFFFFFF  }
0x13: {  	[tilespmem:s15], [sflag:$0x1] =	stream.indirect_vreg.gather [hbm4b:s2+s10], $0x1, v2, vm0, $0x4038;
	[tilespmem:$0xC400] =	vst v63  }
0x14: {  	s29 =	sadd.s32 $0x10, s15;
	(ifvalue) =	ssetifvalue $0x7FFFFFFF  }
0x15: {  	[tilespmem:s29], [sflag:$0x1] =	stream.indirect_vreg.gather [hbm4b:s2+s10], $0x1, v0, vm0, $0x4038;
	[tilespmem:$0xC400] =	vst v63  }
0x16: {  	_ =	swait.ge [sflag:s5], $0x3100  }
0x17: {  	s30 =	sshrl.u32 s13, $0x3;
	[sflag:s5] =	ssyncset.done $0x0  }
0x18: {  	s31 =	sand.u32 $0x7, s13;
	s15 =	sadd.s32 s8, s30;
	[sflag:s5] =	ssyncadd.s32 $0xFFFFCF00  }
0x19: {  	[hbm4b:s15+s31] =	stream.linear.scatter [tilespmem:s14], [sflag:$0x3], $0x3100, $0x38;
	[tilespmem:$0xC400] =	vst v63  }
.LBB2_5:
0x1a: {  	s15 =	sadd.s32 $0x62000, s11  }
0x1b: {  	p1 =	sgt.s32 s15, $0x6E3FF  }
0x1c: {  	s15 =	smov.u32 @p1 s4;
	p1 =	sne.s32 s12, s9  }
.Ltmp1:
0x1d: {  	p0 =	slt.u32 s12, $0x2;
	(pc) =	sbr.rel @!p1 .LBB2_6-.Ltmp1, $4  }
0x1e: {  	s14 =	simm.s32 @!p0 $0x3  }
0x1f: {  	_ =	swait.ge @!p0 [sflag:s14], $0x3100  }
0x20: {  	s16 =	sadd.s32 $0x1, s12;
	s13 =	smov.u32 s11;
	[sflag:s14] =	ssyncset.done @!p0 $0x0  }
0x21: {  	s12 =	smov.u32 s16;
	s11 =	smov.u32 s15;
	[sflag:s14] =	ssyncadd.s32 @!p0 $0xFFFFCF00  }
.LBB2_1:
0x22: {  	p0 =	sge.u32 s12, s7  }
0x23: {  	s14 =	sxor.u32 @!p0 $0x1, s12  }
0x24: {  	s14 =	smul.u32 @!p0 $0xC400, s14  }
0x25: {  	s31 =	sadd.s32 $0xFFFFFFFF, s12;
	s15 =	sshrl.u32 @!p0 s11, $0x3  }
0x26: {  	s16 =	sand.u32 @!p0 $0x7, s11;
	s15 =	sadd.s32 @!p0 s3, s15;
	s14 =	sshra.s32 @!p0 s14, $0x2  }
0x27: {  	[tilespmem:s14], [sflag:$0x2] =	stream.linear.gather @!p0 [hbm4b:s15+s16], $0x3100, $0x38;
	[tilespmem:$0xC400] =	vst v63  }
0x28: {  	p0 =	sge.u32 s31, s7  }
.Ltmp2:
0x29: {  	_ = 	snop;
	(pc) =	sbr.rel @p0 .LBB2_5-.Ltmp2, $1  }
0x2a: {  	_ =	sdelay $0x3  }
0x2b: {  	s14 =	sand.u32 $0x1, s12  }
0x2c: {  	_ =	swait.ge [sflag:s6], $0x3100;
	p0 =	seq.s32 s14, $0x1;
	s14 =	simm.s32 $0x3100  }
0x2d: {  	[sflag:s6] =	ssyncset.done $0x0;
	s14 =	simm.s32 @!p0 $0x0  }
0x2e: {  	[sflag:s6] =	ssyncadd.s32 $0xFFFFCF00;
	(ifvalue) =	ssetifvalue $0x7FFFFFFF;
	v0 =	vld.msk [tilespmem:s14+$0x0 ss:$0x1], $0xffff;
	_ =	sdelay $0x4  }
0x2f: {  	s15 =	sadd.s32 $0x10, s14;
	vm1 =	vgt.s32 v0, $0x0  }
0x30: {  	v2 =	vld.msk [tilespmem:s15+$0x0 ss:$0x1], $0xffff;
	v1 =	vnsel vm1, $0x0, v0  }
0x31: {  	v1 =	vmin.u32 v1, $0x61A7F;
	_ =	sdelay $0x2  }
0x32: {  	s17 =	simm.s32 $0x20;
	s14 =	sadd.s32 $0x6200, s14;
	s16 =	sadd.s32 $0x10, s15  }
0x33: {  	s15 =	sadd.s32 $0x10, s14;
	s18 =	smov.u32 s14;
	v0 =	vld.msk [tilespmem:s16+$0x0 ss:$0x1], $0xffff;
	vm1 =	vgt.s32 v2, $0x0;
	(ifvalue) =	ssetifvalue $0x7FFFFFFF  }
.LBB2_3:
0x34: {  	[tilespmem:s18], [sflag:$0x1] =	stream.indirect_vreg.gather [hbm4b:s2+s10], $0x1, v1, vm0, $0x4038;
	[tilespmem:$0xC400] =	vst v63  }
0x35: {  	s17 =	sadd.s32 $0x10, s17  }
0x36: {  	v2 =	vnsel vm1, $0x0, v2;
	p0 =	slt.u32 s17, $0x30F0  }
.Ltmp3:
0x37: {  	s18 =	smov.u32 s15;
	v1 =	vmin.u32 v2, $0x61A7F;
	(pc) =	sbr.rel @p0 .LBB2_3-.Ltmp3, $3  }
0x38: {  	_ =	sdelay $0x1  }
0x39: {  	s16 =	sadd.s32 $0x10, s16  }
0x3a: {  	vm1 =	vgt.s32 v0, $0x0;
	s15 =	sadd.s32 $0x10, s15;
	v2 =	vmov v0;
	(ifvalue) =	ssetifvalue $0x7FFFFFFF;
	v0 =	vld.msk [tilespmem:s16+$0x0 ss:$0x1], $0xffff  }
.Ltmp4:
0x3b: {  	_ = 	snop;
	(pc) =	sbr.rel .LBB2_4-.Ltmp4, $1  }
0x3c: {  	_ =	sdelay $0x3  }
.LBB2_6:
0x3d: {  	_ =	sfence.sel $0x180000  }
0x3e: {  	s2 =	simm.s32 $0x2;
	[bflag:$0x0] =	sbarrier.arrive $0xFFFF  }
0x3f: {  	s30 =	simm.s32 $0x3;
	[sflag:s2] =	ssyncpa.u1 $0x1  }
0x40: {  	s31 =	simm.s32 $0x1;
	[sflag:s30] =	ssyncpa.u1 $0x1  }
0x41: {  	[sflag:s31] =	ssyncpa.u1 $0x1  }
0x42: {  	p0 =	sne.s32 s1, $0x0;
	_ =	strace $0x90000053  }
0x43: {  	s0 =	sadd.s32 @!p0 $0x100000, s0;
	[bflag:$0x2] =	sbarrier.arrive $0xFFFF  }
0x44: {  	[sflag:s0] =	ssyncadd.tile.s32 @!p0 $0x1;
	_ =	shalt  }
.Lfunc_end2:
_tile_overlayer_lowered:
.L_overlay_start_2:
0x45: {  	(tag) =	ssettag $0x2  }
0x46: {  	s0 =	rddreg [dreg:$0x0];
	s2 =	stileid.u32  }
0x47: {  	s1 =	rddreg [dreg:$0x1];
	p0 =	sne.s32 s2, $0x0  }
0x48: {  	s3 =	rddreg [dreg:$0x2];
	[bflag:$0x3] =	sbarrier.arrive $0xFFFF;
	s2 =	simm.s32 @!p0 $0x1C01  }
0x49: {  	[timem:s3], [sflag:s2] =	dma.local @!p0 [hbm:s0], s1  }
0x4a: {  	s0 =	simm.s32 @!p0 $0x1  }
0x4b: {  	_ =	swait.ge @!p0 [sflag:s0], s1  }
0x4c: {  	s1 =	ssub.s32 @!p0 $0x0, s1;
	[sflag:s0] =	ssyncset.done @!p0 $0x0  }
0x4d: {  	[sflag:s0] =	ssyncadd.s32 @!p0 s1  }
0x4e: {  	[bflag:$0x3] =	sbarrier.arrive $0xFFFF  }
0x4f: {  	_ =	shalt  }

// kernel: gather_offload_async_start.5
scs
__scs_entry_jumppad:
0x0: {  	(pc) =	sbr.rel $0x88, $3  }
0x1: {  	(tag) =	ssettag $0x0;
	lr =	simm.s32 $0x1  }
0x2: {  	[smem:$0x3F5F] =	sst lr;
	_ =	strace $0xD0000000  }
0x3: {  	_ = 	snop  }
0x4: {  	_ = 	snop  }
0x5: {  	_ = 	snop  }
0x6: {  	_ = 	snop  }
0x7: {  	_ = 	snop  }
__scs_overlays_trampoline_lowered:
0x8: {  	[smem:$0x3F6E] =	sst s0  }
0x9: {  	[smem:$0x3F6F] =	sst s1  }
0xa: {  	[smem:$0x3F70] =	sst s2  }
0xb: {  	[smem:$0x3F71] =	sst s3  }
0xc: {  	[smem:$0x3F72] =	sst s4  }
0xd: {  	[smem:$0x3F73] =	sst s5  }
0xe: {  	[smem:$0x3F74] =	sst s6  }
0xf: {  	[smem:$0x3F75] =	sst s7  }
0x10: {  	[smem:$0x3F76] =	sst s8  }
0x11: {  	[smem:$0x3F77] =	sst s9;
	s0 =	simm.s32 @!p0 $0x0  }
0x12: {  	s1 =	sld [smem:$0x3F5D];
	s0 =	simm.s32 @p0 $0x1  }
0x13: {  	[smem:$0x3F78] =	sst s0;
	s0 =	simm.s32 @!p1 $0x0  }
0x14: {  	s2 =	sld [smem:$0x3F5C];
	s0 =	simm.s32 @p1 $0x1  }
0x15: {  	[smem:$0x3F79] =	sst s0;
	s0 =	simm.s32 @!p2 $0x0  }
0x16: {  	s3 =	sld [smem:$0x3FDB];
	s0 =	simm.s32 @p2 $0x1  }
0x17: {  	s4 =	simm.s32 $0x1BF5;
	[smem:$0x3F7B] =	sst s0  }
0x18: {  	s0 =	sld [smem:$0x3F5E];
	_ =	swait.ge [sflag:s4], $0x0  }
0x19: {  	s7 =	sld [smem:$0x3F5F]  }
0x1a: {  	s8 =	sadd.s32 $0xFFFFE003, lr  }
0x1b: {  	s9 =	sadd.s32 $0xFFFFFEF7, lr;
	s5 =	simm.s32 $0xFFFFFFFF;
	p2 =	slt.u32 s8, $0xFFFFF086  }
0x1c: {  	p1 =	slt.u32 s9, $0xF7A;
	s5 =	simm.s32 @!p2 $0x0  }
0x1d: {  	s5 =	simm.s32 @p1 $0x1;
	p0 =	seq.s32 s7, s2  }
0x1e: {  	s7 =	smul.u32 @!p0 $0xF7A, s2;
	p2 =	seq.s32 @!p0 s5, $0x0  }
0x1f: {  	s9 =	smul.u32 $0xF7A, s1;
	s8 =	simm.s32 @!p0 $0x1BF5;
	p2 =	por !p2, p0  }
0x20: {  	[sflag:s8] =	ssyncset.s32 @!p0 $0xFFFFF086;
	s6 =	sadd.s32 @!p0 s3, s7;
	s7 =	simm.s32 @!p0 $0x108  }
0x21: {  	s3 =	sadd.s32 s3, s9;
	s6 =	sadd.s32 @!p0 $0x88, s6;
	s7 =	simm.s32 @p2 $0x1082  }
0x22: {  	[simem:s7], [sflag:s8] =	dma.local @!p0 [hbm:s6], $0xF7A  }
0x23: {  	s9 =	sor.u32 $0xD0000000, s2;
	s6 =	simm.s32 $0x108;
	_ =	swait.ge @!p0 [sflag:s8], $0x0  }
0x24: {  	s3 =	sadd.s32 $0x88, s3;
	s6 =	simm.s32 @!p1 $0x1082;
	[sflag:s4] =	ssyncset.s32 $0xFFFFF086  }
0x25: {  	[simem:s6], [sflag:s4] =	dma.local [hbm:s3], $0xF7A  }
0x26: {  	[smem:$0x3F5F] =	sst s1;
	(tag) =	ssettag s2;
	_ =	strace s9  }
0x27: {  	s1 =	sld [smem:$0x3F6F]  }
0x28: {  	s2 =	sld [smem:$0x3F70]  }
0x29: {  	s4 =	sld [smem:$0x3F72]  }
0x2a: {  	p0 =	seq.s32 s5, $0x0;
	s5 =	sld [smem:$0x3F73]  }
0x2b: {  	s6 =	sld [smem:$0x3F74]  }
0x2c: {  	s7 =	sld [smem:$0x3F75]  }
0x2d: {  	s3 =	simm.s32 $0x108;
	s8 =	sld [smem:$0x3F76]  }
0x2e: {  	s3 =	simm.s32 @!p0 $0x1082;
	s9 =	sld [smem:$0x3F77]  }
0x2f: {  	lr =	sadd.s32 s0, s3;
	s0 =	sld [smem:$0x3F6E]  }
0x30: {  	s3 =	sld [smem:$0x3F71]  }
0x31: {  	[smem:$0x3F7A] =	sst s10  }
0x32: {  	s10 =	sld [smem:$0x3F78];
	_ =	sdelay $0x3  }
0x33: {  	p0 =	seq.s32 s10, $0x1;
	s10 =	sld [smem:$0x3F7A];
	_ =	sdelay $0x3  }
0x34: {  	[smem:$0x3F7A] =	sst s10  }
0x35: {  	s10 =	sld [smem:$0x3F79];
	_ =	sdelay $0x3  }
0x36: {  	p1 =	seq.s32 s10, $0x1;
	s10 =	sld [smem:$0x3F7A];
	_ =	sdelay $0x3  }
0x37: {  	[smem:$0x3F7A] =	sst s10  }
0x38: {  	s10 =	sld [smem:$0x3F7B]  }
0x39: {  	_ = 	snop;
	(pc) =	sbr.ind lr, $3  }
0x3a: {  	_ = 	snop  }
0x3b: {  	_ = 	snop  }
0x3c: {  	p2 =	seq.s32 s10, $0x1;
	s10 =	sld [smem:$0x3F7A]  }
0x3d: {  	_ =	shalt  }
0x3e: {  	_ =	shalt  }
0x3f: {  	_ =	shalt  }
0x40: {  	_ =	shalt  }
0x41: {  	_ =	shalt  }
0x42: {  	_ =	shalt  }
0x43: {  	_ =	shalt  }
0x44: {  	_ =	shalt  }
0x45: {  	_ =	shalt  }
0x46: {  	_ =	shalt  }
0x47: {  	_ =	shalt  }
0x48: {  	_ =	shalt  }
0x49: {  	_ =	shalt  }
0x4a: {  	_ =	shalt  }
0x4b: {  	_ =	shalt  }
0x4c: {  	_ =	shalt  }
0x4d: {  	_ =	shalt  }
0x4e: {  	_ =	shalt  }
0x4f: {  	_ =	shalt  }
0x50: {  	_ =	shalt  }
0x51: {  	_ =	shalt  }
0x52: {  	_ =	shalt  }
0x53: {  	_ =	shalt  }
0x54: {  	_ =	shalt  }
0x55: {  	_ =	shalt  }
0x56: {  	_ =	shalt  }
0x57: {  	_ =	shalt  }
0x58: {  	_ =	shalt  }
0x59: {  	_ =	shalt  }
0x5a: {  	_ =	shalt  }
0x5b: {  	_ =	shalt  }
0x5c: {  	_ =	shalt  }
0x5d: {  	_ =	shalt  }
0x5e: {  	_ =	shalt  }
0x5f: {  	_ =	shalt  }
0x60: {  	_ =	shalt  }
0x61: {  	_ =	shalt  }
0x62: {  	_ =	shalt  }
0x63: {  	_ =	shalt  }
0x64: {  	_ =	shalt  }
0x65: {  	_ =	shalt  }
0x66: {  	_ =	shalt  }
0x67: {  	_ =	shalt  }
0x68: {  	_ =	shalt  }
0x69: {  	_ =	shalt  }
0x6a: {  	_ =	shalt  }
0x6b: {  	_ =	shalt  }
0x6c: {  	_ =	shalt  }
0x6d: {  	_ =	shalt  }
0x6e: {  	_ =	shalt  }
0x6f: {  	_ =	shalt  }
0x70: {  	_ =	shalt  }
0x71: {  	_ =	shalt  }
0x72: {  	_ =	shalt  }
0x73: {  	_ =	shalt  }
0x74: {  	_ =	shalt  }
0x75: {  	_ =	shalt  }
0x76: {  	_ =	shalt  }
0x77: {  	_ =	shalt  }
0x78: {  	_ =	shalt  }
0x79: {  	_ =	shalt  }
0x7a: {  	_ =	shalt  }
0x7b: {  	_ =	shalt  }
0x7c: {  	_ =	shalt  }
0x7d: {  	_ =	shalt  }
0x7e: {  	_ =	shalt  }
0x7f: {  	_ =	shalt  }
0x80: {  	_ =	shalt  }
0x81: {  	_ =	shalt  }
0x82: {  	_ =	shalt  }
0x83: {  	_ =	shalt  }
0x84: {  	_ =	shalt  }
0x85: {  	_ =	shalt  }
0x86: {  	_ =	shalt  }
0x87: {  	_ =	shalt  }
.Lfunc_end0:
.L_simem_size_0:
called_computation.5_lowered:
.L_overlay_start_0:
0x88: {  	s2 =	sld [smem:$0x3FD9]  }
0x89: {  	s3 =	sld [smem:$0x3FFE];
	_ =	sdelay $0x1  }
0x8a: {  	s1 =	srdreg.scid  }
0x8b: {  	s0 =	sand.u32 $0x1, s1  }
0x8c: {  	s16 =	sshll.u32 s0, $0xA;
	s2 =	sadd.s32 s3, s2  }
0x8d: {  	s2 =	sadd.s32 s2, s16  }
0x8e: {  	[smem:$0x3F86] =	sst s2  }
0x8f: {  	_ = 	snop  }
0x90: {  	(tm) =	ssettm $0x1  }
0x91: {  	s17 =	sld [smem:$0x3FFB];
	_ =	sdelay $0x3  }
0x92: {  	_ =	strace s17  }
0x93: {  	s2 =	sld [smem:$0x3FFC];
	_ =	sdelay $0x3  }
0x94: {  	_ =	strace s2  }
0x95: {  	s2 =	sld [smem:$0x3FFD];
	_ =	sdelay $0x3  }
0x96: {  	_ =	strace s2  }
0x97: {  	_ =	strace $0x8FFFFFFF  }
0x98: {  	s18 =	sld [smem:$0x3FDB];
	_ =	sdelay $0x1  }
0x99: {  	s19 =	simm.s32 $_scs_section_size  }
0x9a: {  	s4 =	simm.s32 $_size__tile_overlayer_lowered;
	s5 =	simm.s32 $_tile_overlayer_lowered  }
0x9b: {  	s22 =	simm.s32 $0x1BFF;
	s21 =	sshll.u32 s5, $0x1;
	s2 =	sadd.s32 s19, s18  }
0x9c: {  	s6 =	simm.s32 $0x0;
	s20 =	sshll.u32 s4, $0x1;
	s4 =	sadd.s32 s21, s2  }
0x9d: {  	[timem:s6], [sflag:s22] =	dma.local [hbm:s4], s20  }
0x9e: {  	_ =	swait.ge [sflag:s22], s20  }
0x9f: {  	s3 =	ssub.s32 $0x0, s20;
	[sflag:s22] =	ssyncset.done $0x0  }
0xa0: {  	[sflag:s22] =	ssyncadd.s32 s3;
	_ =	sdelay $0x1  }
0xa1: {  	s23 =	simm.s32 $0x1B8B  }
0xa2: {  	_ =	swait.ge [sflag:s23], $0x1  }
0xa3: {  	[sflag:s23] =	ssyncset.done $0x0  }
0xa4: {  	s25 =	simm.s32 $0x1B8E;
	s24 =	sld [smem:$0x3FFE];
	[sflag:s23] =	ssyncadd.s32 $0xFFFFFFFF  }
0xa5: {  	s26 =	simm.s32 $execute0_lowered;
	[smem:$0x3FD2] =	sst s25  }
0xa6: {  	s4 =	sshll.u32 s26, $0x1;
	_ =	strace $0x80000055;
	[dreg:$0x1] =	wrdreg $0xFFFFFFFF  }
0xa7: {  	s28 =	simm.s32 $_size_execute0_lowered;
	s2 =	sadd.s32 s2, s4;
	[dreg:$0x0] =	wrdreg $0x0  }
0xa8: {  	s4 =	sshll.u32 s28, $0x1;
	[dreg:$0x2] =	wrdreg s2  }
0xa9: {  	[dreg:$0x3] =	wrdreg s4  }
0xaa: {  	[dreg:$0x4] =	wrdreg $0xC0  }
0xab: {  	_ =	task [dreg:s6], $0x5FFFF  }
0xac: {  	[dreg:$0x1] =	wrdreg $0xFFFFFFFF  }
0xad: {  	[dreg:$0x0] =	wrdreg $0x60  }
0xae: {  	[dreg:$0x2] =	wrdreg s24  }
0xaf: {  	[dreg:$0x3] =	wrdreg $0x9  }
0xb0: {  	_ =	task.clear_ibuf [dreg:s6], $0x4FFFF;
	_ =	strace $0x90000055  }
0xb1: {  	s29 =	simm.s32 $0x9;
	_ =	strace $0x80000057  }
0xb2: {  	_ =	swait.ge [sflag:s29], $0x1  }
0xb3: {  	[sflag:s29] =	ssyncadd.s32 $0xFFFFFFFF  }
0xb4: {  	_ =	strace $0x90000057  }
0xb5: {  	_ =	sfence  }
0xb6: {  	s30 =	sld [smem:$0x0];
	_ =	sdelay $0x2  }
0xb7: {  	s31 =	sshll.u32 s1, $0xD;
	s1 =	sshrl.u32 s1, $0x2  }
0xb8: {  	s3 =	sand.u32 $0x4000, s31;
	s1 =	sadd.s32 s1, s30  }
0xb9: {  	s0 =	sor.u32 s3, s0;
	s1 =	sshll.u32 s1, $0x11  }
0xba: {  	s0 =	sor.u32 s1, s0  }
0xbb: {  	s0 =	sadd.s32 $0x8F2B, s0  }
0xbc: {  	[sflag:s0] =	ssyncadd.remote.s32 $0x1  }
0xbd: {  	_ =	sfence.sel $0xFFFF  }
0xbe: {  	[dreg:$0x0] =	wrdreg $0xFFFFFFFF;
	(pc) =	sbr.abs _section_cstart, $3  }
0xbf: {  	[dreg:$0x1] =	wrdreg $0xFFFFFFFF  }
0xc0: {  	_ =	task.clear_ibuf [dreg:s6], $0x2FFFF;
	_ =	strace $0x9FFFFFFF  }
0xc1: {  	(tm) =	ssettm $0x7FFFFFFF  }
tec
execute0_lowered:
.L_overlay_start_1:
0x0: {  	(tag) =	ssettag $0x1  }
0x1: {  	s8 =	rddreg [dreg:$0x0];
	s1 =	stileid.u32  }
0x2: {  	s2 =	srdreg.scid;
	s0 =	rddreg [dreg:$0x1]  }
0x3: {  	_ =	strace $0x80000056;
	s5 =	simm.s32 $0x1;
	s9 =	simm.s32 $0x1  }
0x4: {  	s10 =	simm.s32 $0x3;
	s3 =	sand.u32 $0x1, s2;
	s4 =	sshll.u32 s1, $0x1  }
0x5: {  	s13 =	simm.s32 $0x0;
	s12 =	simm.s32 $0x0;
	s6 =	sor.u32 s4, s3  }
0x6: {  	s2 =	sadd.s32 $0x1AEA00, s8;
	[sflag:s5] =	ssyncpa.u1 $0x0;
	s4 =	smul.u32 $0x3100, s6  }
0x7: {  	s3 =	sadd.s32 $0x319E00, s8;
	p0 =	slt.u32 s6, $0x5;
	s6 =	simm.s32 $0x62000  }
.Ltmp0:
0x8: {  	s6 =	simm.s32 @!p0 $0x0;
	s7 =	ssub.s32 $0x6E400, s4;
	(pc) =	sbr.rel .LBB2_1-.Ltmp0, $4  }
0x9: {  	s9 =	simm.s32 @!p0 $0x0;
	p0 =	sne.s32 s7, s6;
	s7 =	simm.s32 $0x1  }
0xa: {  	s8 =	sadd.s32 $0x19A00, s8;
	s6 =	simm.s32 $0x2;
	s7 =	simm.s32 @!p0 $0x0  }
0xb: {  	s11 =	smov.u32 s4;
	[sflag:s6] =	ssyncpa.u1 $0x0;
	s7 =	sadd.s32 s9, s7  }
0xc: {  	vm0 =	vmmov $0xffff;
	[sflag:s10] =	ssyncpa.u1 $0x0;
	s10 =	simm.s32 $0x0;
	s9 =	sadd.s32 $0x1, s7  }
.LBB2_4:
0xd: {  	v2 =	vnsel vm1, $0x0, v2  }
0xe: {  	vm1 =	vgt.s32 v0, $0x0;
	v2 =	vmin.u32 v2, $0x61A7F  }
0xf: {  	v0 =	vnsel vm1, $0x0, v0  }
0x10: {  	v0 =	vmin.u32 v0, $0x61A7F  }
0x11: {  	[tilespmem:s18], [sflag:$0x1] =	stream.indirect_vreg.gather [hbm4b:s2+s10], $0x1, v1, vm0, $0x4038;
	[tilespmem:$0xC400] =	vst v63  }
0x12: {  	(ifvalue) =	ssetifvalue $0x7FFFFFFF  }
0x13: {  	[tilespmem:s15], [sflag:$0x1] =	stream.indirect_vreg.gather [hbm4b:s2+s10], $0x1, v2, vm0, $0x4038;
	[tilespmem:$0xC400] =	vst v63  }
0x14: {  	s29 =	sadd.s32 $0x10, s15;
	(ifvalue) =	ssetifvalue $0x7FFFFFFF  }
0x15: {  	[tilespmem:s29], [sflag:$0x1] =	stream.indirect_vreg.gather [hbm4b:s2+s10], $0x1, v0, vm0, $0x4038;
	[tilespmem:$0xC400] =	vst v63  }
0x16: {  	_ =	swait.ge [sflag:s5], $0x3100  }
0x17: {  	s30 =	sshrl.u32 s13, $0x3;
	[sflag:s5] =	ssyncset.done $0x0  }
0x18: {  	s31 =	sand.u32 $0x7, s13;
	s15 =	sadd.s32 s8, s30;
	[sflag:s5] =	ssyncadd.s32 $0xFFFFCF00  }
0x19: {  	[hbm4b:s15+s31] =	stream.linear.scatter [tilespmem:s14], [sflag:$0x3], $0x3100, $0x38;
	[tilespmem:$0xC400] =	vst v63  }
.LBB2_5:
0x1a: {  	s15 =	sadd.s32 $0x62000, s11  }
0x1b: {  	p1 =	sgt.s32 s15, $0x6E3FF  }
0x1c: {  	s15 =	smov.u32 @p1 s4;
	p1 =	sne.s32 s12, s9  }
.Ltmp1:
0x1d: {  	p0 =	slt.u32 s12, $0x2;
	(pc) =	sbr.rel @!p1 .LBB2_6-.Ltmp1, $4  }
0x1e: {  	s14 =	simm.s32 @!p0 $0x3  }
0x1f: {  	_ =	swait.ge @!p0 [sflag:s14], $0x3100  }
0x20: {  	s16 =	sadd.s32 $0x1, s12;
	s13 =	smov.u32 s11;
	[sflag:s14] =	ssyncset.done @!p0 $0x0  }
0x21: {  	s12 =	smov.u32 s16;
	s11 =	smov.u32 s15;
	[sflag:s14] =	ssyncadd.s32 @!p0 $0xFFFFCF00  }
.LBB2_1:
0x22: {  	p0 =	sge.u32 s12, s7  }
0x23: {  	s14 =	sxor.u32 @!p0 $0x1, s12  }
0x24: {  	s14 =	smul.u32 @!p0 $0xC400, s14  }
0x25: {  	s31 =	sadd.s32 $0xFFFFFFFF, s12;
	s15 =	sshrl.u32 @!p0 s11, $0x3  }
0x26: {  	s16 =	sand.u32 @!p0 $0x7, s11;
	s15 =	sadd.s32 @!p0 s3, s15;
	s14 =	sshra.s32 @!p0 s14, $0x2  }
0x27: {  	[tilespmem:s14], [sflag:$0x2] =	stream.linear.gather @!p0 [hbm4b:s15+s16], $0x3100, $0x38;
	[tilespmem:$0xC400] =	vst v63  }
0x28: {  	p0 =	sge.u32 s31, s7  }
.Ltmp2:
0x29: {  	_ = 	snop;
	(pc) =	sbr.rel @p0 .LBB2_5-.Ltmp2, $1  }
0x2a: {  	_ =	sdelay $0x3  }
0x2b: {  	s14 =	sand.u32 $0x1, s12  }
0x2c: {  	_ =	swait.ge [sflag:s6], $0x3100;
	p0 =	seq.s32 s14, $0x1;
	s14 =	simm.s32 $0x3100  }
0x2d: {  	[sflag:s6] =	ssyncset.done $0x0;
	s14 =	simm.s32 @!p0 $0x0  }
0x2e: {  	[sflag:s6] =	ssyncadd.s32 $0xFFFFCF00;
	(ifvalue) =	ssetifvalue $0x7FFFFFFF;
	v0 =	vld.msk [tilespmem:s14+$0x0 ss:$0x1], $0xffff;
	_ =	sdelay $0x4  }
0x2f: {  	s15 =	sadd.s32 $0x10, s14;
	vm1 =	vgt.s32 v0, $0x0  }
0x30: {  	v2 =	vld.msk [tilespmem:s15+$0x0 ss:$0x1], $0xffff;
	v1 =	vnsel vm1, $0x0, v0  }
0x31: {  	v1 =	vmin.u32 v1, $0x61A7F;
	_ =	sdelay $0x2  }
0x32: {  	s17 =	simm.s32 $0x20;
	s14 =	sadd.s32 $0x6200, s14;
	s16 =	sadd.s32 $0x10, s15  }
0x33: {  	s15 =	sadd.s32 $0x10, s14;
	s18 =	smov.u32 s14;
	v0 =	vld.msk [tilespmem:s16+$0x0 ss:$0x1], $0xffff;
	vm1 =	vgt.s32 v2, $0x0;
	(ifvalue) =	ssetifvalue $0x7FFFFFFF  }
.LBB2_3:
0x34: {  	[tilespmem:s18], [sflag:$0x1] =	stream.indirect_vreg.gather [hbm4b:s2+s10], $0x1, v1, vm0, $0x4038;
	[tilespmem:$0xC400] =	vst v63  }
0x35: {  	s17 =	sadd.s32 $0x10, s17  }
0x36: {  	v2 =	vnsel vm1, $0x0, v2;
	p0 =	slt.u32 s17, $0x30F0  }
.Ltmp3:
0x37: {  	s18 =	smov.u32 s15;
	v1 =	vmin.u32 v2, $0x61A7F;
	(pc) =	sbr.rel @p0 .LBB2_3-.Ltmp3, $3  }
0x38: {  	_ =	sdelay $0x1  }
0x39: {  	s16 =	sadd.s32 $0x10, s16  }
0x3a: {  	vm1 =	vgt.s32 v0, $0x0;
	s15 =	sadd.s32 $0x10, s15;
	v2 =	vmov v0;
	(ifvalue) =	ssetifvalue $0x7FFFFFFF;
	v0 =	vld.msk [tilespmem:s16+$0x0 ss:$0x1], $0xffff  }
.Ltmp4:
0x3b: {  	_ = 	snop;
	(pc) =	sbr.rel .LBB2_4-.Ltmp4, $1  }
0x3c: {  	_ =	sdelay $0x3  }
.LBB2_6:
0x3d: {  	_ =	sfence.sel $0x180000  }
0x3e: {  	s2 =	simm.s32 $0x2;
	[bflag:$0x0] =	sbarrier.arrive $0xFFFF  }
0x3f: {  	s30 =	simm.s32 $0x3;
	[sflag:s2] =	ssyncpa.u1 $0x1  }
0x40: {  	s31 =	simm.s32 $0x1;
	[sflag:s30] =	ssyncpa.u1 $0x1  }
0x41: {  	[sflag:s31] =	ssyncpa.u1 $0x1  }
0x42: {  	p0 =	sne.s32 s1, $0x0;
	_ =	strace $0x90000056  }
0x43: {  	s0 =	sadd.s32 @!p0 $0x100000, s0;
	[bflag:$0x2] =	sbarrier.arrive $0xFFFF  }
0x44: {  	[sflag:s0] =	ssyncadd.tile.s32 @!p0 $0x1;
	_ =	shalt  }
.Lfunc_end2:
_tile_overlayer_lowered:
.L_overlay_start_2:
0x45: {  	(tag) =	ssettag $0x2  }
0x46: {  	s0 =	rddreg [dreg:$0x0];
	s2 =	stileid.u32  }
0x47: {  	s1 =	rddreg [dreg:$0x1];
	p0 =	sne.s32 s2, $0x0  }
0x48: {  	s3 =	rddreg [dreg:$0x2];
	[bflag:$0x3] =	sbarrier.arrive $0xFFFF;
	s2 =	simm.s32 @!p0 $0x1C01  }
0x49: {  	[timem:s3], [sflag:s2] =	dma.local @!p0 [hbm:s0], s1  }
0x4a: {  	s0 =	simm.s32 @!p0 $0x1  }
0x4b: {  	_ =	swait.ge @!p0 [sflag:s0], s1  }
0x4c: {  	s1 =	ssub.s32 @!p0 $0x0, s1;
	[sflag:s0] =	ssyncset.done @!p0 $0x0  }
0x4d: {  	[sflag:s0] =	ssyncadd.s32 @!p0 s1  }
0x4e: {  	[bflag:$0x3] =	sbarrier.arrive $0xFFFF  }
0x4f: {  	_ =	shalt  }

// kernel: gather_offload_async_start.6
scs
__scs_entry_jumppad:
0x0: {  	(pc) =	sbr.rel $0x88, $3  }
0x1: {  	(tag) =	ssettag $0x0;
	lr =	simm.s32 $0x1  }
0x2: {  	[smem:$0x3F5F] =	sst lr;
	_ =	strace $0xD0000000  }
0x3: {  	_ = 	snop  }
0x4: {  	_ = 	snop  }
0x5: {  	_ = 	snop  }
0x6: {  	_ = 	snop  }
0x7: {  	_ = 	snop  }
__scs_overlays_trampoline_lowered:
0x8: {  	[smem:$0x3F6E] =	sst s0  }
0x9: {  	[smem:$0x3F6F] =	sst s1  }
0xa: {  	[smem:$0x3F70] =	sst s2  }
0xb: {  	[smem:$0x3F71] =	sst s3  }
0xc: {  	[smem:$0x3F72] =	sst s4  }
0xd: {  	[smem:$0x3F73] =	sst s5  }
0xe: {  	[smem:$0x3F74] =	sst s6  }
0xf: {  	[smem:$0x3F75] =	sst s7  }
0x10: {  	[smem:$0x3F76] =	sst s8  }
0x11: {  	[smem:$0x3F77] =	sst s9;
	s0 =	simm.s32 @!p0 $0x0  }
0x12: {  	s1 =	sld [smem:$0x3F5D];
	s0 =	simm.s32 @p0 $0x1  }
0x13: {  	[smem:$0x3F78] =	sst s0;
	s0 =	simm.s32 @!p1 $0x0  }
0x14: {  	s2 =	sld [smem:$0x3F5C];
	s0 =	simm.s32 @p1 $0x1  }
0x15: {  	[smem:$0x3F79] =	sst s0;
	s0 =	simm.s32 @!p2 $0x0  }
0x16: {  	s3 =	sld [smem:$0x3FDB];
	s0 =	simm.s32 @p2 $0x1  }
0x17: {  	s4 =	simm.s32 $0x1BF5;
	[smem:$0x3F7B] =	sst s0  }
0x18: {  	s0 =	sld [smem:$0x3F5E];
	_ =	swait.ge [sflag:s4], $0x0  }
0x19: {  	s7 =	sld [smem:$0x3F5F]  }
0x1a: {  	s8 =	sadd.s32 $0xFFFFE003, lr  }
0x1b: {  	s9 =	sadd.s32 $0xFFFFFEF7, lr;
	s5 =	simm.s32 $0xFFFFFFFF;
	p2 =	slt.u32 s8, $0xFFFFF086  }
0x1c: {  	p1 =	slt.u32 s9, $0xF7A;
	s5 =	simm.s32 @!p2 $0x0  }
0x1d: {  	s5 =	simm.s32 @p1 $0x1;
	p0 =	seq.s32 s7, s2  }
0x1e: {  	s7 =	smul.u32 @!p0 $0xF7A, s2;
	p2 =	seq.s32 @!p0 s5, $0x0  }
0x1f: {  	s9 =	smul.u32 $0xF7A, s1;
	s8 =	simm.s32 @!p0 $0x1BF5;
	p2 =	por !p2, p0  }
0x20: {  	[sflag:s8] =	ssyncset.s32 @!p0 $0xFFFFF086;
	s6 =	sadd.s32 @!p0 s3, s7;
	s7 =	simm.s32 @!p0 $0x108  }
0x21: {  	s3 =	sadd.s32 s3, s9;
	s6 =	sadd.s32 @!p0 $0x88, s6;
	s7 =	simm.s32 @p2 $0x1082  }
0x22: {  	[simem:s7], [sflag:s8] =	dma.local @!p0 [hbm:s6], $0xF7A  }
0x23: {  	s9 =	sor.u32 $0xD0000000, s2;
	s6 =	simm.s32 $0x108;
	_ =	swait.ge @!p0 [sflag:s8], $0x0  }
0x24: {  	s3 =	sadd.s32 $0x88, s3;
	s6 =	simm.s32 @!p1 $0x1082;
	[sflag:s4] =	ssyncset.s32 $0xFFFFF086  }
0x25: {  	[simem:s6], [sflag:s4] =	dma.local [hbm:s3], $0xF7A  }
0x26: {  	[smem:$0x3F5F] =	sst s1;
	(tag) =	ssettag s2;
	_ =	strace s9  }
0x27: {  	s1 =	sld [smem:$0x3F6F]  }
0x28: {  	s2 =	sld [smem:$0x3F70]  }
0x29: {  	s4 =	sld [smem:$0x3F72]  }
0x2a: {  	p0 =	seq.s32 s5, $0x0;
	s5 =	sld [smem:$0x3F73]  }
0x2b: {  	s6 =	sld [smem:$0x3F74]  }
0x2c: {  	s7 =	sld [smem:$0x3F75]  }
0x2d: {  	s3 =	simm.s32 $0x108;
	s8 =	sld [smem:$0x3F76]  }
0x2e: {  	s3 =	simm.s32 @!p0 $0x1082;
	s9 =	sld [smem:$0x3F77]  }
0x2f: {  	lr =	sadd.s32 s0, s3;
	s0 =	sld [smem:$0x3F6E]  }
0x30: {  	s3 =	sld [smem:$0x3F71]  }
0x31: {  	[smem:$0x3F7A] =	sst s10  }
0x32: {  	s10 =	sld [smem:$0x3F78];
	_ =	sdelay $0x3  }
0x33: {  	p0 =	seq.s32 s10, $0x1;
	s10 =	sld [smem:$0x3F7A];
	_ =	sdelay $0x3  }
0x34: {  	[smem:$0x3F7A] =	sst s10  }
0x35: {  	s10 =	sld [smem:$0x3F79];
	_ =	sdelay $0x3  }
0x36: {  	p1 =	seq.s32 s10, $0x1;
	s10 =	sld [smem:$0x3F7A];
	_ =	sdelay $0x3  }
0x37: {  	[smem:$0x3F7A] =	sst s10  }
0x38: {  	s10 =	sld [smem:$0x3F7B]  }
0x39: {  	_ = 	snop;
	(pc) =	sbr.ind lr, $3  }
0x3a: {  	_ = 	snop  }
0x3b: {  	_ = 	snop  }
0x3c: {  	p2 =	seq.s32 s10, $0x1;
	s10 =	sld [smem:$0x3F7A]  }
0x3d: {  	_ =	shalt  }
0x3e: {  	_ =	shalt  }
0x3f: {  	_ =	shalt  }
0x40: {  	_ =	shalt  }
0x41: {  	_ =	shalt  }
0x42: {  	_ =	shalt  }
0x43: {  	_ =	shalt  }
0x44: {  	_ =	shalt  }
0x45: {  	_ =	shalt  }
0x46: {  	_ =	shalt  }
0x47: {  	_ =	shalt  }
0x48: {  	_ =	shalt  }
0x49: {  	_ =	shalt  }
0x4a: {  	_ =	shalt  }
0x4b: {  	_ =	shalt  }
0x4c: {  	_ =	shalt  }
0x4d: {  	_ =	shalt  }
0x4e: {  	_ =	shalt  }
0x4f: {  	_ =	shalt  }
0x50: {  	_ =	shalt  }
0x51: {  	_ =	shalt  }
0x52: {  	_ =	shalt  }
0x53: {  	_ =	shalt  }
0x54: {  	_ =	shalt  }
0x55: {  	_ =	shalt  }
0x56: {  	_ =	shalt  }
0x57: {  	_ =	shalt  }
0x58: {  	_ =	shalt  }
0x59: {  	_ =	shalt  }
0x5a: {  	_ =	shalt  }
0x5b: {  	_ =	shalt  }
0x5c: {  	_ =	shalt  }
0x5d: {  	_ =	shalt  }
0x5e: {  	_ =	shalt  }
0x5f: {  	_ =	shalt  }
0x60: {  	_ =	shalt  }
0x61: {  	_ =	shalt  }
0x62: {  	_ =	shalt  }
0x63: {  	_ =	shalt  }
0x64: {  	_ =	shalt  }
0x65: {  	_ =	shalt  }
0x66: {  	_ =	shalt  }
0x67: {  	_ =	shalt  }
0x68: {  	_ =	shalt  }
0x69: {  	_ =	shalt  }
0x6a: {  	_ =	shalt  }
0x6b: {  	_ =	shalt  }
0x6c: {  	_ =	shalt  }
0x6d: {  	_ =	shalt  }
0x6e: {  	_ =	shalt  }
0x6f: {  	_ =	shalt  }
0x70: {  	_ =	shalt  }
0x71: {  	_ =	shalt  }
0x72: {  	_ =	shalt  }
0x73: {  	_ =	shalt  }
0x74: {  	_ =	shalt  }
0x75: {  	_ =	shalt  }
0x76: {  	_ =	shalt  }
0x77: {  	_ =	shalt  }
0x78: {  	_ =	shalt  }
0x79: {  	_ =	shalt  }
0x7a: {  	_ =	shalt  }
0x7b: {  	_ =	shalt  }
0x7c: {  	_ =	shalt  }
0x7d: {  	_ =	shalt  }
0x7e: {  	_ =	shalt  }
0x7f: {  	_ =	shalt  }
0x80: {  	_ =	shalt  }
0x81: {  	_ =	shalt  }
0x82: {  	_ =	shalt  }
0x83: {  	_ =	shalt  }
0x84: {  	_ =	shalt  }
0x85: {  	_ =	shalt  }
0x86: {  	_ =	shalt  }
0x87: {  	_ =	shalt  }
.Lfunc_end0:
.L_simem_size_0:
called_computation.6_lowered:
.L_overlay_start_0:
0x88: {  	s2 =	sld [smem:$0x3FD9]  }
0x89: {  	s3 =	sld [smem:$0x3FFE];
	_ =	sdelay $0x1  }
0x8a: {  	s1 =	srdreg.scid  }
0x8b: {  	s0 =	sand.u32 $0x1, s1  }
0x8c: {  	s16 =	sshll.u32 s0, $0xA;
	s2 =	sadd.s32 s3, s2  }
0x8d: {  	s2 =	sadd.s32 s2, s16  }
0x8e: {  	[smem:$0x3F86] =	sst s2  }
0x8f: {  	_ = 	snop  }
0x90: {  	(tm) =	ssettm $0x1  }
0x91: {  	s17 =	sld [smem:$0x3FFB];
	_ =	sdelay $0x3  }
0x92: {  	_ =	strace s17  }
0x93: {  	s2 =	sld [smem:$0x3FFC];
	_ =	sdelay $0x3  }
0x94: {  	_ =	strace s2  }
0x95: {  	s2 =	sld [smem:$0x3FFD];
	_ =	sdelay $0x3  }
0x96: {  	_ =	strace s2  }
0x97: {  	_ =	strace $0x8FFFFFFF  }
0x98: {  	s18 =	sld [smem:$0x3FDB];
	_ =	sdelay $0x1  }
0x99: {  	s19 =	simm.s32 $_scs_section_size  }
0x9a: {  	s4 =	simm.s32 $_size__tile_overlayer_lowered;
	s5 =	simm.s32 $_tile_overlayer_lowered  }
0x9b: {  	s22 =	simm.s32 $0x1BFF;
	s21 =	sshll.u32 s5, $0x1;
	s2 =	sadd.s32 s19, s18  }
0x9c: {  	s6 =	simm.s32 $0x0;
	s20 =	sshll.u32 s4, $0x1;
	s4 =	sadd.s32 s21, s2  }
0x9d: {  	[timem:s6], [sflag:s22] =	dma.local [hbm:s4], s20  }
0x9e: {  	_ =	swait.ge [sflag:s22], s20  }
0x9f: {  	s3 =	ssub.s32 $0x0, s20;
	[sflag:s22] =	ssyncset.done $0x0  }
0xa0: {  	[sflag:s22] =	ssyncadd.s32 s3;
	_ =	sdelay $0x1  }
0xa1: {  	s23 =	simm.s32 $0x1B8B  }
0xa2: {  	_ =	swait.ge [sflag:s23], $0x1  }
0xa3: {  	[sflag:s23] =	ssyncset.done $0x0  }
0xa4: {  	s25 =	simm.s32 $0x1B8E;
	s24 =	sld [smem:$0x3FFE];
	[sflag:s23] =	ssyncadd.s32 $0xFFFFFFFF  }
0xa5: {  	s26 =	simm.s32 $execute0_lowered;
	[smem:$0x3FD2] =	sst s25  }
0xa6: {  	s4 =	sshll.u32 s26, $0x1;
	_ =	strace $0x8000004F;
	[dreg:$0x1] =	wrdreg $0xFFFFFFFF  }
0xa7: {  	s28 =	simm.s32 $_size_execute0_lowered;
	s2 =	sadd.s32 s2, s4;
	[dreg:$0x0] =	wrdreg $0x0  }
0xa8: {  	s4 =	sshll.u32 s28, $0x1;
	[dreg:$0x2] =	wrdreg s2  }
0xa9: {  	[dreg:$0x3] =	wrdreg s4  }
0xaa: {  	[dreg:$0x4] =	wrdreg $0xC0  }
0xab: {  	_ =	task [dreg:s6], $0x5FFFF  }
0xac: {  	[dreg:$0x1] =	wrdreg $0xFFFFFFFF  }
0xad: {  	[dreg:$0x0] =	wrdreg $0x60  }
0xae: {  	[dreg:$0x2] =	wrdreg s24  }
0xaf: {  	[dreg:$0x3] =	wrdreg $0x9  }
0xb0: {  	_ =	task.clear_ibuf [dreg:s6], $0x4FFFF;
	_ =	strace $0x9000004F  }
0xb1: {  	s29 =	simm.s32 $0x9;
	_ =	strace $0x80000051  }
0xb2: {  	_ =	swait.ge [sflag:s29], $0x1  }
0xb3: {  	[sflag:s29] =	ssyncadd.s32 $0xFFFFFFFF  }
0xb4: {  	_ =	strace $0x90000051  }
0xb5: {  	_ =	sfence  }
0xb6: {  	s30 =	sld [smem:$0x0];
	_ =	sdelay $0x2  }
0xb7: {  	s31 =	sshll.u32 s1, $0xD;
	s1 =	sshrl.u32 s1, $0x2  }
0xb8: {  	s3 =	sand.u32 $0x4000, s31;
	s1 =	sadd.s32 s1, s30  }
0xb9: {  	s0 =	sor.u32 s3, s0;
	s1 =	sshll.u32 s1, $0x11  }
0xba: {  	s0 =	sor.u32 s1, s0  }
0xbb: {  	s0 =	sadd.s32 $0x8F2B, s0  }
0xbc: {  	[sflag:s0] =	ssyncadd.remote.s32 $0x1  }
0xbd: {  	_ =	sfence.sel $0xFFFF  }
0xbe: {  	[dreg:$0x0] =	wrdreg $0xFFFFFFFF;
	(pc) =	sbr.abs _section_cstart, $3  }
0xbf: {  	[dreg:$0x1] =	wrdreg $0xFFFFFFFF  }
0xc0: {  	_ =	task.clear_ibuf [dreg:s6], $0x2FFFF;
	_ =	strace $0x9FFFFFFF  }
0xc1: {  	(tm) =	ssettm $0x7FFFFFFF  }
tec
execute0_lowered:
.L_overlay_start_1:
0x0: {  	(tag) =	ssettag $0x1  }
0x1: {  	s8 =	rddreg [dreg:$0x0];
	s1 =	stileid.u32  }
0x2: {  	s2 =	srdreg.scid;
	s0 =	rddreg [dreg:$0x1]  }
0x3: {  	_ =	strace $0x80000050;
	s5 =	simm.s32 $0x1;
	s9 =	simm.s32 $0x1  }
0x4: {  	s10 =	simm.s32 $0x3;
	s3 =	sand.u32 $0x1, s2;
	s4 =	sshll.u32 s1, $0x1  }
0x5: {  	s13 =	simm.s32 $0x0;
	s12 =	simm.s32 $0x0;
	s6 =	sor.u32 s4, s3  }
0x6: {  	s2 =	sadd.s32 $0x229200, s8;
	[sflag:s5] =	ssyncpa.u1 $0x0;
	s4 =	smul.u32 $0x2710, s6  }
0x7: {  	s3 =	sadd.s32 $0x241A00, s8;
	p0 =	slt.u32 s6, $0x9;
	s6 =	simm.s32 $0x4E200  }
.Ltmp0:
0x8: {  	s6 =	simm.s32 @!p0 $0x0;
	s7 =	ssub.s32 $0x61A80, s4;
	(pc) =	sbr.rel .LBB2_1-.Ltmp0, $4  }
0x9: {  	s9 =	simm.s32 @!p0 $0x0;
	p0 =	sne.s32 s7, s6;
	s7 =	simm.s32 $0x1  }
0xa: {  	s8 =	sadd.s32 $0x1BAE00, s8;
	s6 =	simm.s32 $0x2;
	s7 =	simm.s32 @!p0 $0x0  }
0xb: {  	s11 =	smov.u32 s4;
	[sflag:s6] =	ssyncpa.u1 $0x0;
	s7 =	sadd.s32 s9, s7  }
0xc: {  	vm0 =	vmmov $0xffff;
	[sflag:s10] =	ssyncpa.u1 $0x0;
	s10 =	simm.s32 $0x0;
	s9 =	sadd.s32 $0x1, s7  }
.LBB2_4:
0xd: {  	v2 =	vnsel vm1, $0x0, v2  }
0xe: {  	vm1 =	vgt.s32 v0, $0x0;
	v2 =	vmin.u32 v2, $0x61A7F  }
0xf: {  	v0 =	vnsel vm1, $0x0, v0  }
0x10: {  	v0 =	vmin.u32 v0, $0x61A7F  }
0x11: {  	[tilespmem:s18], [sflag:$0x1] =	stream.indirect_vreg.gather [hbm4b:s2+s10], $0x1, v1, vm0, $0x4038;
	[tilespmem:$0x9C40] =	vst v63  }
0x12: {  	(ifvalue) =	ssetifvalue $0x7FFFFFFF  }
0x13: {  	[tilespmem:s15], [sflag:$0x1] =	stream.indirect_vreg.gather [hbm4b:s2+s10], $0x1, v2, vm0, $0x4038;
	[tilespmem:$0x9C40] =	vst v63  }
0x14: {  	s29 =	sadd.s32 $0x10, s15;
	(ifvalue) =	ssetifvalue $0x7FFFFFFF  }
0x15: {  	[tilespmem:s29], [sflag:$0x1] =	stream.indirect_vreg.gather [hbm4b:s2+s10], $0x1, v0, vm0, $0x4038;
	[tilespmem:$0x9C40] =	vst v63  }
0x16: {  	_ =	swait.ge [sflag:s5], $0x2710  }
0x17: {  	s30 =	sshrl.u32 s13, $0x3;
	[sflag:s5] =	ssyncset.done $0x0  }
0x18: {  	s31 =	sand.u32 $0x7, s13;
	s15 =	sadd.s32 s8, s30;
	[sflag:s5] =	ssyncadd.s32 $0xFFFFD8F0  }
0x19: {  	[hbm4b:s15+s31] =	stream.linear.scatter [tilespmem:s14], [sflag:$0x3], $0x2710, $0x38;
	[tilespmem:$0x9C40] =	vst v63  }
.LBB2_5:
0x1a: {  	s15 =	sadd.s32 $0x4E200, s11  }
0x1b: {  	p1 =	sgt.s32 s15, $0x61A7F  }
0x1c: {  	s15 =	smov.u32 @p1 s4;
	p1 =	sne.s32 s12, s9  }
.Ltmp1:
0x1d: {  	p0 =	slt.u32 s12, $0x2;
	(pc) =	sbr.rel @!p1 .LBB2_6-.Ltmp1, $4  }
0x1e: {  	s14 =	simm.s32 @!p0 $0x3  }
0x1f: {  	_ =	swait.ge @!p0 [sflag:s14], $0x2710  }
0x20: {  	s16 =	sadd.s32 $0x1, s12;
	s13 =	smov.u32 s11;
	[sflag:s14] =	ssyncset.done @!p0 $0x0  }
0x21: {  	s12 =	smov.u32 s16;
	s11 =	smov.u32 s15;
	[sflag:s14] =	ssyncadd.s32 @!p0 $0xFFFFD8F0  }
.LBB2_1:
0x22: {  	p0 =	sge.u32 s12, s7  }
0x23: {  	s14 =	sxor.u32 @!p0 $0x1, s12  }
0x24: {  	s14 =	smul.u32 @!p0 $0x9C40, s14  }
0x25: {  	s31 =	sadd.s32 $0xFFFFFFFF, s12;
	s15 =	sshrl.u32 @!p0 s11, $0x3  }
0x26: {  	s16 =	sand.u32 @!p0 $0x7, s11;
	s15 =	sadd.s32 @!p0 s3, s15;
	s14 =	sshra.s32 @!p0 s14, $0x2  }
0x27: {  	[tilespmem:s14], [sflag:$0x2] =	stream.linear.gather @!p0 [hbm4b:s15+s16], $0x2710, $0x38;
	[tilespmem:$0x9C40] =	vst v63  }
0x28: {  	p0 =	sge.u32 s31, s7  }
.Ltmp2:
0x29: {  	_ = 	snop;
	(pc) =	sbr.rel @p0 .LBB2_5-.Ltmp2, $1  }
0x2a: {  	_ =	sdelay $0x3  }
0x2b: {  	s14 =	sand.u32 $0x1, s12  }
0x2c: {  	_ =	swait.ge [sflag:s6], $0x2710;
	p0 =	seq.s32 s14, $0x1;
	s14 =	simm.s32 $0x2710  }
0x2d: {  	[sflag:s6] =	ssyncset.done $0x0;
	s14 =	simm.s32 @!p0 $0x0  }
0x2e: {  	[sflag:s6] =	ssyncadd.s32 $0xFFFFD8F0;
	(ifvalue) =	ssetifvalue $0x7FFFFFFF;
	v0 =	vld.msk [tilespmem:s14+$0x0 ss:$0x1], $0xffff;
	_ =	sdelay $0x4  }
0x2f: {  	s15 =	sadd.s32 $0x10, s14;
	vm1 =	vgt.s32 v0, $0x0  }
0x30: {  	v2 =	vld.msk [tilespmem:s15+$0x0 ss:$0x1], $0xffff;
	v1 =	vnsel vm1, $0x0, v0  }
0x31: {  	v1 =	vmin.u32 v1, $0x61A7F;
	_ =	sdelay $0x2  }
0x32: {  	s17 =	simm.s32 $0x20;
	s14 =	sadd.s32 $0x4E20, s14;
	s16 =	sadd.s32 $0x10, s15  }
0x33: {  	s15 =	sadd.s32 $0x10, s14;
	s18 =	smov.u32 s14;
	v0 =	vld.msk [tilespmem:s16+$0x0 ss:$0x1], $0xffff;
	vm1 =	vgt.s32 v2, $0x0;
	(ifvalue) =	ssetifvalue $0x7FFFFFFF  }
.LBB2_3:
0x34: {  	[tilespmem:s18], [sflag:$0x1] =	stream.indirect_vreg.gather [hbm4b:s2+s10], $0x1, v1, vm0, $0x4038;
	[tilespmem:$0x9C40] =	vst v63  }
0x35: {  	s17 =	sadd.s32 $0x10, s17  }
0x36: {  	v2 =	vnsel vm1, $0x0, v2;
	p0 =	slt.u32 s17, $0x2700  }
.Ltmp3:
0x37: {  	s18 =	smov.u32 s15;
	v1 =	vmin.u32 v2, $0x61A7F;
	(pc) =	sbr.rel @p0 .LBB2_3-.Ltmp3, $3  }
0x38: {  	_ =	sdelay $0x1  }
0x39: {  	s16 =	sadd.s32 $0x10, s16  }
0x3a: {  	vm1 =	vgt.s32 v0, $0x0;
	s15 =	sadd.s32 $0x10, s15;
	v2 =	vmov v0;
	(ifvalue) =	ssetifvalue $0x7FFFFFFF;
	v0 =	vld.msk [tilespmem:s16+$0x0 ss:$0x1], $0xffff  }
.Ltmp4:
0x3b: {  	_ = 	snop;
	(pc) =	sbr.rel .LBB2_4-.Ltmp4, $1  }
0x3c: {  	_ =	sdelay $0x3  }
.LBB2_6:
0x3d: {  	_ =	sfence.sel $0x180000  }
0x3e: {  	s2 =	simm.s32 $0x2;
	[bflag:$0x0] =	sbarrier.arrive $0xFFFF  }
0x3f: {  	s30 =	simm.s32 $0x3;
	[sflag:s2] =	ssyncpa.u1 $0x1  }
0x40: {  	s31 =	simm.s32 $0x1;
	[sflag:s30] =	ssyncpa.u1 $0x1  }
0x41: {  	[sflag:s31] =	ssyncpa.u1 $0x1  }
0x42: {  	p0 =	sne.s32 s1, $0x0;
	_ =	strace $0x90000050  }
0x43: {  	s0 =	sadd.s32 @!p0 $0x100000, s0;
	[bflag:$0x2] =	sbarrier.arrive $0xFFFF  }
0x44: {  	[sflag:s0] =	ssyncadd.tile.s32 @!p0 $0x1;
	_ =	shalt  }
.Lfunc_end2:
_tile_overlayer_lowered:
.L_overlay_start_2:
0x45: {  	(tag) =	ssettag $0x2  }
0x46: {  	s0 =	rddreg [dreg:$0x0];
	s2 =	stileid.u32  }
0x47: {  	s1 =	rddreg [dreg:$0x1];
	p0 =	sne.s32 s2, $0x0  }
0x48: {  	s3 =	rddreg [dreg:$0x2];
	[bflag:$0x3] =	sbarrier.arrive $0xFFFF;
	s2 =	simm.s32 @!p0 $0x1C01  }
0x49: {  	[timem:s3], [sflag:s2] =	dma.local @!p0 [hbm:s0], s1  }
0x4a: {  	s0 =	simm.s32 @!p0 $0x1  }
0x4b: {  	_ =	swait.ge @!p0 [sflag:s0], s1  }
0x4c: {  	s1 =	ssub.s32 @!p0 $0x0, s1;
	[sflag:s0] =	ssyncset.done @!p0 $0x0  }
0x4d: {  	[sflag:s0] =	ssyncadd.s32 @!p0 s1  }
0x4e: {  	[bflag:$0x3] =	sbarrier.arrive $0xFFFF  }
0x4f: {  	_ =	shalt  }

// kernel: gather_offload_async_start.7
scs
__scs_entry_jumppad:
0x0: {  	(pc) =	sbr.rel $0x88, $3  }
0x1: {  	(tag) =	ssettag $0x0;
	lr =	simm.s32 $0x1  }
0x2: {  	[smem:$0x3F5F] =	sst lr;
	_ =	strace $0xD0000000  }
0x3: {  	_ = 	snop  }
0x4: {  	_ = 	snop  }
0x5: {  	_ = 	snop  }
0x6: {  	_ = 	snop  }
0x7: {  	_ = 	snop  }
__scs_overlays_trampoline_lowered:
0x8: {  	[smem:$0x3F6E] =	sst s0  }
0x9: {  	[smem:$0x3F6F] =	sst s1  }
0xa: {  	[smem:$0x3F70] =	sst s2  }
0xb: {  	[smem:$0x3F71] =	sst s3  }
0xc: {  	[smem:$0x3F72] =	sst s4  }
0xd: {  	[smem:$0x3F73] =	sst s5  }
0xe: {  	[smem:$0x3F74] =	sst s6  }
0xf: {  	[smem:$0x3F75] =	sst s7  }
0x10: {  	[smem:$0x3F76] =	sst s8  }
0x11: {  	[smem:$0x3F77] =	sst s9;
	s0 =	simm.s32 @!p0 $0x0  }
0x12: {  	s1 =	sld [smem:$0x3F5D];
	s0 =	simm.s32 @p0 $0x1  }
0x13: {  	[smem:$0x3F78] =	sst s0;
	s0 =	simm.s32 @!p1 $0x0  }
0x14: {  	s2 =	sld [smem:$0x3F5C];
	s0 =	simm.s32 @p1 $0x1  }
0x15: {  	[smem:$0x3F79] =	sst s0;
	s0 =	simm.s32 @!p2 $0x0  }
0x16: {  	s3 =	sld [smem:$0x3FDB];
	s0 =	simm.s32 @p2 $0x1  }
0x17: {  	s4 =	simm.s32 $0x1BF5;
	[smem:$0x3F7B] =	sst s0  }
0x18: {  	s0 =	sld [smem:$0x3F5E];
	_ =	swait.ge [sflag:s4], $0x0  }
0x19: {  	s7 =	sld [smem:$0x3F5F]  }
0x1a: {  	s8 =	sadd.s32 $0xFFFFE003, lr  }
0x1b: {  	s9 =	sadd.s32 $0xFFFFFEF7, lr;
	s5 =	simm.s32 $0xFFFFFFFF;
	p2 =	slt.u32 s8, $0xFFFFF086  }
0x1c: {  	p1 =	slt.u32 s9, $0xF7A;
	s5 =	simm.s32 @!p2 $0x0  }
0x1d: {  	s5 =	simm.s32 @p1 $0x1;
	p0 =	seq.s32 s7, s2  }
0x1e: {  	s7 =	smul.u32 @!p0 $0xF7A, s2;
	p2 =	seq.s32 @!p0 s5, $0x0  }
0x1f: {  	s9 =	smul.u32 $0xF7A, s1;
	s8 =	simm.s32 @!p0 $0x1BF5;
	p2 =	por !p2, p0  }
0x20: {  	[sflag:s8] =	ssyncset.s32 @!p0 $0xFFFFF086;
	s6 =	sadd.s32 @!p0 s3, s7;
	s7 =	simm.s32 @!p0 $0x108  }
0x21: {  	s3 =	sadd.s32 s3, s9;
	s6 =	sadd.s32 @!p0 $0x88, s6;
	s7 =	simm.s32 @p2 $0x1082  }
0x22: {  	[simem:s7], [sflag:s8] =	dma.local @!p0 [hbm:s6], $0xF7A  }
0x23: {  	s9 =	sor.u32 $0xD0000000, s2;
	s6 =	simm.s32 $0x108;
	_ =	swait.ge @!p0 [sflag:s8], $0x0  }
0x24: {  	s3 =	sadd.s32 $0x88, s3;
	s6 =	simm.s32 @!p1 $0x1082;
	[sflag:s4] =	ssyncset.s32 $0xFFFFF086  }
0x25: {  	[simem:s6], [sflag:s4] =	dma.local [hbm:s3], $0xF7A  }
0x26: {  	[smem:$0x3F5F] =	sst s1;
	(tag) =	ssettag s2;
	_ =	strace s9  }
0x27: {  	s1 =	sld [smem:$0x3F6F]  }
0x28: {  	s2 =	sld [smem:$0x3F70]  }
0x29: {  	s4 =	sld [smem:$0x3F72]  }
0x2a: {  	p0 =	seq.s32 s5, $0x0;
	s5 =	sld [smem:$0x3F73]  }
0x2b: {  	s6 =	sld [smem:$0x3F74]  }
0x2c: {  	s7 =	sld [smem:$0x3F75]  }
0x2d: {  	s3 =	simm.s32 $0x108;
	s8 =	sld [smem:$0x3F76]  }
0x2e: {  	s3 =	simm.s32 @!p0 $0x1082;
	s9 =	sld [smem:$0x3F77]  }
0x2f: {  	lr =	sadd.s32 s0, s3;
	s0 =	sld [smem:$0x3F6E]  }
0x30: {  	s3 =	sld [smem:$0x3F71]  }
0x31: {  	[smem:$0x3F7A] =	sst s10  }
0x32: {  	s10 =	sld [smem:$0x3F78];
	_ =	sdelay $0x3  }
0x33: {  	p0 =	seq.s32 s10, $0x1;
	s10 =	sld [smem:$0x3F7A];
	_ =	sdelay $0x3  }
0x34: {  	[smem:$0x3F7A] =	sst s10  }
0x35: {  	s10 =	sld [smem:$0x3F79];
	_ =	sdelay $0x3  }
0x36: {  	p1 =	seq.s32 s10, $0x1;
	s10 =	sld [smem:$0x3F7A];
	_ =	sdelay $0x3  }
0x37: {  	[smem:$0x3F7A] =	sst s10  }
0x38: {  	s10 =	sld [smem:$0x3F7B]  }
0x39: {  	_ = 	snop;
	(pc) =	sbr.ind lr, $3  }
0x3a: {  	_ = 	snop  }
0x3b: {  	_ = 	snop  }
0x3c: {  	p2 =	seq.s32 s10, $0x1;
	s10 =	sld [smem:$0x3F7A]  }
0x3d: {  	_ =	shalt  }
0x3e: {  	_ =	shalt  }
0x3f: {  	_ =	shalt  }
0x40: {  	_ =	shalt  }
0x41: {  	_ =	shalt  }
0x42: {  	_ =	shalt  }
0x43: {  	_ =	shalt  }
0x44: {  	_ =	shalt  }
0x45: {  	_ =	shalt  }
0x46: {  	_ =	shalt  }
0x47: {  	_ =	shalt  }
0x48: {  	_ =	shalt  }
0x49: {  	_ =	shalt  }
0x4a: {  	_ =	shalt  }
0x4b: {  	_ =	shalt  }
0x4c: {  	_ =	shalt  }
0x4d: {  	_ =	shalt  }
0x4e: {  	_ =	shalt  }
0x4f: {  	_ =	shalt  }
0x50: {  	_ =	shalt  }
0x51: {  	_ =	shalt  }
0x52: {  	_ =	shalt  }
0x53: {  	_ =	shalt  }
0x54: {  	_ =	shalt  }
0x55: {  	_ =	shalt  }
0x56: {  	_ =	shalt  }
0x57: {  	_ =	shalt  }
0x58: {  	_ =	shalt  }
0x59: {  	_ =	shalt  }
0x5a: {  	_ =	shalt  }
0x5b: {  	_ =	shalt  }
0x5c: {  	_ =	shalt  }
0x5d: {  	_ =	shalt  }
0x5e: {  	_ =	shalt  }
0x5f: {  	_ =	shalt  }
0x60: {  	_ =	shalt  }
0x61: {  	_ =	shalt  }
0x62: {  	_ =	shalt  }
0x63: {  	_ =	shalt  }
0x64: {  	_ =	shalt  }
0x65: {  	_ =	shalt  }
0x66: {  	_ =	shalt  }
0x67: {  	_ =	shalt  }
0x68: {  	_ =	shalt  }
0x69: {  	_ =	shalt  }
0x6a: {  	_ =	shalt  }
0x6b: {  	_ =	shalt  }
0x6c: {  	_ =	shalt  }
0x6d: {  	_ =	shalt  }
0x6e: {  	_ =	shalt  }
0x6f: {  	_ =	shalt  }
0x70: {  	_ =	shalt  }
0x71: {  	_ =	shalt  }
0x72: {  	_ =	shalt  }
0x73: {  	_ =	shalt  }
0x74: {  	_ =	shalt  }
0x75: {  	_ =	shalt  }
0x76: {  	_ =	shalt  }
0x77: {  	_ =	shalt  }
0x78: {  	_ =	shalt  }
0x79: {  	_ =	shalt  }
0x7a: {  	_ =	shalt  }
0x7b: {  	_ =	shalt  }
0x7c: {  	_ =	shalt  }
0x7d: {  	_ =	shalt  }
0x7e: {  	_ =	shalt  }
0x7f: {  	_ =	shalt  }
0x80: {  	_ =	shalt  }
0x81: {  	_ =	shalt  }
0x82: {  	_ =	shalt  }
0x83: {  	_ =	shalt  }
0x84: {  	_ =	shalt  }
0x85: {  	_ =	shalt  }
0x86: {  	_ =	shalt  }
0x87: {  	_ =	shalt  }
.Lfunc_end0:
.L_simem_size_0:
called_computation.7_lowered:
.L_overlay_start_0:
0x88: {  	s2 =	sld [smem:$0x3FD9]  }
0x89: {  	s3 =	sld [smem:$0x3FFE];
	_ =	sdelay $0x1  }
0x8a: {  	s1 =	srdreg.scid  }
0x8b: {  	s0 =	sand.u32 $0x1, s1  }
0x8c: {  	s14 =	sshll.u32 s0, $0xA;
	s2 =	sadd.s32 s3, s2  }
0x8d: {  	s2 =	sadd.s32 s2, s14  }
0x8e: {  	[smem:$0x3F86] =	sst s2  }
0x8f: {  	_ = 	snop  }
0x90: {  	s2 =	sld [smem:$0x3FD0];
	_ =	sdelay $0x2  }
0x91: {  	s15 =	simm.s32 $0xA;
	s4 =	simm.s32 $0x10  }
0x92: {  	[smem:s4], [sflag:s15] =	dma.local [hbm:s2], $0x1  }
0x93: {  	_ =	swait.eq [sflag:s15], $0x1  }
0x94: {  	[sflag:s15] =	ssyncset.done $0x0  }
0x95: {  	[sflag:s15] =	ssyncadd.s32 $0xFFFFFFFF  }
0x96: {  	s16 =	sld [smem:$0x11];
	(tm) =	ssettm $0x1  }
0x97: {  	s17 =	sld [smem:$0x3FFB];
	_ =	sdelay $0x3  }
0x98: {  	_ =	strace s17  }
0x99: {  	s3 =	sld [smem:$0x3FFC];
	_ =	sdelay $0x3  }
0x9a: {  	_ =	strace s3  }
0x9b: {  	s3 =	sld [smem:$0x3FFD];
	_ =	sdelay $0x3  }
0x9c: {  	_ =	strace s3  }
0x9d: {  	_ =	strace $0x8FFFFFFF  }
0x9e: {  	s18 =	sld [smem:$0x3FDB];
	_ =	sdelay $0x1  }
0x9f: {  	s19 =	simm.s32 $_scs_section_size  }
0xa0: {  	s5 =	simm.s32 $_size__tile_overlayer_lowered;
	s6 =	simm.s32 $_tile_overlayer_lowered  }
0xa1: {  	s22 =	simm.s32 $0x1BFF;
	s21 =	sshll.u32 s6, $0x1;
	s3 =	sadd.s32 s19, s18  }
0xa2: {  	s7 =	simm.s32 $0x0;
	s20 =	sshll.u32 s5, $0x1;
	s5 =	sadd.s32 s21, s3  }
0xa3: {  	[timem:s7], [sflag:s22] =	dma.local [hbm:s5], s20  }
0xa4: {  	_ =	swait.ge [sflag:s22], s20  }
0xa5: {  	s4 =	ssub.s32 $0x0, s20;
	[sflag:s22] =	ssyncset.done $0x0  }
0xa6: {  	[sflag:s22] =	ssyncadd.s32 s4;
	_ =	sdelay $0x1  }
0xa7: {  	s23 =	simm.s32 $0x1B8B  }
0xa8: {  	_ =	swait.ge [sflag:s23], $0x1  }
0xa9: {  	[sflag:s23] =	ssyncset.done $0x0  }
0xaa: {  	s25 =	simm.s32 $0x1B8E;
	s24 =	sld [smem:$0x3FFE];
	[sflag:s23] =	ssyncadd.s32 $0xFFFFFFFF  }
0xab: {  	s26 =	simm.s32 $execute0_lowered;
	[smem:$0x3FD2] =	sst s25  }
0xac: {  	s5 =	sshll.u32 s26, $0x1;
	_ =	strace $0x80000061;
	[dreg:$0x1] =	wrdreg $0xFFFFFFFF  }
0xad: {  	s28 =	simm.s32 $_size_execute0_lowered;
	s3 =	sadd.s32 s3, s5;
	[dreg:$0x0] =	wrdreg $0x0  }
0xae: {  	s5 =	sshll.u32 s28, $0x1;
	[dreg:$0x2] =	wrdreg s3  }
0xaf: {  	[dreg:$0x3] =	wrdreg s5  }
0xb0: {  	[dreg:$0x4] =	wrdreg $0xC0  }
0xb1: {  	_ =	task [dreg:s7], $0x5FFFF  }
0xb2: {  	[dreg:$0x1] =	wrdreg $0xFFFFFFFF  }
0xb3: {  	[dreg:$0x0] =	wrdreg $0x60  }
0xb4: {  	[dreg:$0x2] =	wrdreg s24  }
0xb5: {  	[dreg:$0x3] =	wrdreg s16  }
0xb6: {  	[dreg:$0x4] =	wrdreg $0x9  }
0xb7: {  	_ =	task.clear_ibuf [dreg:s7], $0x5FFFF;
	_ =	strace $0x90000061  }
0xb8: {  	s29 =	simm.s32 $0x9;
	_ =	strace $0x80000063  }
0xb9: {  	_ =	swait.ge [sflag:s29], $0x1  }
0xba: {  	[sflag:s29] =	ssyncadd.s32 $0xFFFFFFFF  }
0xbb: {  	_ =	strace $0x90000063  }
0xbc: {  	_ =	sfence  }
0xbd: {  	s30 =	sld [smem:$0x0];
	_ =	sdelay $0x2  }
0xbe: {  	s31 =	sshll.u32 s1, $0xD;
	s1 =	sshrl.u32 s1, $0x2  }
0xbf: {  	s3 =	sand.u32 $0x4000, s31;
	s1 =	sadd.s32 s1, s30  }
0xc0: {  	s0 =	sor.u32 s3, s0;
	s1 =	sshll.u32 s1, $0x11  }
0xc1: {  	s0 =	sor.u32 s1, s0  }
0xc2: {  	s0 =	sadd.s32 $0x8F2B, s0  }
0xc3: {  	[sflag:s0] =	ssyncadd.remote.s32 $0x1  }
0xc4: {  	_ =	sfence.sel $0xFFFF  }
0xc5: {  	[dreg:$0x0] =	wrdreg $0xFFFFFFFF;
	(pc) =	sbr.abs _section_cstart, $3  }
0xc6: {  	[dreg:$0x1] =	wrdreg $0xFFFFFFFF  }
0xc7: {  	_ =	task.clear_ibuf [dreg:s7], $0x2FFFF;
	_ =	strace $0x9FFFFFFF  }
0xc8: {  	(tm) =	ssettm $0x7FFFFFFF  }
0xc9: {  	_ =	shalt  }
tec
execute0_lowered:
.L_overlay_start_1:
0x0: {  	(tag) =	ssettag $0x1  }
0x1: {  	s8 =	rddreg [dreg:$0x0]  }
0x2: {  	s2 =	rddreg [dreg:$0x1]  }
0x3: {  	s1 =	stileid.u32;
	s3 =	srdreg.scid  }
0x4: {  	s0 =	rddreg [dreg:$0x2];
	_ =	strace $0x80000062;
	s5 =	simm.s32 $0x1  }
0x5: {  	s9 =	simm.s32 $0x1;
	s3 =	sand.u32 $0x1, s3;
	s4 =	sshll.u32 s1, $0x1  }
0x6: {  	s10 =	simm.s32 $0x3;
	s13 =	simm.s32 $0x0;
	s6 =	sor.u32 s4, s3  }
0x7: {  	s12 =	simm.s32 $0x0;
	[sflag:s5] =	ssyncpa.u1 $0x0;
	s4 =	smul.u32 $0x3100, s6  }
0x8: {  	s3 =	sadd.s32 $0x21CE00, s8;
	p0 =	slt.u32 s6, $0x5;
	s6 =	simm.s32 $0x62000  }
.Ltmp0:
0x9: {  	s6 =	simm.s32 @!p0 $0x0;
	s7 =	ssub.s32 $0x6E400, s4;
	(pc) =	sbr.rel .LBB2_1-.Ltmp0, $4  }
0xa: {  	s9 =	simm.s32 @!p0 $0x0;
	p0 =	sne.s32 s7, s6;
	s7 =	simm.s32 $0x1  }
0xb: {  	s8 =	sadd.s32 $0xA2AE00, s8;
	s6 =	simm.s32 $0x2;
	s7 =	simm.s32 @!p0 $0x0  }
0xc: {  	s11 =	smov.u32 s4;
	[sflag:s6] =	ssyncpa.u1 $0x0;
	s7 =	sadd.s32 s9, s7  }
0xd: {  	vm0 =	vmmov $0xffff;
	[sflag:s10] =	ssyncpa.u1 $0x0;
	s10 =	simm.s32 $0x0;
	s9 =	sadd.s32 $0x1, s7  }
.LBB2_4:
0xe: {  	v2 =	vnsel vm1, $0x0, v2  }
0xf: {  	vm1 =	vgt.s32 v0, $0x0;
	v2 =	vmin.u32 v2, $0x61A7F  }
0x10: {  	v0 =	vnsel vm1, $0x0, v0  }
0x11: {  	v0 =	vmin.u32 v0, $0x61A7F  }
0x12: {  	[tilespmem:s18], [sflag:$0x1] =	stream.indirect_vreg.gather [hbm4b:s3+s10], $0x1, v1, vm0, $0x4038;
	[tilespmem:$0xC400] =	vst v63  }
0x13: {  	(ifvalue) =	ssetifvalue $0x7FFFFFFF  }
0x14: {  	[tilespmem:s15], [sflag:$0x1] =	stream.indirect_vreg.gather [hbm4b:s3+s10], $0x1, v2, vm0, $0x4038;
	[tilespmem:$0xC400] =	vst v63  }
0x15: {  	s29 =	sadd.s32 $0x10, s15;
	(ifvalue) =	ssetifvalue $0x7FFFFFFF  }
0x16: {  	[tilespmem:s29], [sflag:$0x1] =	stream.indirect_vreg.gather [hbm4b:s3+s10], $0x1, v0, vm0, $0x4038;
	[tilespmem:$0xC400] =	vst v63  }
0x17: {  	_ =	swait.ge [sflag:s5], $0x3100  }
0x18: {  	s30 =	sshrl.u32 s13, $0x3;
	[sflag:s5] =	ssyncset.done $0x0  }
0x19: {  	s31 =	sand.u32 $0x7, s13;
	s15 =	sadd.s32 s2, s30;
	[sflag:s5] =	ssyncadd.s32 $0xFFFFCF00  }
0x1a: {  	[hbm4b:s15+s31] =	stream.linear.scatter [tilespmem:s14], [sflag:$0x3], $0x3100, $0x38;
	[tilespmem:$0xC400] =	vst v63  }
.LBB2_5:
0x1b: {  	s15 =	sadd.s32 $0x62000, s11  }
0x1c: {  	p1 =	sgt.s32 s15, $0x6E3FF  }
0x1d: {  	s15 =	smov.u32 @p1 s4;
	p1 =	sne.s32 s12, s9  }
.Ltmp1:
0x1e: {  	p0 =	slt.u32 s12, $0x2;
	(pc) =	sbr.rel @!p1 .LBB2_6-.Ltmp1, $4  }
0x1f: {  	s14 =	simm.s32 @!p0 $0x3  }
0x20: {  	_ =	swait.ge @!p0 [sflag:s14], $0x3100  }
0x21: {  	s16 =	sadd.s32 $0x1, s12;
	s13 =	smov.u32 s11;
	[sflag:s14] =	ssyncset.done @!p0 $0x0  }
0x22: {  	s12 =	smov.u32 s16;
	s11 =	smov.u32 s15;
	[sflag:s14] =	ssyncadd.s32 @!p0 $0xFFFFCF00  }
.LBB2_1:
0x23: {  	p0 =	sge.u32 s12, s7  }
0x24: {  	s14 =	sxor.u32 @!p0 $0x1, s12  }
0x25: {  	s14 =	smul.u32 @!p0 $0xC400, s14  }
0x26: {  	s31 =	sadd.s32 $0xFFFFFFFF, s12;
	s15 =	sshrl.u32 @!p0 s11, $0x3  }
0x27: {  	s16 =	sand.u32 @!p0 $0x7, s11;
	s15 =	sadd.s32 @!p0 s8, s15;
	s14 =	sshra.s32 @!p0 s14, $0x2  }
0x28: {  	[tilespmem:s14], [sflag:$0x2] =	stream.linear.gather @!p0 [hbm4b:s15+s16], $0x3100, $0x38;
	[tilespmem:$0xC400] =	vst v63  }
0x29: {  	p0 =	sge.u32 s31, s7  }
.Ltmp2:
0x2a: {  	_ = 	snop;
	(pc) =	sbr.rel @p0 .LBB2_5-.Ltmp2, $1  }
0x2b: {  	_ =	sdelay $0x3  }
0x2c: {  	s14 =	sand.u32 $0x1, s12  }
0x2d: {  	_ =	swait.ge [sflag:s6], $0x3100;
	p0 =	seq.s32 s14, $0x1;
	s14 =	simm.s32 $0x3100  }
0x2e: {  	[sflag:s6] =	ssyncset.done $0x0;
	s14 =	simm.s32 @!p0 $0x0  }
0x2f: {  	[sflag:s6] =	ssyncadd.s32 $0xFFFFCF00;
	(ifvalue) =	ssetifvalue $0x7FFFFFFF;
	v0 =	vld.msk [tilespmem:s14+$0x0 ss:$0x1], $0xffff;
	_ =	sdelay $0x4  }
0x30: {  	s15 =	sadd.s32 $0x10, s14;
	vm1 =	vgt.s32 v0, $0x0  }
0x31: {  	v2 =	vld.msk [tilespmem:s15+$0x0 ss:$0x1], $0xffff;
	v1 =	vnsel vm1, $0x0, v0  }
0x32: {  	v1 =	vmin.u32 v1, $0x61A7F;
	_ =	sdelay $0x2  }
0x33: {  	s17 =	simm.s32 $0x20;
	s14 =	sadd.s32 $0x6200, s14;
	s16 =	sadd.s32 $0x10, s15  }
0x34: {  	s15 =	sadd.s32 $0x10, s14;
	s18 =	smov.u32 s14;
	v0 =	vld.msk [tilespmem:s16+$0x0 ss:$0x1], $0xffff;
	vm1 =	vgt.s32 v2, $0x0;
	(ifvalue) =	ssetifvalue $0x7FFFFFFF  }
.LBB2_3:
0x35: {  	[tilespmem:s18], [sflag:$0x1] =	stream.indirect_vreg.gather [hbm4b:s3+s10], $0x1, v1, vm0, $0x4038;
	[tilespmem:$0xC400] =	vst v63  }
0x36: {  	s17 =	sadd.s32 $0x10, s17  }
0x37: {  	v2 =	vnsel vm1, $0x0, v2;
	p0 =	slt.u32 s17, $0x30F0  }
.Ltmp3:
0x38: {  	s18 =	smov.u32 s15;
	v1 =	vmin.u32 v2, $0x61A7F;
	(pc) =	sbr.rel @p0 .LBB2_3-.Ltmp3, $3  }
0x39: {  	_ =	sdelay $0x1  }
0x3a: {  	s16 =	sadd.s32 $0x10, s16  }
0x3b: {  	vm1 =	vgt.s32 v0, $0x0;
	s15 =	sadd.s32 $0x10, s15;
	v2 =	vmov v0;
	(ifvalue) =	ssetifvalue $0x7FFFFFFF;
	v0 =	vld.msk [tilespmem:s16+$0x0 ss:$0x1], $0xffff  }
.Ltmp4:
0x3c: {  	_ = 	snop;
	(pc) =	sbr.rel .LBB2_4-.Ltmp4, $1  }
0x3d: {  	_ =	sdelay $0x3  }
.LBB2_6:
0x3e: {  	_ =	sfence.sel $0x180000  }
0x3f: {  	s2 =	simm.s32 $0x2;
	[bflag:$0x0] =	sbarrier.arrive $0xFFFF  }
0x40: {  	s30 =	simm.s32 $0x3;
	[sflag:s2] =	ssyncpa.u1 $0x1  }
0x41: {  	s31 =	simm.s32 $0x1;
	[sflag:s30] =	ssyncpa.u1 $0x1  }
0x42: {  	[sflag:s31] =	ssyncpa.u1 $0x1  }
0x43: {  	p0 =	sne.s32 s1, $0x0;
	_ =	strace $0x90000062  }
0x44: {  	s0 =	sadd.s32 @!p0 $0x100000, s0;
	[bflag:$0x2] =	sbarrier.arrive $0xFFFF  }
0x45: {  	[sflag:s0] =	ssyncadd.tile.s32 @!p0 $0x1;
	_ =	shalt  }
.Lfunc_end2:
_tile_overlayer_lowered:
.L_overlay_start_2:
0x46: {  	(tag) =	ssettag $0x2  }
0x47: {  	s0 =	rddreg [dreg:$0x0];
	s2 =	stileid.u32  }
0x48: {  	s1 =	rddreg [dreg:$0x1];
	p0 =	sne.s32 s2, $0x0  }
0x49: {  	s3 =	rddreg [dreg:$0x2];
	[bflag:$0x3] =	sbarrier.arrive $0xFFFF;
	s2 =	simm.s32 @!p0 $0x1C01  }
0x4a: {  	[timem:s3], [sflag:s2] =	dma.local @!p0 [hbm:s0], s1  }
0x4b: {  	s0 =	simm.s32 @!p0 $0x1  }
0x4c: {  	_ =	swait.ge @!p0 [sflag:s0], s1  }
0x4d: {  	s1 =	ssub.s32 @!p0 $0x0, s1;
	[sflag:s0] =	ssyncset.done @!p0 $0x0  }
0x4e: {  	[sflag:s0] =	ssyncadd.s32 @!p0 s1  }
0x4f: {  	[bflag:$0x3] =	sbarrier.arrive $0xFFFF  }
0x50: {  	_ =	shalt  }

// kernel: gather_offload_async_start.8
scs
__scs_entry_jumppad:
0x0: {  	(pc) =	sbr.rel $0x88, $3  }
0x1: {  	(tag) =	ssettag $0x0;
	lr =	simm.s32 $0x1  }
0x2: {  	[smem:$0x3F5F] =	sst lr;
	_ =	strace $0xD0000000  }
0x3: {  	_ = 	snop  }
0x4: {  	_ = 	snop  }
0x5: {  	_ = 	snop  }
0x6: {  	_ = 	snop  }
0x7: {  	_ = 	snop  }
__scs_overlays_trampoline_lowered:
0x8: {  	[smem:$0x3F6E] =	sst s0  }
0x9: {  	[smem:$0x3F6F] =	sst s1  }
0xa: {  	[smem:$0x3F70] =	sst s2  }
0xb: {  	[smem:$0x3F71] =	sst s3  }
0xc: {  	[smem:$0x3F72] =	sst s4  }
0xd: {  	[smem:$0x3F73] =	sst s5  }
0xe: {  	[smem:$0x3F74] =	sst s6  }
0xf: {  	[smem:$0x3F75] =	sst s7  }
0x10: {  	[smem:$0x3F76] =	sst s8  }
0x11: {  	[smem:$0x3F77] =	sst s9;
	s0 =	simm.s32 @!p0 $0x0  }
0x12: {  	s1 =	sld [smem:$0x3F5D];
	s0 =	simm.s32 @p0 $0x1  }
0x13: {  	[smem:$0x3F78] =	sst s0;
	s0 =	simm.s32 @!p1 $0x0  }
0x14: {  	s2 =	sld [smem:$0x3F5C];
	s0 =	simm.s32 @p1 $0x1  }
0x15: {  	[smem:$0x3F79] =	sst s0;
	s0 =	simm.s32 @!p2 $0x0  }
0x16: {  	s3 =	sld [smem:$0x3FDB];
	s0 =	simm.s32 @p2 $0x1  }
0x17: {  	s4 =	simm.s32 $0x1BF5;
	[smem:$0x3F7B] =	sst s0  }
0x18: {  	s0 =	sld [smem:$0x3F5E];
	_ =	swait.ge [sflag:s4], $0x0  }
0x19: {  	s7 =	sld [smem:$0x3F5F]  }
0x1a: {  	s8 =	sadd.s32 $0xFFFFE003, lr  }
0x1b: {  	s9 =	sadd.s32 $0xFFFFFEF7, lr;
	s5 =	simm.s32 $0xFFFFFFFF;
	p2 =	slt.u32 s8, $0xFFFFF086  }
0x1c: {  	p1 =	slt.u32 s9, $0xF7A;
	s5 =	simm.s32 @!p2 $0x0  }
0x1d: {  	s5 =	simm.s32 @p1 $0x1;
	p0 =	seq.s32 s7, s2  }
0x1e: {  	s7 =	smul.u32 @!p0 $0xF7A, s2;
	p2 =	seq.s32 @!p0 s5, $0x0  }
0x1f: {  	s9 =	smul.u32 $0xF7A, s1;
	s8 =	simm.s32 @!p0 $0x1BF5;
	p2 =	por !p2, p0  }
0x20: {  	[sflag:s8] =	ssyncset.s32 @!p0 $0xFFFFF086;
	s6 =	sadd.s32 @!p0 s3, s7;
	s7 =	simm.s32 @!p0 $0x108  }
0x21: {  	s3 =	sadd.s32 s3, s9;
	s6 =	sadd.s32 @!p0 $0x88, s6;
	s7 =	simm.s32 @p2 $0x1082  }
0x22: {  	[simem:s7], [sflag:s8] =	dma.local @!p0 [hbm:s6], $0xF7A  }
0x23: {  	s9 =	sor.u32 $0xD0000000, s2;
	s6 =	simm.s32 $0x108;
	_ =	swait.ge @!p0 [sflag:s8], $0x0  }
0x24: {  	s3 =	sadd.s32 $0x88, s3;
	s6 =	simm.s32 @!p1 $0x1082;
	[sflag:s4] =	ssyncset.s32 $0xFFFFF086  }
0x25: {  	[simem:s6], [sflag:s4] =	dma.local [hbm:s3], $0xF7A  }
0x26: {  	[smem:$0x3F5F] =	sst s1;
	(tag) =	ssettag s2;
	_ =	strace s9  }
0x27: {  	s1 =	sld [smem:$0x3F6F]  }
0x28: {  	s2 =	sld [smem:$0x3F70]  }
0x29: {  	s4 =	sld [smem:$0x3F72]  }
0x2a: {  	p0 =	seq.s32 s5, $0x0;
	s5 =	sld [smem:$0x3F73]  }
0x2b: {  	s6 =	sld [smem:$0x3F74]  }
0x2c: {  	s7 =	sld [smem:$0x3F75]  }
0x2d: {  	s3 =	simm.s32 $0x108;
	s8 =	sld [smem:$0x3F76]  }
0x2e: {  	s3 =	simm.s32 @!p0 $0x1082;
	s9 =	sld [smem:$0x3F77]  }
0x2f: {  	lr =	sadd.s32 s0, s3;
	s0 =	sld [smem:$0x3F6E]  }
0x30: {  	s3 =	sld [smem:$0x3F71]  }
0x31: {  	[smem:$0x3F7A] =	sst s10  }
0x32: {  	s10 =	sld [smem:$0x3F78];
	_ =	sdelay $0x3  }
0x33: {  	p0 =	seq.s32 s10, $0x1;
	s10 =	sld [smem:$0x3F7A];
	_ =	sdelay $0x3  }
0x34: {  	[smem:$0x3F7A] =	sst s10  }
0x35: {  	s10 =	sld [smem:$0x3F79];
	_ =	sdelay $0x3  }
0x36: {  	p1 =	seq.s32 s10, $0x1;
	s10 =	sld [smem:$0x3F7A];
	_ =	sdelay $0x3  }
0x37: {  	[smem:$0x3F7A] =	sst s10  }
0x38: {  	s10 =	sld [smem:$0x3F7B]  }
0x39: {  	_ = 	snop;
	(pc) =	sbr.ind lr, $3  }
0x3a: {  	_ = 	snop  }
0x3b: {  	_ = 	snop  }
0x3c: {  	p2 =	seq.s32 s10, $0x1;
	s10 =	sld [smem:$0x3F7A]  }
0x3d: {  	_ =	shalt  }
0x3e: {  	_ =	shalt  }
0x3f: {  	_ =	shalt  }
0x40: {  	_ =	shalt  }
0x41: {  	_ =	shalt  }
0x42: {  	_ =	shalt  }
0x43: {  	_ =	shalt  }
0x44: {  	_ =	shalt  }
0x45: {  	_ =	shalt  }
0x46: {  	_ =	shalt  }
0x47: {  	_ =	shalt  }
0x48: {  	_ =	shalt  }
0x49: {  	_ =	shalt  }
0x4a: {  	_ =	shalt  }
0x4b: {  	_ =	shalt  }
0x4c: {  	_ =	shalt  }
0x4d: {  	_ =	shalt  }
0x4e: {  	_ =	shalt  }
0x4f: {  	_ =	shalt  }
0x50: {  	_ =	shalt  }
0x51: {  	_ =	shalt  }
0x52: {  	_ =	shalt  }
0x53: {  	_ =	shalt  }
0x54: {  	_ =	shalt  }
0x55: {  	_ =	shalt  }
0x56: {  	_ =	shalt  }
0x57: {  	_ =	shalt  }
0x58: {  	_ =	shalt  }
0x59: {  	_ =	shalt  }
0x5a: {  	_ =	shalt  }
0x5b: {  	_ =	shalt  }
0x5c: {  	_ =	shalt  }
0x5d: {  	_ =	shalt  }
0x5e: {  	_ =	shalt  }
0x5f: {  	_ =	shalt  }
0x60: {  	_ =	shalt  }
0x61: {  	_ =	shalt  }
0x62: {  	_ =	shalt  }
0x63: {  	_ =	shalt  }
0x64: {  	_ =	shalt  }
0x65: {  	_ =	shalt  }
0x66: {  	_ =	shalt  }
0x67: {  	_ =	shalt  }
0x68: {  	_ =	shalt  }
0x69: {  	_ =	shalt  }
0x6a: {  	_ =	shalt  }
0x6b: {  	_ =	shalt  }
0x6c: {  	_ =	shalt  }
0x6d: {  	_ =	shalt  }
0x6e: {  	_ =	shalt  }
0x6f: {  	_ =	shalt  }
0x70: {  	_ =	shalt  }
0x71: {  	_ =	shalt  }
0x72: {  	_ =	shalt  }
0x73: {  	_ =	shalt  }
0x74: {  	_ =	shalt  }
0x75: {  	_ =	shalt  }
0x76: {  	_ =	shalt  }
0x77: {  	_ =	shalt  }
0x78: {  	_ =	shalt  }
0x79: {  	_ =	shalt  }
0x7a: {  	_ =	shalt  }
0x7b: {  	_ =	shalt  }
0x7c: {  	_ =	shalt  }
0x7d: {  	_ =	shalt  }
0x7e: {  	_ =	shalt  }
0x7f: {  	_ =	shalt  }
0x80: {  	_ =	shalt  }
0x81: {  	_ =	shalt  }
0x82: {  	_ =	shalt  }
0x83: {  	_ =	shalt  }
0x84: {  	_ =	shalt  }
0x85: {  	_ =	shalt  }
0x86: {  	_ =	shalt  }
0x87: {  	_ =	shalt  }
.Lfunc_end0:
.L_simem_size_0:
called_computation.8_lowered:
.L_overlay_start_0:
0x88: {  	s2 =	sld [smem:$0x3FD9]  }
0x89: {  	s3 =	sld [smem:$0x3FFE];
	_ =	sdelay $0x1  }
0x8a: {  	s1 =	srdreg.scid  }
0x8b: {  	s0 =	sand.u32 $0x1, s1  }
0x8c: {  	s16 =	sshll.u32 s0, $0xA;
	s2 =	sadd.s32 s3, s2  }
0x8d: {  	s2 =	sadd.s32 s2, s16  }
0x8e: {  	[smem:$0x3F86] =	sst s2  }
0x8f: {  	_ = 	snop  }
0x90: {  	(tm) =	ssettm $0x1  }
0x91: {  	s17 =	sld [smem:$0x3FFB];
	_ =	sdelay $0x3  }
0x92: {  	_ =	strace s17  }
0x93: {  	s2 =	sld [smem:$0x3FFC];
	_ =	sdelay $0x3  }
0x94: {  	_ =	strace s2  }
0x95: {  	s2 =	sld [smem:$0x3FFD];
	_ =	sdelay $0x3  }
0x96: {  	_ =	strace s2  }
0x97: {  	_ =	strace $0x8FFFFFFF  }
0x98: {  	s18 =	sld [smem:$0x3FDB];
	_ =	sdelay $0x1  }
0x99: {  	s19 =	simm.s32 $_scs_section_size  }
0x9a: {  	s4 =	simm.s32 $_size__tile_overlayer_lowered;
	s5 =	simm.s32 $_tile_overlayer_lowered  }
0x9b: {  	s22 =	simm.s32 $0x1BFF;
	s21 =	sshll.u32 s5, $0x1;
	s2 =	sadd.s32 s19, s18  }
0x9c: {  	s6 =	simm.s32 $0x0;
	s20 =	sshll.u32 s4, $0x1;
	s4 =	sadd.s32 s21, s2  }
0x9d: {  	[timem:s6], [sflag:s22] =	dma.local [hbm:s4], s20  }
0x9e: {  	_ =	swait.ge [sflag:s22], s20  }
0x9f: {  	s3 =	ssub.s32 $0x0, s20;
	[sflag:s22] =	ssyncset.done $0x0  }
0xa0: {  	[sflag:s22] =	ssyncadd.s32 s3;
	_ =	sdelay $0x1  }
0xa1: {  	s23 =	simm.s32 $0x1B8B  }
0xa2: {  	_ =	swait.ge [sflag:s23], $0x1  }
0xa3: {  	[sflag:s23] =	ssyncset.done $0x0  }
0xa4: {  	s25 =	simm.s32 $0x1B8E;
	s24 =	sld [smem:$0x3FFE];
	[sflag:s23] =	ssyncadd.s32 $0xFFFFFFFF  }
0xa5: {  	s26 =	simm.s32 $execute0_lowered;
	[smem:$0x3FD2] =	sst s25  }
0xa6: {  	s4 =	sshll.u32 s26, $0x1;
	_ =	strace $0x80000067;
	[dreg:$0x1] =	wrdreg $0xFFFFFFFF  }
0xa7: {  	s28 =	simm.s32 $_size_execute0_lowered;
	s2 =	sadd.s32 s2, s4;
	[dreg:$0x0] =	wrdreg $0x0  }
0xa8: {  	s4 =	sshll.u32 s28, $0x1;
	[dreg:$0x2] =	wrdreg s2  }
0xa9: {  	[dreg:$0x3] =	wrdreg s4  }
0xaa: {  	[dreg:$0x4] =	wrdreg $0xC0  }
0xab: {  	_ =	task [dreg:s6], $0x5FFFF  }
0xac: {  	[dreg:$0x1] =	wrdreg $0xFFFFFFFF  }
0xad: {  	[dreg:$0x0] =	wrdreg $0x60  }
0xae: {  	[dreg:$0x2] =	wrdreg s24  }
0xaf: {  	[dreg:$0x3] =	wrdreg $0x9  }
0xb0: {  	_ =	task.clear_ibuf [dreg:s6], $0x4FFFF;
	_ =	strace $0x90000067  }
0xb1: {  	s29 =	simm.s32 $0x9;
	_ =	strace $0x80000069  }
0xb2: {  	_ =	swait.ge [sflag:s29], $0x1  }
0xb3: {  	[sflag:s29] =	ssyncadd.s32 $0xFFFFFFFF  }
0xb4: {  	_ =	strace $0x90000069  }
0xb5: {  	_ =	sfence  }
0xb6: {  	s30 =	sld [smem:$0x0];
	_ =	sdelay $0x2  }
0xb7: {  	s31 =	sshll.u32 s1, $0xD;
	s1 =	sshrl.u32 s1, $0x2  }
0xb8: {  	s3 =	sand.u32 $0x4000, s31;
	s1 =	sadd.s32 s1, s30  }
0xb9: {  	s0 =	sor.u32 s3, s0;
	s1 =	sshll.u32 s1, $0x11  }
0xba: {  	s0 =	sor.u32 s1, s0  }
0xbb: {  	s0 =	sadd.s32 $0x8F2B, s0  }
0xbc: {  	[sflag:s0] =	ssyncadd.remote.s32 $0x1  }
0xbd: {  	_ =	sfence.sel $0xFFFF  }
0xbe: {  	[dreg:$0x0] =	wrdreg $0xFFFFFFFF;
	(pc) =	sbr.abs _section_cstart, $3  }
0xbf: {  	[dreg:$0x1] =	wrdreg $0xFFFFFFFF  }
0xc0: {  	_ =	task.clear_ibuf [dreg:s6], $0x2FFFF;
	_ =	strace $0x9FFFFFFF  }
0xc1: {  	(tm) =	ssettm $0x7FFFFFFF  }
tec
execute0_lowered:
.L_overlay_start_1:
0x0: {  	(tag) =	ssettag $0x1  }
0x1: {  	s8 =	rddreg [dreg:$0x0];
	s1 =	stileid.u32  }
0x2: {  	s2 =	srdreg.scid;
	s0 =	rddreg [dreg:$0x1]  }
0x3: {  	_ =	strace $0x80000068;
	s5 =	simm.s32 $0x1;
	s9 =	simm.s32 $0x1  }
0x4: {  	s10 =	simm.s32 $0x3;
	s3 =	sand.u32 $0x1, s2;
	s4 =	sshll.u32 s1, $0x1  }
0x5: {  	s13 =	simm.s32 $0x0;
	s12 =	simm.s32 $0x0;
	s6 =	sor.u32 s4, s3  }
0x6: {  	s2 =	sadd.s32 $0x229200, s8;
	[sflag:s5] =	ssyncpa.u1 $0x0;
	s4 =	smul.u32 $0x3100, s6  }
0x7: {  	s3 =	sadd.s32 $0xA2AE00, s8;
	p0 =	slt.u32 s6, $0x5;
	s6 =	simm.s32 $0x62000  }
.Ltmp0:
0x8: {  	s6 =	simm.s32 @!p0 $0x0;
	s7 =	ssub.s32 $0x6E400, s4;
	(pc) =	sbr.rel .LBB2_1-.Ltmp0, $4  }
0x9: {  	s9 =	simm.s32 @!p0 $0x0;
	p0 =	sne.s32 s7, s6;
	s7 =	simm.s32 $0x1  }
0xa: {  	s8 =	sadd.s32 $0xA1D000, s8;
	s6 =	simm.s32 $0x2;
	s7 =	simm.s32 @!p0 $0x0  }
0xb: {  	s11 =	smov.u32 s4;
	[sflag:s6] =	ssyncpa.u1 $0x0;
	s7 =	sadd.s32 s9, s7  }
0xc: {  	vm0 =	vmmov $0xffff;
	[sflag:s10] =	ssyncpa.u1 $0x0;
	s10 =	simm.s32 $0x0;
	s9 =	sadd.s32 $0x1, s7  }
.LBB2_4:
0xd: {  	v2 =	vnsel vm1, $0x0, v2  }
0xe: {  	vm1 =	vgt.s32 v0, $0x0;
	v2 =	vmin.u32 v2, $0x61A7F  }
0xf: {  	v0 =	vnsel vm1, $0x0, v0  }
0x10: {  	v0 =	vmin.u32 v0, $0x61A7F  }
0x11: {  	[tilespmem:s18], [sflag:$0x1] =	stream.indirect_vreg.gather [hbm4b:s2+s10], $0x1, v1, vm0, $0x4038;
	[tilespmem:$0xC400] =	vst v63  }
0x12: {  	(ifvalue) =	ssetifvalue $0x7FFFFFFF  }
0x13: {  	[tilespmem:s15], [sflag:$0x1] =	stream.indirect_vreg.gather [hbm4b:s2+s10], $0x1, v2, vm0, $0x4038;
	[tilespmem:$0xC400] =	vst v63  }
0x14: {  	s29 =	sadd.s32 $0x10, s15;
	(ifvalue) =	ssetifvalue $0x7FFFFFFF  }
0x15: {  	[tilespmem:s29], [sflag:$0x1] =	stream.indirect_vreg.gather [hbm4b:s2+s10], $0x1, v0, vm0, $0x4038;
	[tilespmem:$0xC400] =	vst v63  }
0x16: {  	_ =	swait.ge [sflag:s5], $0x3100  }
0x17: {  	s30 =	sshrl.u32 s13, $0x3;
	[sflag:s5] =	ssyncset.done $0x0  }
0x18: {  	s31 =	sand.u32 $0x7, s13;
	s15 =	sadd.s32 s8, s30;
	[sflag:s5] =	ssyncadd.s32 $0xFFFFCF00  }
0x19: {  	[hbm4b:s15+s31] =	stream.linear.scatter [tilespmem:s14], [sflag:$0x3], $0x3100, $0x38;
	[tilespmem:$0xC400] =	vst v63  }
.LBB2_5:
0x1a: {  	s15 =	sadd.s32 $0x62000, s11  }
0x1b: {  	p1 =	sgt.s32 s15, $0x6E3FF  }
0x1c: {  	s15 =	smov.u32 @p1 s4;
	p1 =	sne.s32 s12, s9  }
.Ltmp1:
0x1d: {  	p0 =	slt.u32 s12, $0x2;
	(pc) =	sbr.rel @!p1 .LBB2_6-.Ltmp1, $4  }
0x1e: {  	s14 =	simm.s32 @!p0 $0x3  }
0x1f: {  	_ =	swait.ge @!p0 [sflag:s14], $0x3100  }
0x20: {  	s16 =	sadd.s32 $0x1, s12;
	s13 =	smov.u32 s11;
	[sflag:s14] =	ssyncset.done @!p0 $0x0  }
0x21: {  	s12 =	smov.u32 s16;
	s11 =	smov.u32 s15;
	[sflag:s14] =	ssyncadd.s32 @!p0 $0xFFFFCF00  }
.LBB2_1:
0x22: {  	p0 =	sge.u32 s12, s7  }
0x23: {  	s14 =	sxor.u32 @!p0 $0x1, s12  }
0x24: {  	s14 =	smul.u32 @!p0 $0xC400, s14  }
0x25: {  	s31 =	sadd.s32 $0xFFFFFFFF, s12;
	s15 =	sshrl.u32 @!p0 s11, $0x3  }
0x26: {  	s16 =	sand.u32 @!p0 $0x7, s11;
	s15 =	sadd.s32 @!p0 s3, s15;
	s14 =	sshra.s32 @!p0 s14, $0x2  }
0x27: {  	[tilespmem:s14], [sflag:$0x2] =	stream.linear.gather @!p0 [hbm4b:s15+s16], $0x3100, $0x38;
	[tilespmem:$0xC400] =	vst v63  }
0x28: {  	p0 =	sge.u32 s31, s7  }
.Ltmp2:
0x29: {  	_ = 	snop;
	(pc) =	sbr.rel @p0 .LBB2_5-.Ltmp2, $1  }
0x2a: {  	_ =	sdelay $0x3  }
0x2b: {  	s14 =	sand.u32 $0x1, s12  }
0x2c: {  	_ =	swait.ge [sflag:s6], $0x3100;
	p0 =	seq.s32 s14, $0x1;
	s14 =	simm.s32 $0x3100  }
0x2d: {  	[sflag:s6] =	ssyncset.done $0x0;
	s14 =	simm.s32 @!p0 $0x0  }
0x2e: {  	[sflag:s6] =	ssyncadd.s32 $0xFFFFCF00;
	(ifvalue) =	ssetifvalue $0x7FFFFFFF;
	v0 =	vld.msk [tilespmem:s14+$0x0 ss:$0x1], $0xffff;
	_ =	sdelay $0x4  }
0x2f: {  	s15 =	sadd.s32 $0x10, s14;
	vm1 =	vgt.s32 v0, $0x0  }
0x30: {  	v2 =	vld.msk [tilespmem:s15+$0x0 ss:$0x1], $0xffff;
	v1 =	vnsel vm1, $0x0, v0  }
0x31: {  	v1 =	vmin.u32 v1, $0x61A7F;
	_ =	sdelay $0x2  }
0x32: {  	s17 =	simm.s32 $0x20;
	s14 =	sadd.s32 $0x6200, s14;
	s16 =	sadd.s32 $0x10, s15  }
0x33: {  	s15 =	sadd.s32 $0x10, s14;
	s18 =	smov.u32 s14;
	v0 =	vld.msk [tilespmem:s16+$0x0 ss:$0x1], $0xffff;
	vm1 =	vgt.s32 v2, $0x0;
	(ifvalue) =	ssetifvalue $0x7FFFFFFF  }
.LBB2_3:
0x34: {  	[tilespmem:s18], [sflag:$0x1] =	stream.indirect_vreg.gather [hbm4b:s2+s10], $0x1, v1, vm0, $0x4038;
	[tilespmem:$0xC400] =	vst v63  }
0x35: {  	s17 =	sadd.s32 $0x10, s17  }
0x36: {  	v2 =	vnsel vm1, $0x0, v2;
	p0 =	slt.u32 s17, $0x30F0  }
.Ltmp3:
0x37: {  	s18 =	smov.u32 s15;
	v1 =	vmin.u32 v2, $0x61A7F;
	(pc) =	sbr.rel @p0 .LBB2_3-.Ltmp3, $3  }
0x38: {  	_ =	sdelay $0x1  }
0x39: {  	s16 =	sadd.s32 $0x10, s16  }
0x3a: {  	vm1 =	vgt.s32 v0, $0x0;
	s15 =	sadd.s32 $0x10, s15;
	v2 =	vmov v0;
	(ifvalue) =	ssetifvalue $0x7FFFFFFF;
	v0 =	vld.msk [tilespmem:s16+$0x0 ss:$0x1], $0xffff  }
.Ltmp4:
0x3b: {  	_ = 	snop;
	(pc) =	sbr.rel .LBB2_4-.Ltmp4, $1  }
0x3c: {  	_ =	sdelay $0x3  }
.LBB2_6:
0x3d: {  	_ =	sfence.sel $0x180000  }
0x3e: {  	s2 =	simm.s32 $0x2;
	[bflag:$0x0] =	sbarrier.arrive $0xFFFF  }
0x3f: {  	s30 =	simm.s32 $0x3;
	[sflag:s2] =	ssyncpa.u1 $0x1  }
0x40: {  	s31 =	simm.s32 $0x1;
	[sflag:s30] =	ssyncpa.u1 $0x1  }
0x41: {  	[sflag:s31] =	ssyncpa.u1 $0x1  }
0x42: {  	p0 =	sne.s32 s1, $0x0;
	_ =	strace $0x90000068  }
0x43: {  	s0 =	sadd.s32 @!p0 $0x100000, s0;
	[bflag:$0x2] =	sbarrier.arrive $0xFFFF  }
0x44: {  	[sflag:s0] =	ssyncadd.tile.s32 @!p0 $0x1;
	_ =	shalt  }
.Lfunc_end2:
_tile_overlayer_lowered:
.L_overlay_start_2:
0x45: {  	(tag) =	ssettag $0x2  }
0x46: {  	s0 =	rddreg [dreg:$0x0];
	s2 =	stileid.u32  }
0x47: {  	s1 =	rddreg [dreg:$0x1];
	p0 =	sne.s32 s2, $0x0  }
0x48: {  	s3 =	rddreg [dreg:$0x2];
	[bflag:$0x3] =	sbarrier.arrive $0xFFFF;
	s2 =	simm.s32 @!p0 $0x1C01  }
0x49: {  	[timem:s3], [sflag:s2] =	dma.local @!p0 [hbm:s0], s1  }
0x4a: {  	s0 =	simm.s32 @!p0 $0x1  }
0x4b: {  	_ =	swait.ge @!p0 [sflag:s0], s1  }
0x4c: {  	s1 =	ssub.s32 @!p0 $0x0, s1;
	[sflag:s0] =	ssyncset.done @!p0 $0x0  }
0x4d: {  	[sflag:s0] =	ssyncadd.s32 @!p0 s1  }
0x4e: {  	[bflag:$0x3] =	sbarrier.arrive $0xFFFF  }
0x4f: {  	_ =	shalt  }

// kernel: gather_offload_async_start.9
scs
__scs_entry_jumppad:
0x0: {  	(pc) =	sbr.rel $0x88, $3  }
0x1: {  	(tag) =	ssettag $0x0;
	lr =	simm.s32 $0x1  }
0x2: {  	[smem:$0x3F5F] =	sst lr;
	_ =	strace $0xD0000000  }
0x3: {  	_ = 	snop  }
0x4: {  	_ = 	snop  }
0x5: {  	_ = 	snop  }
0x6: {  	_ = 	snop  }
0x7: {  	_ = 	snop  }
__scs_overlays_trampoline_lowered:
0x8: {  	[smem:$0x3F6E] =	sst s0  }
0x9: {  	[smem:$0x3F6F] =	sst s1  }
0xa: {  	[smem:$0x3F70] =	sst s2  }
0xb: {  	[smem:$0x3F71] =	sst s3  }
0xc: {  	[smem:$0x3F72] =	sst s4  }
0xd: {  	[smem:$0x3F73] =	sst s5  }
0xe: {  	[smem:$0x3F74] =	sst s6  }
0xf: {  	[smem:$0x3F75] =	sst s7  }
0x10: {  	[smem:$0x3F76] =	sst s8  }
0x11: {  	[smem:$0x3F77] =	sst s9;
	s0 =	simm.s32 @!p0 $0x0  }
0x12: {  	s1 =	sld [smem:$0x3F5D];
	s0 =	simm.s32 @p0 $0x1  }
0x13: {  	[smem:$0x3F78] =	sst s0;
	s0 =	simm.s32 @!p1 $0x0  }
0x14: {  	s2 =	sld [smem:$0x3F5C];
	s0 =	simm.s32 @p1 $0x1  }
0x15: {  	[smem:$0x3F79] =	sst s0;
	s0 =	simm.s32 @!p2 $0x0  }
0x16: {  	s3 =	sld [smem:$0x3FDB];
	s0 =	simm.s32 @p2 $0x1  }
0x17: {  	s4 =	simm.s32 $0x1BF5;
	[smem:$0x3F7B] =	sst s0  }
0x18: {  	s0 =	sld [smem:$0x3F5E];
	_ =	swait.ge [sflag:s4], $0x0  }
0x19: {  	s7 =	sld [smem:$0x3F5F]  }
0x1a: {  	s8 =	sadd.s32 $0xFFFFE003, lr  }
0x1b: {  	s9 =	sadd.s32 $0xFFFFFEF7, lr;
	s5 =	simm.s32 $0xFFFFFFFF;
	p2 =	slt.u32 s8, $0xFFFFF086  }
0x1c: {  	p1 =	slt.u32 s9, $0xF7A;
	s5 =	simm.s32 @!p2 $0x0  }
0x1d: {  	s5 =	simm.s32 @p1 $0x1;
	p0 =	seq.s32 s7, s2  }
0x1e: {  	s7 =	smul.u32 @!p0 $0xF7A, s2;
	p2 =	seq.s32 @!p0 s5, $0x0  }
0x1f: {  	s9 =	smul.u32 $0xF7A, s1;
	s8 =	simm.s32 @!p0 $0x1BF5;
	p2 =	por !p2, p0  }
0x20: {  	[sflag:s8] =	ssyncset.s32 @!p0 $0xFFFFF086;
	s6 =	sadd.s32 @!p0 s3, s7;
	s7 =	simm.s32 @!p0 $0x108  }
0x21: {  	s3 =	sadd.s32 s3, s9;
	s6 =	sadd.s32 @!p0 $0x88, s6;
	s7 =	simm.s32 @p2 $0x1082  }
0x22: {  	[simem:s7], [sflag:s8] =	dma.local @!p0 [hbm:s6], $0xF7A  }
0x23: {  	s9 =	sor.u32 $0xD0000000, s2;
	s6 =	simm.s32 $0x108;
	_ =	swait.ge @!p0 [sflag:s8], $0x0  }
0x24: {  	s3 =	sadd.s32 $0x88, s3;
	s6 =	simm.s32 @!p1 $0x1082;
	[sflag:s4] =	ssyncset.s32 $0xFFFFF086  }
0x25: {  	[simem:s6], [sflag:s4] =	dma.local [hbm:s3], $0xF7A  }
0x26: {  	[smem:$0x3F5F] =	sst s1;
	(tag) =	ssettag s2;
	_ =	strace s9  }
0x27: {  	s1 =	sld [smem:$0x3F6F]  }
0x28: {  	s2 =	sld [smem:$0x3F70]  }
0x29: {  	s4 =	sld [smem:$0x3F72]  }
0x2a: {  	p0 =	seq.s32 s5, $0x0;
	s5 =	sld [smem:$0x3F73]  }
0x2b: {  	s6 =	sld [smem:$0x3F74]  }
0x2c: {  	s7 =	sld [smem:$0x3F75]  }
0x2d: {  	s3 =	simm.s32 $0x108;
	s8 =	sld [smem:$0x3F76]  }
0x2e: {  	s3 =	simm.s32 @!p0 $0x1082;
	s9 =	sld [smem:$0x3F77]  }
0x2f: {  	lr =	sadd.s32 s0, s3;
	s0 =	sld [smem:$0x3F6E]  }
0x30: {  	s3 =	sld [smem:$0x3F71]  }
0x31: {  	[smem:$0x3F7A] =	sst s10  }
0x32: {  	s10 =	sld [smem:$0x3F78];
	_ =	sdelay $0x3  }
0x33: {  	p0 =	seq.s32 s10, $0x1;
	s10 =	sld [smem:$0x3F7A];
	_ =	sdelay $0x3  }
0x34: {  	[smem:$0x3F7A] =	sst s10  }
0x35: {  	s10 =	sld [smem:$0x3F79];
	_ =	sdelay $0x3  }
0x36: {  	p1 =	seq.s32 s10, $0x1;
	s10 =	sld [smem:$0x3F7A];
	_ =	sdelay $0x3  }
0x37: {  	[smem:$0x3F7A] =	sst s10  }
0x38: {  	s10 =	sld [smem:$0x3F7B]  }
0x39: {  	_ = 	snop;
	(pc) =	sbr.ind lr, $3  }
0x3a: {  	_ = 	snop  }
0x3b: {  	_ = 	snop  }
0x3c: {  	p2 =	seq.s32 s10, $0x1;
	s10 =	sld [smem:$0x3F7A]  }
0x3d: {  	_ =	shalt  }
0x3e: {  	_ =	shalt  }
0x3f: {  	_ =	shalt  }
0x40: {  	_ =	shalt  }
0x41: {  	_ =	shalt  }
0x42: {  	_ =	shalt  }
0x43: {  	_ =	shalt  }
0x44: {  	_ =	shalt  }
0x45: {  	_ =	shalt  }
0x46: {  	_ =	shalt  }
0x47: {  	_ =	shalt  }
0x48: {  	_ =	shalt  }
0x49: {  	_ =	shalt  }
0x4a: {  	_ =	shalt  }
0x4b: {  	_ =	shalt  }
0x4c: {  	_ =	shalt  }
0x4d: {  	_ =	shalt  }
0x4e: {  	_ =	shalt  }
0x4f: {  	_ =	shalt  }
0x50: {  	_ =	shalt  }
0x51: {  	_ =	shalt  }
0x52: {  	_ =	shalt  }
0x53: {  	_ =	shalt  }
0x54: {  	_ =	shalt  }
0x55: {  	_ =	shalt  }
0x56: {  	_ =	shalt  }
0x57: {  	_ =	shalt  }
0x58: {  	_ =	shalt  }
0x59: {  	_ =	shalt  }
0x5a: {  	_ =	shalt  }
0x5b: {  	_ =	shalt  }
0x5c: {  	_ =	shalt  }
0x5d: {  	_ =	shalt  }
0x5e: {  	_ =	shalt  }
0x5f: {  	_ =	shalt  }
0x60: {  	_ =	shalt  }
0x61: {  	_ =	shalt  }
0x62: {  	_ =	shalt  }
0x63: {  	_ =	shalt  }
0x64: {  	_ =	shalt  }
0x65: {  	_ =	shalt  }
0x66: {  	_ =	shalt  }
0x67: {  	_ =	shalt  }
0x68: {  	_ =	shalt  }
0x69: {  	_ =	shalt  }
0x6a: {  	_ =	shalt  }
0x6b: {  	_ =	shalt  }
0x6c: {  	_ =	shalt  }
0x6d: {  	_ =	shalt  }
0x6e: {  	_ =	shalt  }
0x6f: {  	_ =	shalt  }
0x70: {  	_ =	shalt  }
0x71: {  	_ =	shalt  }
0x72: {  	_ =	shalt  }
0x73: {  	_ =	shalt  }
0x74: {  	_ =	shalt  }
0x75: {  	_ =	shalt  }
0x76: {  	_ =	shalt  }
0x77: {  	_ =	shalt  }
0x78: {  	_ =	shalt  }
0x79: {  	_ =	shalt  }
0x7a: {  	_ =	shalt  }
0x7b: {  	_ =	shalt  }
0x7c: {  	_ =	shalt  }
0x7d: {  	_ =	shalt  }
0x7e: {  	_ =	shalt  }
0x7f: {  	_ =	shalt  }
0x80: {  	_ =	shalt  }
0x81: {  	_ =	shalt  }
0x82: {  	_ =	shalt  }
0x83: {  	_ =	shalt  }
0x84: {  	_ =	shalt  }
0x85: {  	_ =	shalt  }
0x86: {  	_ =	shalt  }
0x87: {  	_ =	shalt  }
.Lfunc_end0:
.L_simem_size_0:
called_computation.9_lowered:
.L_overlay_start_0:
0x88: {  	s2 =	sld [smem:$0x3FD9]  }
0x89: {  	s3 =	sld [smem:$0x3FFE];
	_ =	sdelay $0x1  }
0x8a: {  	s1 =	srdreg.scid  }
0x8b: {  	s0 =	sand.u32 $0x1, s1  }
0x8c: {  	s14 =	sshll.u32 s0, $0xA;
	s2 =	sadd.s32 s3, s2  }
0x8d: {  	s2 =	sadd.s32 s2, s14  }
0x8e: {  	[smem:$0x3F86] =	sst s2  }
0x8f: {  	_ = 	snop  }
0x90: {  	s2 =	sld [smem:$0x3FD0];
	_ =	sdelay $0x2  }
0x91: {  	s15 =	simm.s32 $0xA;
	s4 =	simm.s32 $0x10  }
0x92: {  	[smem:s4], [sflag:s15] =	dma.local [hbm:s2], $0x1  }
0x93: {  	_ =	swait.eq [sflag:s15], $0x1  }
0x94: {  	[sflag:s15] =	ssyncset.done $0x0  }
0x95: {  	[sflag:s15] =	ssyncadd.s32 $0xFFFFFFFF  }
0x96: {  	s16 =	sld [smem:$0x11];
	(tm) =	ssettm $0x1  }
0x97: {  	s17 =	sld [smem:$0x3FFB];
	_ =	sdelay $0x3  }
0x98: {  	_ =	strace s17  }
0x99: {  	s3 =	sld [smem:$0x3FFC];
	_ =	sdelay $0x3  }
0x9a: {  	_ =	strace s3  }
0x9b: {  	s3 =	sld [smem:$0x3FFD];
	_ =	sdelay $0x3  }
0x9c: {  	_ =	strace s3  }
0x9d: {  	_ =	strace $0x8FFFFFFF  }
0x9e: {  	s18 =	sld [smem:$0x3FDB];
	_ =	sdelay $0x1  }
0x9f: {  	s19 =	simm.s32 $_scs_section_size  }
0xa0: {  	s5 =	simm.s32 $_size__tile_overlayer_lowered;
	s6 =	simm.s32 $_tile_overlayer_lowered  }
0xa1: {  	s22 =	simm.s32 $0x1BFF;
	s21 =	sshll.u32 s6, $0x1;
	s3 =	sadd.s32 s19, s18  }
0xa2: {  	s7 =	simm.s32 $0x0;
	s20 =	sshll.u32 s5, $0x1;
	s5 =	sadd.s32 s21, s3  }
0xa3: {  	[timem:s7], [sflag:s22] =	dma.local [hbm:s5], s20  }
0xa4: {  	_ =	swait.ge [sflag:s22], s20  }
0xa5: {  	s4 =	ssub.s32 $0x0, s20;
	[sflag:s22] =	ssyncset.done $0x0  }
0xa6: {  	[sflag:s22] =	ssyncadd.s32 s4;
	_ =	sdelay $0x1  }
0xa7: {  	s23 =	simm.s32 $0x1B8B  }
0xa8: {  	_ =	swait.ge [sflag:s23], $0x1  }
0xa9: {  	[sflag:s23] =	ssyncset.done $0x0  }
0xaa: {  	s25 =	simm.s32 $0x1B8E;
	s24 =	sld [smem:$0x3FFE];
	[sflag:s23] =	ssyncadd.s32 $0xFFFFFFFF  }
0xab: {  	s26 =	simm.s32 $execute0_lowered;
	[smem:$0x3FD2] =	sst s25  }
0xac: {  	s5 =	sshll.u32 s26, $0x1;
	_ =	strace $0x80000049;
	[dreg:$0x1] =	wrdreg $0xFFFFFFFF  }
0xad: {  	s28 =	simm.s32 $_size_execute0_lowered;
	s3 =	sadd.s32 s3, s5;
	[dreg:$0x0] =	wrdreg $0x0  }
0xae: {  	s5 =	sshll.u32 s28, $0x1;
	[dreg:$0x2] =	wrdreg s3  }
0xaf: {  	[dreg:$0x3] =	wrdreg s5  }
0xb0: {  	[dreg:$0x4] =	wrdreg $0xC0  }
0xb1: {  	_ =	task [dreg:s7], $0x5FFFF  }
0xb2: {  	[dreg:$0x1] =	wrdreg $0xFFFFFFFF  }
0xb3: {  	[dreg:$0x0] =	wrdreg $0x60  }
0xb4: {  	[dreg:$0x2] =	wrdreg s24  }
0xb5: {  	[dreg:$0x3] =	wrdreg s16  }
0xb6: {  	[dreg:$0x4] =	wrdreg $0x9  }
0xb7: {  	_ =	task.clear_ibuf [dreg:s7], $0x5FFFF;
	_ =	strace $0x90000049  }
0xb8: {  	s29 =	simm.s32 $0x9;
	_ =	strace $0x8000004B  }
0xb9: {  	_ =	swait.ge [sflag:s29], $0x1  }
0xba: {  	[sflag:s29] =	ssyncadd.s32 $0xFFFFFFFF  }
0xbb: {  	_ =	strace $0x9000004B  }
0xbc: {  	_ =	sfence  }
0xbd: {  	s30 =	sld [smem:$0x0];
	_ =	sdelay $0x2  }
0xbe: {  	s31 =	sshll.u32 s1, $0xD;
	s1 =	sshrl.u32 s1, $0x2  }
0xbf: {  	s3 =	sand.u32 $0x4000, s31;
	s1 =	sadd.s32 s1, s30  }
0xc0: {  	s0 =	sor.u32 s3, s0;
	s1 =	sshll.u32 s1, $0x11  }
0xc1: {  	s0 =	sor.u32 s1, s0  }
0xc2: {  	s0 =	sadd.s32 $0x8F2B, s0  }
0xc3: {  	[sflag:s0] =	ssyncadd.remote.s32 $0x1  }
0xc4: {  	_ =	sfence.sel $0xFFFF  }
0xc5: {  	[dreg:$0x0] =	wrdreg $0xFFFFFFFF;
	(pc) =	sbr.abs _section_cstart, $3  }
0xc6: {  	[dreg:$0x1] =	wrdreg $0xFFFFFFFF  }
0xc7: {  	_ =	task.clear_ibuf [dreg:s7], $0x2FFFF;
	_ =	strace $0x9FFFFFFF  }
0xc8: {  	(tm) =	ssettm $0x7FFFFFFF  }
0xc9: {  	_ =	shalt  }
tec
execute0_lowered:
.L_overlay_start_1:
0x0: {  	(tag) =	ssettag $0x1  }
0x1: {  	s8 =	rddreg [dreg:$0x0]  }
0x2: {  	s2 =	rddreg [dreg:$0x1]  }
0x3: {  	s1 =	stileid.u32;
	s3 =	srdreg.scid  }
0x4: {  	s0 =	rddreg [dreg:$0x2];
	_ =	strace $0x8000004A;
	s5 =	simm.s32 $0x1  }
0x5: {  	s9 =	simm.s32 $0x1;
	s3 =	sand.u32 $0x1, s3;
	s4 =	sshll.u32 s1, $0x1  }
0x6: {  	s10 =	simm.s32 $0x3;
	s13 =	simm.s32 $0x0;
	s6 =	sor.u32 s4, s3  }
0x7: {  	s12 =	simm.s32 $0x0;
	[sflag:s5] =	ssyncpa.u1 $0x0;
	s4 =	smul.u32 $0x2710, s6  }
0x8: {  	s3 =	sadd.s32 $0x1D3600, s8;
	p0 =	slt.u32 s6, $0x9;
	s6 =	simm.s32 $0x4E200  }
.Ltmp0:
0x9: {  	s6 =	simm.s32 @!p0 $0x0;
	s7 =	ssub.s32 $0x61A80, s4;
	(pc) =	sbr.rel .LBB2_1-.Ltmp0, $4  }
0xa: {  	s9 =	simm.s32 @!p0 $0x0;
	p0 =	sne.s32 s7, s6;
	s7 =	simm.s32 $0x1  }
0xb: {  	s8 =	sadd.s32 $0x1BAE00, s8;
	s6 =	simm.s32 $0x2;
	s7 =	simm.s32 @!p0 $0x0  }
0xc: {  	s11 =	smov.u32 s4;
	[sflag:s6] =	ssyncpa.u1 $0x0;
	s7 =	sadd.s32 s9, s7  }
0xd: {  	vm0 =	vmmov $0xffff;
	[sflag:s10] =	ssyncpa.u1 $0x0;
	s10 =	simm.s32 $0x0;
	s9 =	sadd.s32 $0x1, s7  }
.LBB2_4:
0xe: {  	v2 =	vnsel vm1, $0x0, v2  }
0xf: {  	vm1 =	vgt.s32 v0, $0x0;
	v2 =	vmin.u32 v2, $0x61A7F  }
0x10: {  	v0 =	vnsel vm1, $0x0, v0  }
0x11: {  	v0 =	vmin.u32 v0, $0x61A7F  }
0x12: {  	[tilespmem:s18], [sflag:$0x1] =	stream.indirect_vreg.gather [hbm4b:s3+s10], $0x1, v1, vm0, $0x4038;
	[tilespmem:$0x9C40] =	vst v63  }
0x13: {  	(ifvalue) =	ssetifvalue $0x7FFFFFFF  }
0x14: {  	[tilespmem:s15], [sflag:$0x1] =	stream.indirect_vreg.gather [hbm4b:s3+s10], $0x1, v2, vm0, $0x4038;
	[tilespmem:$0x9C40] =	vst v63  }
0x15: {  	s29 =	sadd.s32 $0x10, s15;
	(ifvalue) =	ssetifvalue $0x7FFFFFFF  }
0x16: {  	[tilespmem:s29], [sflag:$0x1] =	stream.indirect_vreg.gather [hbm4b:s3+s10], $0x1, v0, vm0, $0x4038;
	[tilespmem:$0x9C40] =	vst v63  }
0x17: {  	_ =	swait.ge [sflag:s5], $0x2710  }
0x18: {  	s30 =	sshrl.u32 s13, $0x3;
	[sflag:s5] =	ssyncset.done $0x0  }
0x19: {  	s31 =	sand.u32 $0x7, s13;
	s15 =	sadd.s32 s8, s30;
	[sflag:s5] =	ssyncadd.s32 $0xFFFFD8F0  }
0x1a: {  	[hbm4b:s15+s31] =	stream.linear.scatter [tilespmem:s14], [sflag:$0x3], $0x2710, $0x38;
	[tilespmem:$0x9C40] =	vst v63  }
.LBB2_5:
0x1b: {  	s15 =	sadd.s32 $0x4E200, s11  }
0x1c: {  	p1 =	sgt.s32 s15, $0x61A7F  }
0x1d: {  	s15 =	smov.u32 @p1 s4;
	p1 =	sne.s32 s12, s9  }
.Ltmp1:
0x1e: {  	p0 =	slt.u32 s12, $0x2;
	(pc) =	sbr.rel @!p1 .LBB2_6-.Ltmp1, $4  }
0x1f: {  	s14 =	simm.s32 @!p0 $0x3  }
0x20: {  	_ =	swait.ge @!p0 [sflag:s14], $0x2710  }
0x21: {  	s16 =	sadd.s32 $0x1, s12;
	s13 =	smov.u32 s11;
	[sflag:s14] =	ssyncset.done @!p0 $0x0  }
0x22: {  	s12 =	smov.u32 s16;
	s11 =	smov.u32 s15;
	[sflag:s14] =	ssyncadd.s32 @!p0 $0xFFFFD8F0  }
.LBB2_1:
0x23: {  	p0 =	sge.u32 s12, s7  }
0x24: {  	s14 =	sxor.u32 @!p0 $0x1, s12  }
0x25: {  	s14 =	smul.u32 @!p0 $0x9C40, s14  }
0x26: {  	s31 =	sadd.s32 $0xFFFFFFFF, s12;
	s15 =	sshrl.u32 @!p0 s11, $0x3  }
0x27: {  	s16 =	sand.u32 @!p0 $0x7, s11;
	s15 =	sadd.s32 @!p0 s2, s15;
	s14 =	sshra.s32 @!p0 s14, $0x2  }
0x28: {  	[tilespmem:s14], [sflag:$0x2] =	stream.linear.gather @!p0 [hbm4b:s15+s16], $0x2710, $0x38;
	[tilespmem:$0x9C40] =	vst v63  }
0x29: {  	p0 =	sge.u32 s31, s7  }
.Ltmp2:
0x2a: {  	_ = 	snop;
	(pc) =	sbr.rel @p0 .LBB2_5-.Ltmp2, $1  }
0x2b: {  	_ =	sdelay $0x3  }
0x2c: {  	s14 =	sand.u32 $0x1, s12  }
0x2d: {  	_ =	swait.ge [sflag:s6], $0x2710;
	p0 =	seq.s32 s14, $0x1;
	s14 =	simm.s32 $0x2710  }
0x2e: {  	[sflag:s6] =	ssyncset.done $0x0;
	s14 =	simm.s32 @!p0 $0x0  }
0x2f: {  	[sflag:s6] =	ssyncadd.s32 $0xFFFFD8F0;
	(ifvalue) =	ssetifvalue $0x7FFFFFFF;
	v0 =	vld.msk [tilespmem:s14+$0x0 ss:$0x1], $0xffff;
	_ =	sdelay $0x4  }
0x30: {  	s15 =	sadd.s32 $0x10, s14;
	vm1 =	vgt.s32 v0, $0x0  }
0x31: {  	v2 =	vld.msk [tilespmem:s15+$0x0 ss:$0x1], $0xffff;
	v1 =	vnsel vm1, $0x0, v0  }
0x32: {  	v1 =	vmin.u32 v1, $0x61A7F;
	_ =	sdelay $0x2  }
0x33: {  	s17 =	simm.s32 $0x20;
	s14 =	sadd.s32 $0x4E20, s14;
	s16 =	sadd.s32 $0x10, s15  }
0x34: {  	s15 =	sadd.s32 $0x10, s14;
	s18 =	smov.u32 s14;
	v0 =	vld.msk [tilespmem:s16+$0x0 ss:$0x1], $0xffff;
	vm1 =	vgt.s32 v2, $0x0;
	(ifvalue) =	ssetifvalue $0x7FFFFFFF  }
.LBB2_3:
0x35: {  	[tilespmem:s18], [sflag:$0x1] =	stream.indirect_vreg.gather [hbm4b:s3+s10], $0x1, v1, vm0, $0x4038;
	[tilespmem:$0x9C40] =	vst v63  }
0x36: {  	s17 =	sadd.s32 $0x10, s17  }
0x37: {  	v2 =	vnsel vm1, $0x0, v2;
	p0 =	slt.u32 s17, $0x2700  }
.Ltmp3:
0x38: {  	s18 =	smov.u32 s15;
	v1 =	vmin.u32 v2, $0x61A7F;
	(pc) =	sbr.rel @p0 .LBB2_3-.Ltmp3, $3  }
0x39: {  	_ =	sdelay $0x1  }
0x3a: {  	s16 =	sadd.s32 $0x10, s16  }
0x3b: {  	vm1 =	vgt.s32 v0, $0x0;
	s15 =	sadd.s32 $0x10, s15;
	v2 =	vmov v0;
	(ifvalue) =	ssetifvalue $0x7FFFFFFF;
	v0 =	vld.msk [tilespmem:s16+$0x0 ss:$0x1], $0xffff  }
.Ltmp4:
0x3c: {  	_ = 	snop;
	(pc) =	sbr.rel .LBB2_4-.Ltmp4, $1  }
0x3d: {  	_ =	sdelay $0x3  }
.LBB2_6:
0x3e: {  	_ =	sfence.sel $0x180000  }
0x3f: {  	s2 =	simm.s32 $0x2;
	[bflag:$0x0] =	sbarrier.arrive $0xFFFF  }
0x40: {  	s30 =	simm.s32 $0x3;
	[sflag:s2] =	ssyncpa.u1 $0x1  }
0x41: {  	s31 =	simm.s32 $0x1;
	[sflag:s30] =	ssyncpa.u1 $0x1  }
0x42: {  	[sflag:s31] =	ssyncpa.u1 $0x1  }
0x43: {  	p0 =	sne.s32 s1, $0x0;
	_ =	strace $0x9000004A  }
0x44: {  	s0 =	sadd.s32 @!p0 $0x100000, s0;
	[bflag:$0x2] =	sbarrier.arrive $0xFFFF  }
0x45: {  	[sflag:s0] =	ssyncadd.tile.s32 @!p0 $0x1;
	_ =	shalt  }
.Lfunc_end2:
_tile_overlayer_lowered:
.L_overlay_start_2:
0x46: {  	(tag) =	ssettag $0x2  }
0x47: {  	s0 =	rddreg [dreg:$0x0];
	s2 =	stileid.u32  }
0x48: {  	s1 =	rddreg [dreg:$0x1];
	p0 =	sne.s32 s2, $0x0  }
0x49: {  	s3 =	rddreg [dreg:$0x2];
	[bflag:$0x3] =	sbarrier.arrive $0xFFFF;
	s2 =	simm.s32 @!p0 $0x1C01  }
0x4a: {  	[timem:s3], [sflag:s2] =	dma.local @!p0 [hbm:s0], s1  }
0x4b: {  	s0 =	simm.s32 @!p0 $0x1  }
0x4c: {  	_ =	swait.ge @!p0 [sflag:s0], s1  }
0x4d: {  	s1 =	ssub.s32 @!p0 $0x0, s1;
	[sflag:s0] =	ssyncset.done @!p0 $0x0  }
0x4e: {  	[sflag:s0] =	ssyncadd.s32 @!p0 s1  }
0x4f: {  	[bflag:$0x3] =	sbarrier.arrive $0xFFFF  }
0x50: {  	_ =	shalt  }

// kernel: gather_offload_async_start
scs
__scs_entry_jumppad:
0x0: {  	(pc) =	sbr.rel $0x88, $3  }
0x1: {  	(tag) =	ssettag $0x0;
	lr =	simm.s32 $0x1  }
0x2: {  	[smem:$0x3F5F] =	sst lr;
	_ =	strace $0xD0000000  }
0x3: {  	_ = 	snop  }
0x4: {  	_ = 	snop  }
0x5: {  	_ = 	snop  }
0x6: {  	_ = 	snop  }
0x7: {  	_ = 	snop  }
__scs_overlays_trampoline_lowered:
0x8: {  	[smem:$0x3F6E] =	sst s0  }
0x9: {  	[smem:$0x3F6F] =	sst s1  }
0xa: {  	[smem:$0x3F70] =	sst s2  }
0xb: {  	[smem:$0x3F71] =	sst s3  }
0xc: {  	[smem:$0x3F72] =	sst s4  }
0xd: {  	[smem:$0x3F73] =	sst s5  }
0xe: {  	[smem:$0x3F74] =	sst s6  }
0xf: {  	[smem:$0x3F75] =	sst s7  }
0x10: {  	[smem:$0x3F76] =	sst s8  }
0x11: {  	[smem:$0x3F77] =	sst s9;
	s0 =	simm.s32 @!p0 $0x0  }
0x12: {  	s1 =	sld [smem:$0x3F5D];
	s0 =	simm.s32 @p0 $0x1  }
0x13: {  	[smem:$0x3F78] =	sst s0;
	s0 =	simm.s32 @!p1 $0x0  }
0x14: {  	s2 =	sld [smem:$0x3F5C];
	s0 =	simm.s32 @p1 $0x1  }
0x15: {  	[smem:$0x3F79] =	sst s0;
	s0 =	simm.s32 @!p2 $0x0  }
0x16: {  	s3 =	sld [smem:$0x3FDB];
	s0 =	simm.s32 @p2 $0x1  }
0x17: {  	s4 =	simm.s32 $0x1BF5;
	[smem:$0x3F7B] =	sst s0  }
0x18: {  	s0 =	sld [smem:$0x3F5E];
	_ =	swait.ge [sflag:s4], $0x0  }
0x19: {  	s7 =	sld [smem:$0x3F5F]  }
0x1a: {  	s8 =	sadd.s32 $0xFFFFE003, lr  }
0x1b: {  	s9 =	sadd.s32 $0xFFFFFEF7, lr;
	s5 =	simm.s32 $0xFFFFFFFF;
	p2 =	slt.u32 s8, $0xFFFFF086  }
0x1c: {  	p1 =	slt.u32 s9, $0xF7A;
	s5 =	simm.s32 @!p2 $0x0  }
0x1d: {  	s5 =	simm.s32 @p1 $0x1;
	p0 =	seq.s32 s7, s2  }
0x1e: {  	s7 =	smul.u32 @!p0 $0xF7A, s2;
	p2 =	seq.s32 @!p0 s5, $0x0  }
0x1f: {  	s9 =	smul.u32 $0xF7A, s1;
	s8 =	simm.s32 @!p0 $0x1BF5;
	p2 =	por !p2, p0  }
0x20: {  	[sflag:s8] =	ssyncset.s32 @!p0 $0xFFFFF086;
	s6 =	sadd.s32 @!p0 s3, s7;
	s7 =	simm.s32 @!p0 $0x108  }
0x21: {  	s3 =	sadd.s32 s3, s9;
	s6 =	sadd.s32 @!p0 $0x88, s6;
	s7 =	simm.s32 @p2 $0x1082  }
0x22: {  	[simem:s7], [sflag:s8] =	dma.local @!p0 [hbm:s6], $0xF7A  }
0x23: {  	s9 =	sor.u32 $0xD0000000, s2;
	s6 =	simm.s32 $0x108;
	_ =	swait.ge @!p0 [sflag:s8], $0x0  }
0x24: {  	s3 =	sadd.s32 $0x88, s3;
	s6 =	simm.s32 @!p1 $0x1082;
	[sflag:s4] =	ssyncset.s32 $0xFFFFF086  }
0x25: {  	[simem:s6], [sflag:s4] =	dma.local [hbm:s3], $0xF7A  }
0x26: {  	[smem:$0x3F5F] =	sst s1;
	(tag) =	ssettag s2;
	_ =	strace s9  }
0x27: {  	s1 =	sld [smem:$0x3F6F]  }
0x28: {  	s2 =	sld [smem:$0x3F70]  }
0x29: {  	s4 =	sld [smem:$0x3F72]  }
0x2a: {  	p0 =	seq.s32 s5, $0x0;
	s5 =	sld [smem:$0x3F73]  }
0x2b: {  	s6 =	sld [smem:$0x3F74]  }
0x2c: {  	s7 =	sld [smem:$0x3F75]  }
0x2d: {  	s3 =	simm.s32 $0x108;
	s8 =	sld [smem:$0x3F76]  }
0x2e: {  	s3 =	simm.s32 @!p0 $0x1082;
	s9 =	sld [smem:$0x3F77]  }
0x2f: {  	lr =	sadd.s32 s0, s3;
	s0 =	sld [smem:$0x3F6E]  }
0x30: {  	s3 =	sld [smem:$0x3F71]  }
0x31: {  	[smem:$0x3F7A] =	sst s10  }
0x32: {  	s10 =	sld [smem:$0x3F78];
	_ =	sdelay $0x3  }
0x33: {  	p0 =	seq.s32 s10, $0x1;
	s10 =	sld [smem:$0x3F7A];
	_ =	sdelay $0x3  }
0x34: {  	[smem:$0x3F7A] =	sst s10  }
0x35: {  	s10 =	sld [smem:$0x3F79];
	_ =	sdelay $0x3  }
0x36: {  	p1 =	seq.s32 s10, $0x1;
	s10 =	sld [smem:$0x3F7A];
	_ =	sdelay $0x3  }
0x37: {  	[smem:$0x3F7A] =	sst s10  }
0x38: {  	s10 =	sld [smem:$0x3F7B]  }
0x39: {  	_ = 	snop;
	(pc) =	sbr.ind lr, $3  }
0x3a: {  	_ = 	snop  }
0x3b: {  	_ = 	snop  }
0x3c: {  	p2 =	seq.s32 s10, $0x1;
	s10 =	sld [smem:$0x3F7A]  }
0x3d: {  	_ =	shalt  }
0x3e: {  	_ =	shalt  }
0x3f: {  	_ =	shalt  }
0x40: {  	_ =	shalt  }
0x41: {  	_ =	shalt  }
0x42: {  	_ =	shalt  }
0x43: {  	_ =	shalt  }
0x44: {  	_ =	shalt  }
0x45: {  	_ =	shalt  }
0x46: {  	_ =	shalt  }
0x47: {  	_ =	shalt  }
0x48: {  	_ =	shalt  }
0x49: {  	_ =	shalt  }
0x4a: {  	_ =	shalt  }
0x4b: {  	_ =	shalt  }
0x4c: {  	_ =	shalt  }
0x4d: {  	_ =	shalt  }
0x4e: {  	_ =	shalt  }
0x4f: {  	_ =	shalt  }
0x50: {  	_ =	shalt  }
0x51: {  	_ =	shalt  }
0x52: {  	_ =	shalt  }
0x53: {  	_ =	shalt  }
0x54: {  	_ =	shalt  }
0x55: {  	_ =	shalt  }
0x56: {  	_ =	shalt  }
0x57: {  	_ =	shalt  }
0x58: {  	_ =	shalt  }
0x59: {  	_ =	shalt  }
0x5a: {  	_ =	shalt  }
0x5b: {  	_ =	shalt  }
0x5c: {  	_ =	shalt  }
0x5d: {  	_ =	shalt  }
0x5e: {  	_ =	shalt  }
0x5f: {  	_ =	shalt  }
0x60: {  	_ =	shalt  }
0x61: {  	_ =	shalt  }
0x62: {  	_ =	shalt  }
0x63: {  	_ =	shalt  }
0x64: {  	_ =	shalt  }
0x65: {  	_ =	shalt  }
0x66: {  	_ =	shalt  }
0x67: {  	_ =	shalt  }
0x68: {  	_ =	shalt  }
0x69: {  	_ =	shalt  }
0x6a: {  	_ =	shalt  }
0x6b: {  	_ =	shalt  }
0x6c: {  	_ =	shalt  }
0x6d: {  	_ =	shalt  }
0x6e: {  	_ =	shalt  }
0x6f: {  	_ =	shalt  }
0x70: {  	_ =	shalt  }
0x71: {  	_ =	shalt  }
0x72: {  	_ =	shalt  }
0x73: {  	_ =	shalt  }
0x74: {  	_ =	shalt  }
0x75: {  	_ =	shalt  }
0x76: {  	_ =	shalt  }
0x77: {  	_ =	shalt  }
0x78: {  	_ =	shalt  }
0x79: {  	_ =	shalt  }
0x7a: {  	_ =	shalt  }
0x7b: {  	_ =	shalt  }
0x7c: {  	_ =	shalt  }
0x7d: {  	_ =	shalt  }
0x7e: {  	_ =	shalt  }
0x7f: {  	_ =	shalt  }
0x80: {  	_ =	shalt  }
0x81: {  	_ =	shalt  }
0x82: {  	_ =	shalt  }
0x83: {  	_ =	shalt  }
0x84: {  	_ =	shalt  }
0x85: {  	_ =	shalt  }
0x86: {  	_ =	shalt  }
0x87: {  	_ =	shalt  }
.Lfunc_end0:
.L_simem_size_0:
called_computation_lowered:
.L_overlay_start_0:
0x88: {  	s2 =	sld [smem:$0x3FD9]  }
0x89: {  	s3 =	sld [smem:$0x3FFE];
	_ =	sdelay $0x1  }
0x8a: {  	s1 =	srdreg.scid  }
0x8b: {  	s0 =	sand.u32 $0x1, s1  }
0x8c: {  	s16 =	sshll.u32 s0, $0xA;
	s2 =	sadd.s32 s3, s2  }
0x8d: {  	s2 =	sadd.s32 s2, s16  }
0x8e: {  	[smem:$0x3F86] =	sst s2  }
0x8f: {  	_ = 	snop  }
0x90: {  	(tm) =	ssettm $0x1  }
0x91: {  	s17 =	sld [smem:$0x3FFB];
	_ =	sdelay $0x3  }
0x92: {  	_ =	strace s17  }
0x93: {  	s2 =	sld [smem:$0x3FFC];
	_ =	sdelay $0x3  }
0x94: {  	_ =	strace s2  }
0x95: {  	s2 =	sld [smem:$0x3FFD];
	_ =	sdelay $0x3  }
0x96: {  	_ =	strace s2  }
0x97: {  	_ =	strace $0x8FFFFFFF  }
0x98: {  	s18 =	sld [smem:$0x3FDB];
	_ =	sdelay $0x1  }
0x99: {  	s19 =	simm.s32 $_scs_section_size  }
0x9a: {  	s4 =	simm.s32 $_size__tile_overlayer_lowered;
	s5 =	simm.s32 $_tile_overlayer_lowered  }
0x9b: {  	s22 =	simm.s32 $0x1BFF;
	s21 =	sshll.u32 s5, $0x1;
	s2 =	sadd.s32 s19, s18  }
0x9c: {  	s6 =	simm.s32 $0x0;
	s20 =	sshll.u32 s4, $0x1;
	s4 =	sadd.s32 s21, s2  }
0x9d: {  	[timem:s6], [sflag:s22] =	dma.local [hbm:s4], s20  }
0x9e: {  	_ =	swait.ge [sflag:s22], s20  }
0x9f: {  	s3 =	ssub.s32 $0x0, s20;
	[sflag:s22] =	ssyncset.done $0x0  }
0xa0: {  	[sflag:s22] =	ssyncadd.s32 s3;
	_ =	sdelay $0x1  }
0xa1: {  	s23 =	simm.s32 $0x1B8B  }
0xa2: {  	_ =	swait.ge [sflag:s23], $0x1  }
0xa3: {  	[sflag:s23] =	ssyncset.done $0x0  }
0xa4: {  	s25 =	simm.s32 $0x1B8E;
	s24 =	sld [smem:$0x3FFE];
	[sflag:s23] =	ssyncadd.s32 $0xFFFFFFFF  }
0xa5: {  	s26 =	simm.s32 $execute0_lowered;
	[smem:$0x3FD2] =	sst s25  }
0xa6: {  	s4 =	sshll.u32 s26, $0x1;
	_ =	strace $0x8000004C;
	[dreg:$0x1] =	wrdreg $0xFFFFFFFF  }
0xa7: {  	s28 =	simm.s32 $_size_execute0_lowered;
	s2 =	sadd.s32 s2, s4;
	[dreg:$0x0] =	wrdreg $0x0  }
0xa8: {  	s4 =	sshll.u32 s28, $0x1;
	[dreg:$0x2] =	wrdreg s2  }
0xa9: {  	[dreg:$0x3] =	wrdreg s4  }
0xaa: {  	[dreg:$0x4] =	wrdreg $0xC0  }
0xab: {  	_ =	task [dreg:s6], $0x5FFFF  }
0xac: {  	[dreg:$0x1] =	wrdreg $0xFFFFFFFF  }
0xad: {  	[dreg:$0x0] =	wrdreg $0x60  }
0xae: {  	[dreg:$0x2] =	wrdreg s24  }
0xaf: {  	[dreg:$0x3] =	wrdreg $0x9  }
0xb0: {  	_ =	task.clear_ibuf [dreg:s6], $0x4FFFF;
	_ =	strace $0x9000004C  }
0xb1: {  	s29 =	simm.s32 $0x9;
	_ =	strace $0x8000004E  }
0xb2: {  	_ =	swait.ge [sflag:s29], $0x1  }
0xb3: {  	[sflag:s29] =	ssyncadd.s32 $0xFFFFFFFF  }
0xb4: {  	_ =	strace $0x9000004E  }
0xb5: {  	_ =	sfence  }
0xb6: {  	s30 =	sld [smem:$0x0];
	_ =	sdelay $0x2  }
0xb7: {  	s31 =	sshll.u32 s1, $0xD;
	s1 =	sshrl.u32 s1, $0x2  }
0xb8: {  	s3 =	sand.u32 $0x4000, s31;
	s1 =	sadd.s32 s1, s30  }
0xb9: {  	s0 =	sor.u32 s3, s0;
	s1 =	sshll.u32 s1, $0x11  }
0xba: {  	s0 =	sor.u32 s1, s0  }
0xbb: {  	s0 =	sadd.s32 $0x8F2B, s0  }
0xbc: {  	[sflag:s0] =	ssyncadd.remote.s32 $0x1  }
0xbd: {  	_ =	sfence.sel $0xFFFF  }
0xbe: {  	[dreg:$0x0] =	wrdreg $0xFFFFFFFF;
	(pc) =	sbr.abs _section_cstart, $3  }
0xbf: {  	[dreg:$0x1] =	wrdreg $0xFFFFFFFF  }
0xc0: {  	_ =	task.clear_ibuf [dreg:s6], $0x2FFFF;
	_ =	strace $0x9FFFFFFF  }
0xc1: {  	(tm) =	ssettm $0x7FFFFFFF  }
tec
execute0_lowered:
.L_overlay_start_1:
0x0: {  	(tag) =	ssettag $0x1  }
0x1: {  	s8 =	rddreg [dreg:$0x0];
	s1 =	stileid.u32  }
0x2: {  	s2 =	srdreg.scid;
	s0 =	rddreg [dreg:$0x1]  }
0x3: {  	_ =	strace $0x8000004D;
	s5 =	simm.s32 $0x1;
	s9 =	simm.s32 $0x1  }
0x4: {  	s10 =	simm.s32 $0x3;
	s3 =	sand.u32 $0x1, s2;
	s4 =	sshll.u32 s1, $0x1  }
0x5: {  	s13 =	simm.s32 $0x0;
	s12 =	simm.s32 $0x0;
	s6 =	sor.u32 s4, s3  }
0x6: {  	s2 =	sadd.s32 $0x1F8200, s8;
	[sflag:s5] =	ssyncpa.u1 $0x0;
	s4 =	smul.u32 $0x2710, s6  }
0x7: {  	s3 =	sadd.s32 $0x210A00, s8;
	p0 =	slt.u32 s6, $0x9;
	s6 =	simm.s32 $0x4E200  }
.Ltmp0:
0x8: {  	s6 =	simm.s32 @!p0 $0x0;
	s7 =	ssub.s32 $0x61A80, s4;
	(pc) =	sbr.rel .LBB2_1-.Ltmp0, $4  }
0x9: {  	s9 =	simm.s32 @!p0 $0x0;
	p0 =	sne.s32 s7, s6;
	s7 =	simm.s32 $0x1  }
0xa: {  	s8 =	sadd.s32 $0x1BAE00, s8;
	s6 =	simm.s32 $0x2;
	s7 =	simm.s32 @!p0 $0x0  }
0xb: {  	s11 =	smov.u32 s4;
	[sflag:s6] =	ssyncpa.u1 $0x0;
	s7 =	sadd.s32 s9, s7  }
0xc: {  	vm0 =	vmmov $0xffff;
	[sflag:s10] =	ssyncpa.u1 $0x0;
	s10 =	simm.s32 $0x0;
	s9 =	sadd.s32 $0x1, s7  }
.LBB2_4:
0xd: {  	v2 =	vnsel vm1, $0x0, v2  }
0xe: {  	vm1 =	vgt.s32 v0, $0x0;
	v2 =	vmin.u32 v2, $0x61A7F  }
0xf: {  	v0 =	vnsel vm1, $0x0, v0  }
0x10: {  	v0 =	vmin.u32 v0, $0x61A7F  }
0x11: {  	[tilespmem:s18], [sflag:$0x1] =	stream.indirect_vreg.gather [hbm4b:s2+s10], $0x1, v1, vm0, $0x4038;
	[tilespmem:$0x9C40] =	vst v63  }
0x12: {  	(ifvalue) =	ssetifvalue $0x7FFFFFFF  }
0x13: {  	[tilespmem:s15], [sflag:$0x1] =	stream.indirect_vreg.gather [hbm4b:s2+s10], $0x1, v2, vm0, $0x4038;
	[tilespmem:$0x9C40] =	vst v63  }
0x14: {  	s29 =	sadd.s32 $0x10, s15;
	(ifvalue) =	ssetifvalue $0x7FFFFFFF  }
0x15: {  	[tilespmem:s29], [sflag:$0x1] =	stream.indirect_vreg.gather [hbm4b:s2+s10], $0x1, v0, vm0, $0x4038;
	[tilespmem:$0x9C40] =	vst v63  }
0x16: {  	_ =	swait.ge [sflag:s5], $0x2710  }
0x17: {  	s30 =	sshrl.u32 s13, $0x3;
	[sflag:s5] =	ssyncset.done $0x0  }
0x18: {  	s31 =	sand.u32 $0x7, s13;
	s15 =	sadd.s32 s8, s30;
	[sflag:s5] =	ssyncadd.s32 $0xFFFFD8F0  }
0x19: {  	[hbm4b:s15+s31] =	stream.linear.scatter [tilespmem:s14], [sflag:$0x3], $0x2710, $0x38;
	[tilespmem:$0x9C40] =	vst v63  }
.LBB2_5:
0x1a: {  	s15 =	sadd.s32 $0x4E200, s11  }
0x1b: {  	p1 =	sgt.s32 s15, $0x61A7F  }
0x1c: {  	s15 =	smov.u32 @p1 s4;
	p1 =	sne.s32 s12, s9  }
.Ltmp1:
0x1d: {  	p0 =	slt.u32 s12, $0x2;
	(pc) =	sbr.rel @!p1 .LBB2_6-.Ltmp1, $4  }
0x1e: {  	s14 =	simm.s32 @!p0 $0x3  }
0x1f: {  	_ =	swait.ge @!p0 [sflag:s14], $0x2710  }
0x20: {  	s16 =	sadd.s32 $0x1, s12;
	s13 =	smov.u32 s11;
	[sflag:s14] =	ssyncset.done @!p0 $0x0  }
0x21: {  	s12 =	smov.u32 s16;
	s11 =	smov.u32 s15;
	[sflag:s14] =	ssyncadd.s32 @!p0 $0xFFFFD8F0  }
.LBB2_1:
0x22: {  	p0 =	sge.u32 s12, s7  }
0x23: {  	s14 =	sxor.u32 @!p0 $0x1, s12  }
0x24: {  	s14 =	smul.u32 @!p0 $0x9C40, s14  }
0x25: {  	s31 =	sadd.s32 $0xFFFFFFFF, s12;
	s15 =	sshrl.u32 @!p0 s11, $0x3  }
0x26: {  	s16 =	sand.u32 @!p0 $0x7, s11;
	s15 =	sadd.s32 @!p0 s3, s15;
	s14 =	sshra.s32 @!p0 s14, $0x2  }
0x27: {  	[tilespmem:s14], [sflag:$0x2] =	stream.linear.gather @!p0 [hbm4b:s15+s16], $0x2710, $0x38;
	[tilespmem:$0x9C40] =	vst v63  }
0x28: {  	p0 =	sge.u32 s31, s7  }
.Ltmp2:
0x29: {  	_ = 	snop;
	(pc) =	sbr.rel @p0 .LBB2_5-.Ltmp2, $1  }
0x2a: {  	_ =	sdelay $0x3  }
0x2b: {  	s14 =	sand.u32 $0x1, s12  }
0x2c: {  	_ =	swait.ge [sflag:s6], $0x2710;
	p0 =	seq.s32 s14, $0x1;
	s14 =	simm.s32 $0x2710  }
0x2d: {  	[sflag:s6] =	ssyncset.done $0x0;
	s14 =	simm.s32 @!p0 $0x0  }
0x2e: {  	[sflag:s6] =	ssyncadd.s32 $0xFFFFD8F0;
	(ifvalue) =	ssetifvalue $0x7FFFFFFF;
	v0 =	vld.msk [tilespmem:s14+$0x0 ss:$0x1], $0xffff;
	_ =	sdelay $0x4  }
0x2f: {  	s15 =	sadd.s32 $0x10, s14;
	vm1 =	vgt.s32 v0, $0x0  }
0x30: {  	v2 =	vld.msk [tilespmem:s15+$0x0 ss:$0x1], $0xffff;
	v1 =	vnsel vm1, $0x0, v0  }
0x31: {  	v1 =	vmin.u32 v1, $0x61A7F;
	_ =	sdelay $0x2  }
0x32: {  	s17 =	simm.s32 $0x20;
	s14 =	sadd.s32 $0x4E20, s14;
	s16 =	sadd.s32 $0x10, s15  }
0x33: {  	s15 =	sadd.s32 $0x10, s14;
	s18 =	smov.u32 s14;
	v0 =	vld.msk [tilespmem:s16+$0x0 ss:$0x1], $0xffff;
	vm1 =	vgt.s32 v2, $0x0;
	(ifvalue) =	ssetifvalue $0x7FFFFFFF  }
.LBB2_3:
0x34: {  	[tilespmem:s18], [sflag:$0x1] =	stream.indirect_vreg.gather [hbm4b:s2+s10], $0x1, v1, vm0, $0x4038;
	[tilespmem:$0x9C40] =	vst v63  }
0x35: {  	s17 =	sadd.s32 $0x10, s17  }
0x36: {  	v2 =	vnsel vm1, $0x0, v2;
	p0 =	slt.u32 s17, $0x2700  }
.Ltmp3:
0x37: {  	s18 =	smov.u32 s15;
	v1 =	vmin.u32 v2, $0x61A7F;
	(pc) =	sbr.rel @p0 .LBB2_3-.Ltmp3, $3  }
0x38: {  	_ =	sdelay $0x1  }
0x39: {  	s16 =	sadd.s32 $0x10, s16  }
0x3a: {  	vm1 =	vgt.s32 v0, $0x0;
	s15 =	sadd.s32 $0x10, s15;
	v2 =	vmov v0;
	(ifvalue) =	ssetifvalue $0x7FFFFFFF;
	v0 =	vld.msk [tilespmem:s16+$0x0 ss:$0x1], $0xffff  }
.Ltmp4:
0x3b: {  	_ = 	snop;
	(pc) =	sbr.rel .LBB2_4-.Ltmp4, $1  }
0x3c: {  	_ =	sdelay $0x3  }
.LBB2_6:
0x3d: {  	_ =	sfence.sel $0x180000  }
0x3e: {  	s2 =	simm.s32 $0x2;
	[bflag:$0x0] =	sbarrier.arrive $0xFFFF  }
0x3f: {  	s30 =	simm.s32 $0x3;
	[sflag:s2] =	ssyncpa.u1 $0x1  }
0x40: {  	s31 =	simm.s32 $0x1;
	[sflag:s30] =	ssyncpa.u1 $0x1  }
0x41: {  	[sflag:s31] =	ssyncpa.u1 $0x1  }
0x42: {  	p0 =	sne.s32 s1, $0x0;
	_ =	strace $0x9000004D  }
0x43: {  	s0 =	sadd.s32 @!p0 $0x100000, s0;
	[bflag:$0x2] =	sbarrier.arrive $0xFFFF  }
0x44: {  	[sflag:s0] =	ssyncadd.tile.s32 @!p0 $0x1;
	_ =	shalt  }
.Lfunc_end2:
_tile_overlayer_lowered:
.L_overlay_start_2:
0x45: {  	(tag) =	ssettag $0x2  }
0x46: {  	s0 =	rddreg [dreg:$0x0];
	s2 =	stileid.u32  }
0x47: {  	s1 =	rddreg [dreg:$0x1];
	p0 =	sne.s32 s2, $0x0  }
0x48: {  	s3 =	rddreg [dreg:$0x2];
	[bflag:$0x3] =	sbarrier.arrive $0xFFFF;
	s2 =	simm.s32 @!p0 $0x1C01  }
0x49: {  	[timem:s3], [sflag:s2] =	dma.local @!p0 [hbm:s0], s1  }
0x4a: {  	s0 =	simm.s32 @!p0 $0x1  }
0x4b: {  	_ =	swait.ge @!p0 [sflag:s0], s1  }
0x4c: {  	s1 =	ssub.s32 @!p0 $0x0, s1;
	[sflag:s0] =	ssyncset.done @!p0 $0x0  }
0x4d: {  	[sflag:s0] =	ssyncadd.s32 @!p0 s1  }
0x4e: {  	[bflag:$0x3] =	sbarrier.arrive $0xFFFF  }
0x4f: {  	_ =	shalt  }

</sc_bundles>
